<compile_context>
chip_gen: v7x
topology: tpu7x:2x2x1
jax: 0.10.2.dev20260603
libtpu: 0.0.44.dev20260713+nightly
codegen_flags: <defaults>
</compile_context>

<pallas_src>
import functools

import jax
import jax.numpy as jnp
from jax import lax
from jax.experimental import pallas as pl
from jax.experimental.pallas import tpu as pltpu
from jax.experimental.pallas import tpu_sc as plsc

_INFO = plsc.get_sparse_core_info()
_NC = _INFO.num_cores
_NS = _INFO.num_subcores
_NW = _NC * _NS

_V = 1000000
_D = 32
_CA = 512
_NFULL = _V // _CA
_TAIL = _V - _NFULL * _CA
_B = 16384
_H = 50
_CB = _B // _NW


def _iota16():
    return lax.iota(jnp.int32, 16)


@jax.jit
def _transpose_table(wt, tail1d):
    mesh = plsc.VectorSubcoreMesh(core_axis_name="c", subcore_axis_name="s")

    @functools.partial(
        pl.kernel,
        mesh=mesh,
        out_type=jax.ShapeDtypeStruct((_V * _D,), jnp.float32),
        scratch_types=[
            [pltpu.VMEM((_D, _CA), jnp.float32) for _ in range(2)],
            [pltpu.VMEM((_CA * _D,), jnp.float32) for _ in range(2)],
            [pltpu.SemaphoreType.DMA for _ in range(2)],
            [pltpu.SemaphoreType.DMA for _ in range(2)],
        ],
        compiler_params=pltpu.CompilerParams(needs_layout_passes=False),
    )
    def k(wt_hbm, tail_hbm, w1d_hbm, inb, outb, sem_i, sem_o):
        wid = lax.axis_index("s") * _NC + lax.axis_index("c")
        nw = (_NFULL - 1 - wid) // _NW + 1
        iota32 = _iota16() * _D

        def chunk_of(j):
            return wid + _NW * j

        def in_copy(j, p):
            v0 = chunk_of(j) * _CA
            return pltpu.make_async_copy(
                wt_hbm.at[:, pl.ds(v0, _CA)], inb[p], sem_i[p])

        def out_copy(j, p):
            o0 = chunk_of(j) * _CA * _D
            return pltpu.make_async_copy(
                outb[p], w1d_hbm.at[pl.ds(o0, _CA * _D)], sem_o[p])

        in_copy(0, 0).start()
        in_copy(1, 1).start()

        def transpose_chunk(p):
            @plsc.parallel_loop(0, _CA // 16, unroll=4)
            def g_loop(g):
                base = g * (16 * _D)
                for e in range(_D):
                    vals = inb[p][e, pl.ds(g * 16, 16)]
                    plsc.store_scatter(outb[p], [iota32 + (base + e)], vals)

        @pl.loop(0, 31)
        def j_loop(i):
            for p in range(2):
                j = 2 * i + p

                @pl.when(j < nw)
                def _():
                    in_copy(j, p).wait()

                    @pl.when(j >= 2)
                    def _():
                        out_copy(j - 2, p).wait()

                    transpose_chunk(p)
                    out_copy(j, p).start()

                    @pl.when(j + 2 < nw)
                    def _():
                        in_copy(j + 2, p).start()

        out_copy(nw - 2, 0).wait()
        out_copy(nw - 1, 1).wait()

        @pl.when(wid == 1)
        def _():
            pltpu.sync_copy(tail_hbm, outb[0].at[pl.ds(0, _TAIL * _D)])
            pltpu.sync_copy(outb[0].at[pl.ds(0, _TAIL * _D)],
                            w1d_hbm.at[pl.ds(_NFULL * _CA * _D, _TAIL * _D)])

    return k(wt, tail1d)


@jax.jit
def _gather_to_native(w2d, xt):
    mesh = plsc.VectorSubcoreMesh(core_axis_name="c", subcore_axis_name="s")

    @functools.partial(
        pl.kernel,
        mesh=mesh,
        out_type=jax.ShapeDtypeStruct((_H, _D // 8, (_B // 128) * 8 * 128),
                                      jnp.float32),
        scratch_types=[
            pltpu.VMEM((_H, _CB), jnp.int32),
            [pltpu.VMEM((_CB, _D), jnp.float32) for _ in range(2)],
            [pltpu.VMEM((_D // 8, (_CB // 128) * 8 * 128), jnp.float32)
             for _ in range(2)],
            [pltpu.SemaphoreType.DMA for _ in range(2)],
            [pltpu.SemaphoreType.DMA for _ in range(2)],
        ],
        compiler_params=pltpu.CompilerParams(use_tc_tiling_on_sc=False,
                                             needs_layout_passes=False),
    )
    def k(w_hbm, xt_hbm, out_hbm, idx_all, rows, slab, sem_g, sem_s):
        wid = lax.axis_index("s") * _NC + lax.axis_index("c")
        b0 = wid * _CB
        iota = _iota16()

        pltpu.sync_copy(xt_hbm.at[:, pl.ds(b0, _CB)], idx_all)

        def gather(h, p):
            return pltpu.make_async_copy(
                w_hbm.at[idx_all.at[h]], rows[p], sem_g[p])

        def out_copies(h, p):
            return [
                pltpu.make_async_copy(
                    slab[p].at[ti],
                    out_hbm.at[h, ti, pl.ds(wid * (_CB // 128) * 1024,
                                            (_CB // 128) * 1024)],
                    sem_s[p])
                for ti in range(_D // 8)
            ]

        gather(0, 0).start()
        gather(1, 1).start()

        def assemble(p):
            @plsc.parallel_loop(0, _CB // 16, unroll=4)
            def g_loop(g):
                rowvec = iota + g * 16
                gofs = (g // 8) * 1024 + (g % 8) * 16
                for e in range(_D):
                    colvec = jnp.full((16,), e, jnp.int32)
                    vals = plsc.load_gather(rows[p], [rowvec, colvec])
                    slab[p][e // 8, pl.ds(gofs + (e % 8) * 128, 16)] = vals

        @pl.loop(0, _H // 2)
        def h_loop(i):
            for p in range(2):
                h = 2 * i + p
                gather(h, p).wait()

                @pl.when(i >= 1)
                def _():
                    for c in out_copies(h - 2, p):
                        c.wait()

                assemble(p)
                for c in out_copies(h, p):
                    c.start()

                @pl.when(i < _H // 2 - 1)
                def _():
                    gather(h + 2, p).start()

        for p in range(2):
            for c in out_copies(_H - 2 + p, p):
                c.wait()

    return k(w2d, xt)


def kernel(x, W):
    wt = W.T
    tail1d = W[_NFULL * _CA:].reshape(_TAIL * _D)
    w1d = _transpose_table(wt, tail1d)
    w2d = w1d.reshape(_V, _D)
    xt = x.T
    out3 = _gather_to_native(w2d, xt)
    out = (out3.reshape(_H, _D // 8, _B // 128, 8, 128)
           .transpose(2, 4, 0, 1, 3)
           .reshape(_B, _H, _D))
    return out

# --- scband reference (transcript-rebuilt; emitter-appended) ---
"""Pipeline reference for scband-embed-23115513987277 (READ-ONLY COPY).

The authoritative reference and input builder live on the scoring server;
editing this copy changes nothing except your own understanding.
"""

import jax, jax.numpy as jnp
import numpy as np

D_VOCAB = 1000000
D_EMBED = 32
STD = 0.02
BATCH = 16384
HIST = 50

def setup_inputs(seed: int = 0) -> dict:
    key = jax.random.key(seed)
    k_w, k_x = jax.random.split(key, 2)
    W = jax.random.normal(k_w, (D_VOCAB, D_EMBED), dtype=jnp.float32) * STD
    x = jax.random.randint(k_x, (BATCH, HIST), 0, D_VOCAB, dtype=jnp.int64 if jax.config.jax_enable_x64 else jnp.int32).astype(jnp.int32)
    return {"x": x, "W": W}

def reference(x, W):
    # Faithful translation of Embed.__call__: return self.W[x]
    return jnp.take(W, x, axis=0)

if __name__ == "__main__":
    import jax
    _d = setup_inputs()
    print(jax.jit(kernel)(*tuple(_d.values())))

</pallas_src>

<mosaic_0001>
#map = affine_map<(d0, d1) -> (0, 0)>
#map1 = affine_map<(d0, d1) -> (0)>
module attributes {stable_mosaic.version = 14 : i64} {
  func.func @k(%arg0: i32, %arg1: i32, %arg2: memref<32x1000000xf32, #tpu.memory_space<hbm>>, %arg3: memref<2048xf32, #tpu.memory_space<hbm>>, %arg4: memref<32000000xf32, #tpu.memory_space<hbm>>, %arg5: memref<32x512xf32, #tpu.memory_space<vmem>>, %arg6: memref<32x512xf32, #tpu.memory_space<vmem>>, %arg7: memref<16384xf32, #tpu.memory_space<vmem>>, %arg8: memref<16384xf32, #tpu.memory_space<vmem>>, %arg9: memref<!tpu.dma_semaphore, #tpu.memory_space<semaphore_mem>>, %arg10: memref<!tpu.dma_semaphore, #tpu.memory_space<semaphore_mem>>, %arg11: memref<!tpu.dma_semaphore, #tpu.memory_space<semaphore_mem>>, %arg12: memref<!tpu.dma_semaphore, #tpu.memory_space<semaphore_mem>>) attributes {dimension_semantics = [#tpu.dimension_semantics<core_parallel>, #tpu.dimension_semantics<subcore_parallel>], iteration_bounds = array<i64: 2, 16>, scalar_prefetch = 0 : i64, scratch_operands = 8 : i64, tpu.core_type = #tpu.core_type<sc_vector_subcore>, window_params = [{transform_indices = #map}, {transform_indices = #map1}, {transform_indices = #map1}]} {
    %mul3A = arith.constant 2 : i32
    %mul3A_0 = arith.muli %arg1, %mul3A : i32
    %add3A = arith.addi %mul3A_0, %arg0 : i32
    %sub3A = arith.constant 1952 : i32
    %sub3A_1 = arith.subi %sub3A, %add3A : i32
    %jit3A = arith.constant 32 : i32
    %div3A = arith.divsi %sub3A_1, %jit3A : i32
    %sign3A = arith.constant 0 : i32
    %sign3A_2 = arith.cmpi sgt, %sub3A_1, %sign3A : i32
    %sign3A_3 = arith.extui %sign3A_2 : i1 to i32
    %sign3A_4 = arith.constant 0 : i32
    %sign3A_5 = arith.cmpi slt, %sub3A_1, %sign3A_4 : i32
    %sign3A_6 = arith.extui %sign3A_5 : i1 to i32
    %sign3A_7 = arith.subi %sign3A_3, %sign3A_6 : i32
    %sign3A_8 = arith.constant 0 : i32
    %sign3A_9 = arith.cmpi sgt, %jit3A, %sign3A_8 : i32
    %sign3A_10 = arith.extui %sign3A_9 : i1 to i32
    %sign3A_11 = arith.constant 0 : i32
    %sign3A_12 = arith.cmpi slt, %jit3A, %sign3A_11 : i32
    %sign3A_13 = arith.extui %sign3A_12 : i1 to i32
    %sign3A_14 = arith.subi %sign3A_10, %sign3A_13 : i32
    %ne3A = arith.cmpi ne, %sign3A_7, %sign3A_14 : i32
    %rem3A = arith.remsi %sub3A_1, %jit3A : i32
    %ne3A_15 = arith.constant 0 : i32
    %ne3A_16 = arith.cmpi ne, %rem3A, %ne3A_15 : i32
    %and3A = arith.andi %ne3A, %ne3A_16 : i1
    %sub3A_17 = arith.constant 1 : i32
    %sub3A_18 = arith.subi %div3A, %sub3A_17 : i32
    %select_n3A = arith.select %and3A, %sub3A_18, %div3A : i32
    %add3A_19 = arith.constant 1 : i32
    %add3A_20 = arith.addi %select_n3A, %add3A_19 : i32
    %iota3A = tpu.iota {dimensions = array<i32: 0>} : vector<16xi32>
    %mul3A_21 = arith.constant 32 : i32
    %mul3A_22 = vector.broadcast %mul3A_21 : i32 to vector<16xi32>
    %mul3A_23 = arith.muli %iota3A, %mul3A_22 : vector<16xi32>
    %add3A_24 = arith.constant 0 : i32
    %add3A_25 = arith.addi %add3A, %add3A_24 : i32
    %mul3A_26 = arith.constant 512 : i32
    %mul3A_27 = arith.muli %add3A_25, %mul3A_26 : i32
    %dma_start3A = arith.constant 0 : i32
    %dma_start3A_28 = tpu.memref_slice %arg2[%dma_start3A, %mul3A_27] : memref<32x1000000xf32, #tpu.memory_space<hbm>> -> memref<32x512xf32, #tpu.memory_space<hbm>>
    %dma_start3A_29 = arith.constant 0 : i32
    %dma_start3A_30 = tpu.memref_slice %arg2[%dma_start3A_29, %mul3A_27] : memref<32x1000000xf32, #tpu.memory_space<hbm>> -> memref<32x512xf32, #tpu.memory_space<hbm>>
    tpu.enqueue_dma source(%dma_start3A_30 : memref<32x512xf32, #tpu.memory_space<hbm>>) target(%arg5 : memref<32x512xf32, #tpu.memory_space<vmem>>) target_semaphore(%arg9 : memref<!tpu.dma_semaphore, #tpu.memory_space<semaphore_mem>>)
    %add3A_31 = arith.constant 32 : i32
    %add3A_32 = arith.addi %add3A, %add3A_31 : i32
    %mul3A_33 = arith.constant 512 : i32
    %mul3A_34 = arith.muli %add3A_32, %mul3A_33 : i32
    %dma_start3A_35 = arith.constant 0 : i32
    %dma_start3A_36 = tpu.memref_slice %arg2[%dma_start3A_35, %mul3A_34] : memref<32x1000000xf32, #tpu.memory_space<hbm>> -> memref<32x512xf32, #tpu.memory_space<hbm>>
    %dma_start3A_37 = arith.constant 0 : i32
    %dma_start3A_38 = tpu.memref_slice %arg2[%dma_start3A_37, %mul3A_34] : memref<32x1000000xf32, #tpu.memory_space<hbm>> -> memref<32x512xf32, #tpu.memory_space<hbm>>
    tpu.enqueue_dma source(%dma_start3A_38 : memref<32x512xf32, #tpu.memory_space<hbm>>) target(%arg6 : memref<32x512xf32, #tpu.memory_space<vmem>>) target_semaphore(%arg10 : memref<!tpu.dma_semaphore, #tpu.memory_space<semaphore_mem>>)
    %scan3A = arith.constant 0 : i32
    %scan3A_39 = arith.constant 31 : i32
    %scan3A_40 = arith.addi %scan3A, %scan3A_39 : i32
    %scan3A_41 = arith.constant 1 : i32
    scf.for %scan3A_66 = %scan3A to %scan3A_40 step %scan3A_41  : i32 {
      %mul3A_67 = arith.constant 1 : i32
      %mul3A_68 = arith.muli %scan3A_66, %mul3A_67 : i32
      %add3A_69 = arith.constant 0 : i32
      %add3A_70 = arith.addi %add3A_69, %mul3A_68 : i32
      %mul3A_71 = arith.constant 2 : i32
      %mul3A_72 = arith.muli %mul3A_71, %add3A_70 : i32
      %add3A_73 = arith.constant 0 : i32
      %add3A_74 = arith.addi %mul3A_72, %add3A_73 : i32
      %lt3A = arith.cmpi slt, %add3A_74, %add3A_20 : i32
      %convert_element_type3A_75 = arith.extui %lt3A : i1 to i32
      %cond3A_76 = arith.constant 0 : i32
      %cond3A_77 = arith.cmpi ne, %convert_element_type3A_75, %cond3A_76 : i32
      scf.if %cond3A_77 {
        %mul3A_86 = arith.constant 32 : i32
        %mul3A_87 = arith.muli %mul3A_86, %add3A_74 : i32
        %add3A_88 = arith.addi %add3A, %mul3A_87 : i32
        %mul3A_89 = arith.constant 512 : i32
        %mul3A_90 = arith.muli %add3A_88, %mul3A_89 : i32
        %dma_wait3A_91 = arith.constant 0 : i32
        %dma_wait3A_92 = tpu.memref_slice %arg2[%dma_wait3A_91, %mul3A_90] : memref<32x1000000xf32, #tpu.memory_space<hbm>> -> memref<32x512xf32, #tpu.memory_space<hbm>>
        %dma_wait3A_93 = arith.constant 0 : i32
        %dma_wait3A_94 = tpu.memref_slice %arg2[%dma_wait3A_93, %mul3A_90] : memref<32x1000000xf32, #tpu.memory_space<hbm>> -> memref<32x512xf32, #tpu.memory_space<hbm>>
        tpu.wait_dma2 semaphore(%arg9 : memref<!tpu.dma_semaphore, #tpu.memory_space<semaphore_mem>>) src(%dma_wait3A_94 : memref<32x512xf32, #tpu.memory_space<hbm>>) dst(%arg5 : memref<32x512xf32, #tpu.memory_space<vmem>>)
        %ge3A = arith.constant 2 : i32
        %ge3A_95 = arith.cmpi sge, %add3A_74, %ge3A : i32
        %convert_element_type3A_96 = arith.extui %ge3A_95 : i1 to i32
        %cond3A_97 = arith.constant 0 : i32
        %cond3A_98 = arith.cmpi ne, %convert_element_type3A_96, %cond3A_97 : i32
        scf.if %cond3A_98 {
          %sub3A_116 = arith.constant 2 : i32
          %sub3A_117 = arith.subi %add3A_74, %sub3A_116 : i32
          %mul3A_118 = arith.constant 32 : i32
          %mul3A_119 = arith.muli %mul3A_118, %sub3A_117 : i32
          %add3A_120 = arith.addi %add3A, %mul3A_119 : i32
          %mul3A_121 = arith.constant 512 : i32
          %mul3A_122 = arith.muli %add3A_120, %mul3A_121 : i32
          %mul3A_123 = arith.constant 32 : i32
          %mul3A_124 = arith.muli %mul3A_122, %mul3A_123 : i32
          %dma_wait3A_125 = tpu.memref_slice %arg4[%mul3A_124] : memref<32000000xf32, #tpu.memory_space<hbm>> -> memref<16384xf32, #tpu.memory_space<hbm>>
          %dma_wait3A_126 = tpu.memref_slice %arg4[%mul3A_124] : memref<32000000xf32, #tpu.memory_space<hbm>> -> memref<16384xf32, #tpu.memory_space<hbm>>
          tpu.wait_dma2 semaphore(%arg11 : memref<!tpu.dma_semaphore, #tpu.memory_space<semaphore_mem>>) src(%arg7 : memref<16384xf32, #tpu.memory_space<vmem>>) dst(%dma_wait3A_126 : memref<16384xf32, #tpu.memory_space<hbm>>)
        } else {
        }
        %parallel_loop3A = arith.constant 0 : i32
        %parallel_loop3A_99 = arith.constant 32 : i32
        %parallel_loop3A_100 = arith.constant 1 : i32
        scf.for %parallel_loop3A_116 = %parallel_loop3A to %parallel_loop3A_99 step %parallel_loop3A_100  : i32 {
          %parallel_loop3A_117 = arith.constant 512 : i32
          %parallel_loop3A_118 = arith.muli %parallel_loop3A_116, %parallel_loop3A_117 : i32
          %parallel_loop3A_119 = arith.constant 16 : i32
          %parallel_loop3A_120 = arith.muli %parallel_loop3A_116, %parallel_loop3A_119 : i32
          %parallel_loop3A_121 = arith.constant 0 : i32
          %parallel_loop3A_122 = arith.index_cast %parallel_loop3A_121 : i32 to index
          %parallel_loop3A_123 = arith.index_cast %parallel_loop3A_120 : i32 to index
          %parallel_loop3A_124 = tpu.vector_load %arg5[%parallel_loop3A_122, %parallel_loop3A_123] {strides = array<i32>} : memref<32x512xf32, #tpu.memory_space<vmem>>, vector<16xf32>,
          %parallel_loop3A_125 = arith.constant 0 : i32
          %parallel_loop3A_126 = arith.addi %parallel_loop3A_118, %parallel_loop3A_125 : i32
          %parallel_loop3A_127 = vector.broadcast %parallel_loop3A_126 : i32 to vector<16xi32>
          %parallel_loop3A_128 = arith.addi %mul3A_23, %parallel_loop3A_127 : vector<16xi32>
          tpu.vector_store_idx %arg7[%parallel_loop3A_128], %parallel_loop3A_124 : memref<16384xf32, #tpu.memory_space<vmem>>[vector<16xi32>], vector<16xf32>,
          %parallel_loop3A_129 = arith.constant 16 : i32
          %parallel_loop3A_130 = arith.muli %parallel_loop3A_116, %parallel_loop3A_129 : i32
          %parallel_loop3A_131 = arith.constant 1 : i32
          %parallel_loop3A_132 = arith.index_cast %parallel_loop3A_131 : i32 to index
          %parallel_loop3A_133 = arith.index_cast %parallel_loop3A_130 : i32 to index
          %parallel_loop3A_134 = tpu.vector_load %arg5[%parallel_loop3A_132, %parallel_loop3A_133] {strides = array<i32>} : memref<32x512xf32, #tpu.memory_space<vmem>>, vector<16xf32>,
          %parallel_loop3A_135 = arith.constant 1 : i32
          %parallel_loop3A_136 = arith.addi %parallel_loop3A_118, %parallel_loop3A_135 : i32
          %parallel_loop3A_137 = vector.broadcast %parallel_loop3A_136 : i32 to vector<16xi32>
          %parallel_loop3A_138 = arith.addi %mul3A_23, %parallel_loop3A_137 : vector<16xi32>
          tpu.vector_store_idx %arg7[%parallel_loop3A_138], %parallel_loop3A_134 : memref<16384xf32, #tpu.memory_space<vmem>>[vector<16xi32>], vector<16xf32>,
          %parallel_loop3A_139 = arith.constant 16 : i32
          %parallel_loop3A_140 = arith.muli %parallel_loop3A_116, %parallel_loop3A_139 : i32
          %parallel_loop3A_141 = arith.constant 2 : i32
          %parallel_loop3A_142 = arith.index_cast %parallel_loop3A_141 : i32 to index
          %parallel_loop3A_143 = arith.index_cast %parallel_loop3A_140 : i32 to index
          %parallel_loop3A_144 = tpu.vector_load %arg5[%parallel_loop3A_142, %parallel_loop3A_143] {strides = array<i32>} : memref<32x512xf32, #tpu.memory_space<vmem>>, vector<16xf32>,
          %parallel_loop3A_145 = arith.constant 2 : i32
          %parallel_loop3A_146 = arith.addi %parallel_loop3A_118, %parallel_loop3A_145 : i32
          %parallel_loop3A_147 = vector.broadcast %parallel_loop3A_146 : i32 to vector<16xi32>
          %parallel_loop3A_148 = arith.addi %mul3A_23, %parallel_loop3A_147 : vector<16xi32>
          tpu.vector_store_idx %arg7[%parallel_loop3A_148], %parallel_loop3A_144 : memref<16384xf32, #tpu.memory_space<vmem>>[vector<16xi32>], vector<16xf32>,
          %parallel_loop3A_149 = arith.constant 16 : i32
          %parallel_loop3A_150 = arith.muli %parallel_loop3A_116, %parallel_loop3A_149 : i32
          %parallel_loop3A_151 = arith.constant 3 : i32
          %parallel_loop3A_152 = arith.index_cast %parallel_loop3A_151 : i32 to index
          %parallel_loop3A_153 = arith.index_cast %parallel_loop3A_150 : i32 to index
          %parallel_loop3A_154 = tpu.vector_load %arg5[%parallel_loop3A_152, %parallel_loop3A_153] {strides = array<i32>} : memref<32x512xf32, #tpu.memory_space<vmem>>, vector<16xf32>,
          %parallel_loop3A_155 = arith.constant 3 : i32
          %parallel_loop3A_156 = arith.addi %parallel_loop3A_118, %parallel_loop3A_155 : i32
          %parallel_loop3A_157 = vector.broadcast %parallel_loop3A_156 : i32 to vector<16xi32>
          %parallel_loop3A_158 = arith.addi %mul3A_23, %parallel_loop3A_157 : vector<16xi32>
          tpu.vector_store_idx %arg7[%parallel_loop3A_158], %parallel_loop3A_154 : memref<16384xf32, #tpu.memory_space<vmem>>[vector<16xi32>], vector<16xf32>,
          %parallel_loop3A_159 = arith.constant 16 : i32
          %parallel_loop3A_160 = arith.muli %parallel_loop3A_116, %parallel_loop3A_159 : i32
          %parallel_loop3A_161 = arith.constant 4 : i32
          %parallel_loop3A_162 = arith.index_cast %parallel_loop3A_161 : i32 to index
          %parallel_loop3A_163 = arith.index_cast %parallel_loop3A_160 : i32 to index
          %parallel_loop3A_164 = tpu.vector_load %arg5[%parallel_loop3A_162, %parallel_loop3A_163] {strides = array<i32>} : memref<32x512xf32, #tpu.memory_space<vmem>>, vector<16xf32>,
          %parallel_loop3A_165 = arith.constant 4 : i32
          %parallel_loop3A_166 = arith.addi %parallel_loop3A_118, %parallel_loop3A_165 : i32
          %parallel_loop3A_167 = vector.broadcast %parallel_loop3A_166 : i32 to vector<16xi32>
          %parallel_loop3A_168 = arith.addi %mul3A_23, %parallel_loop3A_167 : vector<16xi32>
          tpu.vector_store_idx %arg7[%parallel_loop3A_168], %parallel_loop3A_164 : memref<16384xf32, #tpu.memory_space<vmem>>[vector<16xi32>], vector<16xf32>,
          %parallel_loop3A_169 = arith.constant 16 : i32
          %parallel_loop3A_170 = arith.muli %parallel_loop3A_116, %parallel_loop3A_169 : i32
          %parallel_loop3A_171 = arith.constant 5 : i32
          %parallel_loop3A_172 = arith.index_cast %parallel_loop3A_171 : i32 to index
          %parallel_loop3A_173 = arith.index_cast %parallel_loop3A_170 : i32 to index
          %parallel_loop3A_174 = tpu.vector_load %arg5[%parallel_loop3A_172, %parallel_loop3A_173] {strides = array<i32>} : memref<32x512xf32, #tpu.memory_space<vmem>>, vector<16xf32>,
          %parallel_loop3A_175 = arith.constant 5 : i32
          %parallel_loop3A_176 = arith.addi %parallel_loop3A_118, %parallel_loop3A_175 : i32
          %parallel_loop3A_177 = vector.broadcast %parallel_loop3A_176 : i32 to vector<16xi32>
          %parallel_loop3A_178 = arith.addi %mul3A_23, %parallel_loop3A_177 : vector<16xi32>
          tpu.vector_store_idx %arg7[%parallel_loop3A_178], %parallel_loop3A_174 : memref<16384xf32, #tpu.memory_space<vmem>>[vector<16xi32>], vector<16xf32>,
          %parallel_loop3A_179 = arith.constant 16 : i32
          %parallel_loop3A_180 = arith.muli %parallel_loop3A_116, %parallel_loop3A_179 : i32
          %parallel_loop3A_181 = arith.constant 6 : i32
          %parallel_loop3A_182 = arith.index_cast %parallel_loop3A_181 : i32 to index
          %parallel_loop3A_183 = arith.index_cast %parallel_loop3A_180 : i32 to index
          %parallel_loop3A_184 = tpu.vector_load %arg5[%parallel_loop3A_182, %parallel_loop3A_183] {strides = array<i32>} : memref<32x512xf32, #tpu.memory_space<vmem>>, vector<16xf32>,
          %parallel_loop3A_185 = arith.constant 6 : i32
          %parallel_loop3A_186 = arith.addi %parallel_loop3A_118, %parallel_loop3A_185 : i32
          %parallel_loop3A_187 = vector.broadcast %parallel_loop3A_186 : i32 to vector<16xi32>
          %parallel_loop3A_188 = arith.addi %mul3A_23, %parallel_loop3A_187 : vector<16xi32>
          tpu.vector_store_idx %arg7[%parallel_loop3A_188], %parallel_loop3A_184 : memref<16384xf32, #tpu.memory_space<vmem>>[vector<16xi32>], vector<16xf32>,
          %parallel_loop3A_189 = arith.constant 16 : i32
          %parallel_loop3A_190 = arith.muli %parallel_loop3A_116, %parallel_loop3A_189 : i32
          %parallel_loop3A_191 = arith.constant 7 : i32
          %parallel_loop3A_192 = arith.index_cast %parallel_loop3A_191 : i32 to index
          %parallel_loop3A_193 = arith.index_cast %parallel_loop3A_190 : i32 to index
          %parallel_loop3A_194 = tpu.vector_load %arg5[%parallel_loop3A_192, %parallel_loop3A_193] {strides = array<i32>} : memref<32x512xf32, #tpu.memory_space<vmem>>, vector<16xf32>,
          %parallel_loop3A_195 = arith.constant 7 : i32
          %parallel_loop3A_196 = arith.addi %parallel_loop3A_118, %parallel_loop3A_195 : i32
          %parallel_loop3A_197 = vector.broadcast %parallel_loop3A_196 : i32 to vector<16xi32>
          %parallel_loop3A_198 = arith.addi %mul3A_23, %parallel_loop3A_197 : vector<16xi32>
          tpu.vector_store_idx %arg7[%parallel_loop3A_198], %parallel_loop3A_194 : memref<16384xf32, #tpu.memory_space<vmem>>[vector<16xi32>], vector<16xf32>,
          %parallel_loop3A_199 = arith.constant 16 : i32
          %parallel_loop3A_200 = arith.muli %parallel_loop3A_116, %parallel_loop3A_199 : i32
          %parallel_loop3A_201 = arith.constant 8 : i32
          %parallel_loop3A_202 = arith.index_cast %parallel_loop3A_201 : i32 to index
          %parallel_loop3A_203 = arith.index_cast %parallel_loop3A_200 : i32 to index
          %parallel_loop3A_204 = tpu.vector_load %arg5[%parallel_loop3A_202, %parallel_loop3A_203] {strides = array<i32>} : memref<32x512xf32, #tpu.memory_space<vmem>>, vector<16xf32>,
          %parallel_loop3A_205 = arith.constant 8 : i32
          %parallel_loop3A_206 = arith.addi %parallel_loop3A_118, %parallel_loop3A_205 : i32
          %parallel_loop3A_207 = vector.broadcast %parallel_loop3A_206 : i32 to vector<16xi32>
          %parallel_loop3A_208 = arith.addi %mul3A_23, %parallel_loop3A_207 : vector<16xi32>
          tpu.vector_store_idx %arg7[%parallel_loop3A_208], %parallel_loop3A_204 : memref<16384xf32, #tpu.memory_space<vmem>>[vector<16xi32>], vector<16xf32>,
          %parallel_loop3A_209 = arith.constant 16 : i32
          %parallel_loop3A_210 = arith.muli %parallel_loop3A_116, %parallel_loop3A_209 : i32
          %parallel_loop3A_211 = arith.constant 9 : i32
          %parallel_loop3A_212 = arith.index_cast %parallel_loop3A_211 : i32 to index
          %parallel_loop3A_213 = arith.index_cast %parallel_loop3A_210 : i32 to index
          %parallel_loop3A_214 = tpu.vector_load %arg5[%parallel_loop3A_212, %parallel_loop3A_213] {strides = array<i32>} : memref<32x512xf32, #tpu.memory_space<vmem>>, vector<16xf32>,
          %parallel_loop3A_215 = arith.constant 9 : i32
          %parallel_loop3A_216 = arith.addi %parallel_loop3A_118, %parallel_loop3A_215 : i32
          %parallel_loop3A_217 = vector.broadcast %parallel_loop3A_216 : i32 to vector<16xi32>
          %parallel_loop3A_218 = arith.addi %mul3A_23, %parallel_loop3A_217 : vector<16xi32>
          tpu.vector_store_idx %arg7[%parallel_loop3A_218], %parallel_loop3A_214 : memref<16384xf32, #tpu.memory_space<vmem>>[vector<16xi32>], vector<16xf32>,
          %parallel_loop3A_219 = arith.constant 16 : i32
          %parallel_loop3A_220 = arith.muli %parallel_loop3A_116, %parallel_loop3A_219 : i32
          %parallel_loop3A_221 = arith.constant 10 : i32
          %parallel_loop3A_222 = arith.index_cast %parallel_loop3A_221 : i32 to index
          %parallel_loop3A_223 = arith.index_cast %parallel_loop3A_220 : i32 to index
          %parallel_loop3A_224 = tpu.vector_load %arg5[%parallel_loop3A_222, %parallel_loop3A_223] {strides = array<i32>} : memref<32x512xf32, #tpu.memory_space<vmem>>, vector<16xf32>,
          %parallel_loop3A_225 = arith.constant 10 : i32
          %parallel_loop3A_226 = arith.addi %parallel_loop3A_118, %parallel_loop3A_225 : i32
          %parallel_loop3A_227 = vector.broadcast %parallel_loop3A_226 : i32 to vector<16xi32>
          %parallel_loop3A_228 = arith.addi %mul3A_23, %parallel_loop3A_227 : vector<16xi32>
          tpu.vector_store_idx %arg7[%parallel_loop3A_228], %parallel_loop3A_224 : memref<16384xf32, #tpu.memory_space<vmem>>[vector<16xi32>], vector<16xf32>,
          %parallel_loop3A_229 = arith.constant 16 : i32
          %parallel_loop3A_230 = arith.muli %parallel_loop3A_116, %parallel_loop3A_229 : i32
          %parallel_loop3A_231 = arith.constant 11 : i32
          %parallel_loop3A_232 = arith.index_cast %parallel_loop3A_231 : i32 to index
          %parallel_loop3A_233 = arith.index_cast %parallel_loop3A_230 : i32 to index
          %parallel_loop3A_234 = tpu.vector_load %arg5[%parallel_loop3A_232, %parallel_loop3A_233] {strides = array<i32>} : memref<32x512xf32, #tpu.memory_space<vmem>>, vector<16xf32>,
          %parallel_loop3A_235 = arith.constant 11 : i32
          %parallel_loop3A_236 = arith.addi %parallel_loop3A_118, %parallel_loop3A_235 : i32
          %parallel_loop3A_237 = vector.broadcast %parallel_loop3A_236 : i32 to vector<16xi32>
          %parallel_loop3A_238 = arith.addi %mul3A_23, %parallel_loop3A_237 : vector<16xi32>
          tpu.vector_store_idx %arg7[%parallel_loop3A_238], %parallel_loop3A_234 : memref<16384xf32, #tpu.memory_space<vmem>>[vector<16xi32>], vector<16xf32>,
          %parallel_loop3A_239 = arith.constant 16 : i32
          %parallel_loop3A_240 = arith.muli %parallel_loop3A_116, %parallel_loop3A_239 : i32
          %parallel_loop3A_241 = arith.constant 12 : i32
          %parallel_loop3A_242 = arith.index_cast %parallel_loop3A_241 : i32 to index
          %parallel_loop3A_243 = arith.index_cast %parallel_loop3A_240 : i32 to index
          %parallel_loop3A_244 = tpu.vector_load %arg5[%parallel_loop3A_242, %parallel_loop3A_243] {strides = array<i32>} : memref<32x512xf32, #tpu.memory_space<vmem>>, vector<16xf32>,
          %parallel_loop3A_245 = arith.constant 12 : i32
          %parallel_loop3A_246 = arith.addi %parallel_loop3A_118, %parallel_loop3A_245 : i32
          %parallel_loop3A_247 = vector.broadcast %parallel_loop3A_246 : i32 to vector<16xi32>
          %parallel_loop3A_248 = arith.addi %mul3A_23, %parallel_loop3A_247 : vector<16xi32>
          tpu.vector_store_idx %arg7[%parallel_loop3A_248], %parallel_loop3A_244 : memref<16384xf32, #tpu.memory_space<vmem>>[vector<16xi32>], vector<16xf32>,
          %parallel_loop3A_249 = arith.constant 16 : i32
          %parallel_loop3A_250 = arith.muli %parallel_loop3A_116, %parallel_loop3A_249 : i32
          %parallel_loop3A_251 = arith.constant 13 : i32
          %parallel_loop3A_252 = arith.index_cast %parallel_loop3A_251 : i32 to index
          %parallel_loop3A_253 = arith.index_cast %parallel_loop3A_250 : i32 to index
          %parallel_loop3A_254 = tpu.vector_load %arg5[%parallel_loop3A_252, %parallel_loop3A_253] {strides = array<i32>} : memref<32x512xf32, #tpu.memory_space<vmem>>, vector<16xf32>,
          %parallel_loop3A_255 = arith.constant 13 : i32
          %parallel_loop3A_256 = arith.addi %parallel_loop3A_118, %parallel_loop3A_255 : i32
          %parallel_loop3A_257 = vector.broadcast %parallel_loop3A_256 : i32 to vector<16xi32>
          %parallel_loop3A_258 = arith.addi %mul3A_23, %parallel_loop3A_257 : vector<16xi32>
          tpu.vector_store_idx %arg7[%parallel_loop3A_258], %parallel_loop3A_254 : memref<16384xf32, #tpu.memory_space<vmem>>[vector<16xi32>], vector<16xf32>,
          %parallel_loop3A_259 = arith.constant 16 : i32
          %parallel_loop3A_260 = arith.muli %parallel_loop3A_116, %parallel_loop3A_259 : i32
          %parallel_loop3A_261 = arith.constant 14 : i32
          %parallel_loop3A_262 = arith.index_cast %parallel_loop3A_261 : i32 to index
          %parallel_loop3A_263 = arith.index_cast %parallel_loop3A_260 : i32 to index
          %parallel_loop3A_264 = tpu.vector_load %arg5[%parallel_loop3A_262, %parallel_loop3A_263] {strides = array<i32>} : memref<32x512xf32, #tpu.memory_space<vmem>>, vector<16xf32>,
          %parallel_loop3A_265 = arith.constant 14 : i32
          %parallel_loop3A_266 = arith.addi %parallel_loop3A_118, %parallel_loop3A_265 : i32
          %parallel_loop3A_267 = vector.broadcast %parallel_loop3A_266 : i32 to vector<16xi32>
          %parallel_loop3A_268 = arith.addi %mul3A_23, %parallel_loop3A_267 : vector<16xi32>
          tpu.vector_store_idx %arg7[%parallel_loop3A_268], %parallel_loop3A_264 : memref<16384xf32, #tpu.memory_space<vmem>>[vector<16xi32>], vector<16xf32>,
          %parallel_loop3A_269 = arith.constant 16 : i32
          %parallel_loop3A_270 = arith.muli %parallel_loop3A_116, %parallel_loop3A_269 : i32
          %parallel_loop3A_271 = arith.constant 15 : i32
          %parallel_loop3A_272 = arith.index_cast %parallel_loop3A_271 : i32 to index
          %parallel_loop3A_273 = arith.index_cast %parallel_loop3A_270 : i32 to index
          %parallel_loop3A_274 = tpu.vector_load %arg5[%parallel_loop3A_272, %parallel_loop3A_273] {strides = array<i32>} : memref<32x512xf32, #tpu.memory_space<vmem>>, vector<16xf32>,
          %parallel_loop3A_275 = arith.constant 15 : i32
          %parallel_loop3A_276 = arith.addi %parallel_loop3A_118, %parallel_loop3A_275 : i32
          %parallel_loop3A_277 = vector.broadcast %parallel_loop3A_276 : i32 to vector<16xi32>
          %parallel_loop3A_278 = arith.addi %mul3A_23, %parallel_loop3A_277 : vector<16xi32>
          tpu.vector_store_idx %arg7[%parallel_loop3A_278], %parallel_loop3A_274 : memref<16384xf32, #tpu.memory_space<vmem>>[vector<16xi32>], vector<16xf32>,
          %parallel_loop3A_279 = arith.constant 16 : i32
          %parallel_loop3A_280 = arith.muli %parallel_loop3A_116, %parallel_loop3A_279 : i32
          %parallel_loop3A_281 = arith.constant 16 : i32
          %parallel_loop3A_282 = arith.index_cast %parallel_loop3A_281 : i32 to index
          %parallel_loop3A_283 = arith.index_cast %parallel_loop3A_280 : i32 to index
          %parallel_loop3A_284 = tpu.vector_load %arg5[%parallel_loop3A_282, %parallel_loop3A_283] {strides = array<i32>} : memref<32x512xf32, #tpu.memory_space<vmem>>, vector<16xf32>,
          %parallel_loop3A_285 = arith.constant 16 : i32
          %parallel_loop3A_286 = arith.addi %parallel_loop3A_118, %parallel_loop3A_285 : i32
          %parallel_loop3A_287 = vector.broadcast %parallel_loop3A_286 : i32 to vector<16xi32>
          %parallel_loop3A_288 = arith.addi %mul3A_23, %parallel_loop3A_287 : vector<16xi32>
          tpu.vector_store_idx %arg7[%parallel_loop3A_288], %parallel_loop3A_284 : memref<16384xf32, #tpu.memory_space<vmem>>[vector<16xi32>], vector<16xf32>,
          %parallel_loop3A_289 = arith.constant 16 : i32
          %parallel_loop3A_290 = arith.muli %parallel_loop3A_116, %parallel_loop3A_289 : i32
          %parallel_loop3A_291 = arith.constant 17 : i32
          %parallel_loop3A_292 = arith.index_cast %parallel_loop3A_291 : i32 to index
          %parallel_loop3A_293 = arith.index_cast %parallel_loop3A_290 : i32 to index
          %parallel_loop3A_294 = tpu.vector_load %arg5[%parallel_loop3A_292, %parallel_loop3A_293] {strides = array<i32>} : memref<32x512xf32, #tpu.memory_space<vmem>>, vector<16xf32>,
          %parallel_loop3A_295 = arith.constant 17 : i32
          %parallel_loop3A_296 = arith.addi %parallel_loop3A_118, %parallel_loop3A_295 : i32
          %parallel_loop3A_297 = vector.broadcast %parallel_loop3A_296 : i32 to vector<16xi32>
          %parallel_loop3A_298 = arith.addi %mul3A_23, %parallel_loop3A_297 : vector<16xi32>
          tpu.vector_store_idx %arg7[%parallel_loop3A_298], %parallel_loop3A_294 : memref<16384xf32, #tpu.memory_space<vmem>>[vector<16xi32>], vector<16xf32>,
          %parallel_loop3A_299 = arith.constant 16 : i32
          %parallel_loop3A_300 = arith.muli %parallel_loop3A_116, %parallel_loop3A_299 : i32
          %parallel_loop3A_301 = arith.constant 18 : i32
          %parallel_loop3A_302 = arith.index_cast %parallel_loop3A_301 : i32 to index
          %parallel_loop3A_303 = arith.index_cast %parallel_loop3A_300 : i32 to index
          %parallel_loop3A_304 = tpu.vector_load %arg5[%parallel_loop3A_302, %parallel_loop3A_303] {strides = array<i32>} : memref<32x512xf32, #tpu.memory_space<vmem>>, vector<16xf32>,
          %parallel_loop3A_305 = arith.constant 18 : i32
          %parallel_loop3A_306 = arith.addi %parallel_loop3A_118, %parallel_loop3A_305 : i32
          %parallel_loop3A_307 = vector.broadcast %parallel_loop3A_306 : i32 to vector<16xi32>
          %parallel_loop3A_308 = arith.addi %mul3A_23, %parallel_loop3A_307 : vector<16xi32>
          tpu.vector_store_idx %arg7[%parallel_loop3A_308], %parallel_loop3A_304 : memref<16384xf32, #tpu.memory_space<vmem>>[vector<16xi32>], vector<16xf32>,
          %parallel_loop3A_309 = arith.constant 16 : i32
          %parallel_loop3A_310 = arith.muli %parallel_loop3A_116, %parallel_loop3A_309 : i32
          %parallel_loop3A_311 = arith.constant 19 : i32
          %parallel_loop3A_312 = arith.index_cast %parallel_loop3A_311 : i32 to index
          %parallel_loop3A_313 = arith.index_cast %parallel_loop3A_310 : i32 to index
          %parallel_loop3A_314 = tpu.vector_load %arg5[%parallel_loop3A_312, %parallel_loop3A_313] {strides = array<i32>} : memref<32x512xf32, #tpu.memory_space<vmem>>, vector<16xf32>,
          %parallel_loop3A_315 = arith.constant 19 : i32
          %parallel_loop3A_316 = arith.addi %parallel_loop3A_118, %parallel_loop3A_315 : i32
          %parallel_loop3A_317 = vector.broadcast %parallel_loop3A_316 : i32 to vector<16xi32>
          %parallel_loop3A_318 = arith.addi %mul3A_23, %parallel_loop3A_317 : vector<16xi32>
          tpu.vector_store_idx %arg7[%parallel_loop3A_318], %parallel_loop3A_314 : memref<16384xf32, #tpu.memory_space<vmem>>[vector<16xi32>], vector<16xf32>,
          %parallel_loop3A_319 = arith.constant 16 : i32
          %parallel_loop3A_320 = arith.muli %parallel_loop3A_116, %parallel_loop3A_319 : i32
          %parallel_loop3A_321 = arith.constant 20 : i32
          %parallel_loop3A_322 = arith.index_cast %parallel_loop3A_321 : i32 to index
          %parallel_loop3A_323 = arith.index_cast %parallel_loop3A_320 : i32 to index
          %parallel_loop3A_324 = tpu.vector_load %arg5[%parallel_loop3A_322, %parallel_loop3A_323] {strides = array<i32>} : memref<32x512xf32, #tpu.memory_space<vmem>>, vector<16xf32>,
          %parallel_loop3A_325 = arith.constant 20 : i32
          %parallel_loop3A_326 = arith.addi %parallel_loop3A_118, %parallel_loop3A_325 : i32
          %parallel_loop3A_327 = vector.broadcast %parallel_loop3A_326 : i32 to vector<16xi32>
          %parallel_loop3A_328 = arith.addi %mul3A_23, %parallel_loop3A_327 : vector<16xi32>
          tpu.vector_store_idx %arg7[%parallel_loop3A_328], %parallel_loop3A_324 : memref<16384xf32, #tpu.memory_space<vmem>>[vector<16xi32>], vector<16xf32>,
          %parallel_loop3A_329 = arith.constant 16 : i32
          %parallel_loop3A_330 = arith.muli %parallel_loop3A_116, %parallel_loop3A_329 : i32
          %parallel_loop3A_331 = arith.constant 21 : i32
          %parallel_loop3A_332 = arith.index_cast %parallel_loop3A_331 : i32 to index
          %parallel_loop3A_333 = arith.index_cast %parallel_loop3A_330 : i32 to index
          %parallel_loop3A_334 = tpu.vector_load %arg5[%parallel_loop3A_332, %parallel_loop3A_333] {strides = array<i32>} : memref<32x512xf32, #tpu.memory_space<vmem>>, vector<16xf32>,
          %parallel_loop3A_335 = arith.constant 21 : i32
          %parallel_loop3A_336 = arith.addi %parallel_loop3A_118, %parallel_loop3A_335 : i32
          %parallel_loop3A_337 = vector.broadcast %parallel_loop3A_336 : i32 to vector<16xi32>
          %parallel_loop3A_338 = arith.addi %mul3A_23, %parallel_loop3A_337 : vector<16xi32>
          tpu.vector_store_idx %arg7[%parallel_loop3A_338], %parallel_loop3A_334 : memref<16384xf32, #tpu.memory_space<vmem>>[vector<16xi32>], vector<16xf32>,
          %parallel_loop3A_339 = arith.constant 16 : i32
          %parallel_loop3A_340 = arith.muli %parallel_loop3A_116, %parallel_loop3A_339 : i32
          %parallel_loop3A_341 = arith.constant 22 : i32
          %parallel_loop3A_342 = arith.index_cast %parallel_loop3A_341 : i32 to index
          %parallel_loop3A_343 = arith.index_cast %parallel_loop3A_340 : i32 to index
          %parallel_loop3A_344 = tpu.vector_load %arg5[%parallel_loop3A_342, %parallel_loop3A_343] {strides = array<i32>} : memref<32x512xf32, #tpu.memory_space<vmem>>, vector<16xf32>,
          %parallel_loop3A_345 = arith.constant 22 : i32
          %parallel_loop3A_346 = arith.addi %parallel_loop3A_118, %parallel_loop3A_345 : i32
          %parallel_loop3A_347 = vector.broadcast %parallel_loop3A_346 : i32 to vector<16xi32>
          %parallel_loop3A_348 = arith.addi %mul3A_23, %parallel_loop3A_347 : vector<16xi32>
          tpu.vector_store_idx %arg7[%parallel_loop3A_348], %parallel_loop3A_344 : memref<16384xf32, #tpu.memory_space<vmem>>[vector<16xi32>], vector<16xf32>,
          %parallel_loop3A_349 = arith.constant 16 : i32
          %parallel_loop3A_350 = arith.muli %parallel_loop3A_116, %parallel_loop3A_349 : i32
          %parallel_loop3A_351 = arith.constant 23 : i32
          %parallel_loop3A_352 = arith.index_cast %parallel_loop3A_351 : i32 to index
          %parallel_loop3A_353 = arith.index_cast %parallel_loop3A_350 : i32 to index
          %parallel_loop3A_354 = tpu.vector_load %arg5[%parallel_loop3A_352, %parallel_loop3A_353] {strides = array<i32>} : memref<32x512xf32, #tpu.memory_space<vmem>>, vector<16xf32>,
          %parallel_loop3A_355 = arith.constant 23 : i32
          %parallel_loop3A_356 = arith.addi %parallel_loop3A_118, %parallel_loop3A_355 : i32
          %parallel_loop3A_357 = vector.broadcast %parallel_loop3A_356 : i32 to vector<16xi32>
          %parallel_loop3A_358 = arith.addi %mul3A_23, %parallel_loop3A_357 : vector<16xi32>
          tpu.vector_store_idx %arg7[%parallel_loop3A_358], %parallel_loop3A_354 : memref<16384xf32, #tpu.memory_space<vmem>>[vector<16xi32>], vector<16xf32>,
          %parallel_loop3A_359 = arith.constant 16 : i32
          %parallel_loop3A_360 = arith.muli %parallel_loop3A_116, %parallel_loop3A_359 : i32
          %parallel_loop3A_361 = arith.constant 24 : i32
          %parallel_loop3A_362 = arith.index_cast %parallel_loop3A_361 : i32 to index
          %parallel_loop3A_363 = arith.index_cast %parallel_loop3A_360 : i32 to index
          %parallel_loop3A_364 = tpu.vector_load %arg5[%parallel_loop3A_362, %parallel_loop3A_363] {strides = array<i32>} : memref<32x512xf32, #tpu.memory_space<vmem>>, vector<16xf32>,
          %parallel_loop3A_365 = arith.constant 24 : i32
          %parallel_loop3A_366 = arith.addi %parallel_loop3A_118, %parallel_loop3A_365 : i32
          %parallel_loop3A_367 = vector.broadcast %parallel_loop3A_366 : i32 to vector<16xi32>
          %parallel_loop3A_368 = arith.addi %mul3A_23, %parallel_loop3A_367 : vector<16xi32>
          tpu.vector_store_idx %arg7[%parallel_loop3A_368], %parallel_loop3A_364 : memref<16384xf32, #tpu.memory_space<vmem>>[vector<16xi32>], vector<16xf32>,
          %parallel_loop3A_369 = arith.constant 16 : i32
          %parallel_loop3A_370 = arith.muli %parallel_loop3A_116, %parallel_loop3A_369 : i32
          %parallel_loop3A_371 = arith.constant 25 : i32
          %parallel_loop3A_372 = arith.index_cast %parallel_loop3A_371 : i32 to index
          %parallel_loop3A_373 = arith.index_cast %parallel_loop3A_370 : i32 to index
          %parallel_loop3A_374 = tpu.vector_load %arg5[%parallel_loop3A_372, %parallel_loop3A_373] {strides = array<i32>} : memref<32x512xf32, #tpu.memory_space<vmem>>, vector<16xf32>,
          %parallel_loop3A_375 = arith.constant 25 : i32
          %parallel_loop3A_376 = arith.addi %parallel_loop3A_118, %parallel_loop3A_375 : i32
          %parallel_loop3A_377 = vector.broadcast %parallel_loop3A_376 : i32 to vector<16xi32>
          %parallel_loop3A_378 = arith.addi %mul3A_23, %parallel_loop3A_377 : vector<16xi32>
          tpu.vector_store_idx %arg7[%parallel_loop3A_378], %parallel_loop3A_374 : memref<16384xf32, #tpu.memory_space<vmem>>[vector<16xi32>], vector<16xf32>,
          %parallel_loop3A_379 = arith.constant 16 : i32
          %parallel_loop3A_380 = arith.muli %parallel_loop3A_116, %parallel_loop3A_379 : i32
          %parallel_loop3A_381 = arith.constant 26 : i32
          %parallel_loop3A_382 = arith.index_cast %parallel_loop3A_381 : i32 to index
          %parallel_loop3A_383 = arith.index_cast %parallel_loop3A_380 : i32 to index
          %parallel_loop3A_384 = tpu.vector_load %arg5[%parallel_loop3A_382, %parallel_loop3A_383] {strides = array<i32>} : memref<32x512xf32, #tpu.memory_space<vmem>>, vector<16xf32>,
          %parallel_loop3A_385 = arith.constant 26 : i32
          %parallel_loop3A_386 = arith.addi %parallel_loop3A_118, %parallel_loop3A_385 : i32
          %parallel_loop3A_387 = vector.broadcast %parallel_loop3A_386 : i32 to vector<16xi32>
          %parallel_loop3A_388 = arith.addi %mul3A_23, %parallel_loop3A_387 : vector<16xi32>
          tpu.vector_store_idx %arg7[%parallel_loop3A_388], %parallel_loop3A_384 : memref<16384xf32, #tpu.memory_space<vmem>>[vector<16xi32>], vector<16xf32>,
          %parallel_loop3A_389 = arith.constant 16 : i32
          %parallel_loop3A_390 = arith.muli %parallel_loop3A_116, %parallel_loop3A_389 : i32
          %parallel_loop3A_391 = arith.constant 27 : i32
          %parallel_loop3A_392 = arith.index_cast %parallel_loop3A_391 : i32 to index
          %parallel_loop3A_393 = arith.index_cast %parallel_loop3A_390 : i32 to index
          %parallel_loop3A_394 = tpu.vector_load %arg5[%parallel_loop3A_392, %parallel_loop3A_393] {strides = array<i32>} : memref<32x512xf32, #tpu.memory_space<vmem>>, vector<16xf32>,
          %parallel_loop3A_395 = arith.constant 27 : i32
          %parallel_loop3A_396 = arith.addi %parallel_loop3A_118, %parallel_loop3A_395 : i32
          %parallel_loop3A_397 = vector.broadcast %parallel_loop3A_396 : i32 to vector<16xi32>
          %parallel_loop3A_398 = arith.addi %mul3A_23, %parallel_loop3A_397 : vector<16xi32>
          tpu.vector_store_idx %arg7[%parallel_loop3A_398], %parallel_loop3A_394 : memref<16384xf32, #tpu.memory_space<vmem>>[vector<16xi32>], vector<16xf32>,
          %parallel_loop3A_399 = arith.constant 16 : i32
          %parallel_loop3A_400 = arith.muli %parallel_loop3A_116, %parallel_loop3A_399 : i32
          %parallel_loop3A_401 = arith.constant 28 : i32
          %parallel_loop3A_402 = arith.index_cast %parallel_loop3A_401 : i32 to index
          %parallel_loop3A_403 = arith.index_cast %parallel_loop3A_400 : i32 to index
          %parallel_loop3A_404 = tpu.vector_load %arg5[%parallel_loop3A_402, %parallel_loop3A_403] {strides = array<i32>} : memref<32x512xf32, #tpu.memory_space<vmem>>, vector<16xf32>,
          %parallel_loop3A_405 = arith.constant 28 : i32
          %parallel_loop3A_406 = arith.addi %parallel_loop3A_118, %parallel_loop3A_405 : i32
          %parallel_loop3A_407 = vector.broadcast %parallel_loop3A_406 : i32 to vector<16xi32>
          %parallel_loop3A_408 = arith.addi %mul3A_23, %parallel_loop3A_407 : vector<16xi32>
          tpu.vector_store_idx %arg7[%parallel_loop3A_408], %parallel_loop3A_404 : memref<16384xf32, #tpu.memory_space<vmem>>[vector<16xi32>], vector<16xf32>,
          %parallel_loop3A_409 = arith.constant 16 : i32
          %parallel_loop3A_410 = arith.muli %parallel_loop3A_116, %parallel_loop3A_409 : i32
          %parallel_loop3A_411 = arith.constant 29 : i32
          %parallel_loop3A_412 = arith.index_cast %parallel_loop3A_411 : i32 to index
          %parallel_loop3A_413 = arith.index_cast %parallel_loop3A_410 : i32 to index
          %parallel_loop3A_414 = tpu.vector_load %arg5[%parallel_loop3A_412, %parallel_loop3A_413] {strides = array<i32>} : memref<32x512xf32, #tpu.memory_space<vmem>>, vector<16xf32>,
          %parallel_loop3A_415 = arith.constant 29 : i32
          %parallel_loop3A_416 = arith.addi %parallel_loop3A_118, %parallel_loop3A_415 : i32
          %parallel_loop3A_417 = vector.broadcast %parallel_loop3A_416 : i32 to vector<16xi32>
          %parallel_loop3A_418 = arith.addi %mul3A_23, %parallel_loop3A_417 : vector<16xi32>
          tpu.vector_store_idx %arg7[%parallel_loop3A_418], %parallel_loop3A_414 : memref<16384xf32, #tpu.memory_space<vmem>>[vector<16xi32>], vector<16xf32>,
          %parallel_loop3A_419 = arith.constant 16 : i32
          %parallel_loop3A_420 = arith.muli %parallel_loop3A_116, %parallel_loop3A_419 : i32
          %parallel_loop3A_421 = arith.constant 30 : i32
          %parallel_loop3A_422 = arith.index_cast %parallel_loop3A_421 : i32 to index
          %parallel_loop3A_423 = arith.index_cast %parallel_loop3A_420 : i32 to index
          %parallel_loop3A_424 = tpu.vector_load %arg5[%parallel_loop3A_422, %parallel_loop3A_423] {strides = array<i32>} : memref<32x512xf32, #tpu.memory_space<vmem>>, vector<16xf32>,
          %parallel_loop3A_425 = arith.constant 30 : i32
          %parallel_loop3A_426 = arith.addi %parallel_loop3A_118, %parallel_loop3A_425 : i32
          %parallel_loop3A_427 = vector.broadcast %parallel_loop3A_426 : i32 to vector<16xi32>
          %parallel_loop3A_428 = arith.addi %mul3A_23, %parallel_loop3A_427 : vector<16xi32>
          tpu.vector_store_idx %arg7[%parallel_loop3A_428], %parallel_loop3A_424 : memref<16384xf32, #tpu.memory_space<vmem>>[vector<16xi32>], vector<16xf32>,
          %parallel_loop3A_429 = arith.constant 16 : i32
          %parallel_loop3A_430 = arith.muli %parallel_loop3A_116, %parallel_loop3A_429 : i32
          %parallel_loop3A_431 = arith.constant 31 : i32
          %parallel_loop3A_432 = arith.index_cast %parallel_loop3A_431 : i32 to index
          %parallel_loop3A_433 = arith.index_cast %parallel_loop3A_430 : i32 to index
          %parallel_loop3A_434 = tpu.vector_load %arg5[%parallel_loop3A_432, %parallel_loop3A_433] {strides = array<i32>} : memref<32x512xf32, #tpu.memory_space<vmem>>, vector<16xf32>,
          %parallel_loop3A_435 = arith.constant 31 : i32
          %parallel_loop3A_436 = arith.addi %parallel_loop3A_118, %parallel_loop3A_435 : i32
          %parallel_loop3A_437 = vector.broadcast %parallel_loop3A_436 : i32 to vector<16xi32>
          %parallel_loop3A_438 = arith.addi %mul3A_23, %parallel_loop3A_437 : vector<16xi32>
          tpu.vector_store_idx %arg7[%parallel_loop3A_438], %parallel_loop3A_434 : memref<16384xf32, #tpu.memory_space<vmem>>[vector<16xi32>], vector<16xf32>,
        } {sc.loop_unroll_factor = 4 : i64, sc.parallel_access}
        %mul3A_101 = arith.constant 32 : i32
        %mul3A_102 = arith.muli %mul3A_101, %add3A_74 : i32
        %add3A_103 = arith.addi %add3A, %mul3A_102 : i32
        %mul3A_104 = arith.constant 512 : i32
        %mul3A_105 = arith.muli %add3A_103, %mul3A_104 : i32
        %mul3A_106 = arith.constant 32 : i32
        %mul3A_107 = arith.muli %mul3A_105, %mul3A_106 : i32
        %dma_start3A_108 = tpu.memref_slice %arg4[%mul3A_107] : memref<32000000xf32, #tpu.memory_space<hbm>> -> memref<16384xf32, #tpu.memory_space<hbm>>
        %dma_start3A_109 = tpu.memref_slice %arg4[%mul3A_107] : memref<32000000xf32, #tpu.memory_space<hbm>> -> memref<16384xf32, #tpu.memory_space<hbm>>
        tpu.enqueue_dma source(%arg7 : memref<16384xf32, #tpu.memory_space<vmem>>) target(%dma_start3A_109 : memref<16384xf32, #tpu.memory_space<hbm>>) target_semaphore(%arg11 : memref<!tpu.dma_semaphore, #tpu.memory_space<semaphore_mem>>)
        %add3A_110 = arith.constant 2 : i32
        %add3A_111 = arith.addi %add3A_74, %add3A_110 : i32
        %lt3A_112 = arith.cmpi slt, %add3A_111, %add3A_20 : i32
        %convert_element_type3A_113 = arith.extui %lt3A_112 : i1 to i32
        %cond3A_114 = arith.constant 0 : i32
        %cond3A_115 = arith.cmpi ne, %convert_element_type3A_113, %cond3A_114 : i32
        scf.if %cond3A_115 {
          %add3A_116 = arith.constant 2 : i32
          %add3A_117 = arith.addi %add3A_74, %add3A_116 : i32
          %mul3A_118 = arith.constant 32 : i32
          %mul3A_119 = arith.muli %mul3A_118, %add3A_117 : i32
          %add3A_120 = arith.addi %add3A, %mul3A_119 : i32
          %mul3A_121 = arith.constant 512 : i32
          %mul3A_122 = arith.muli %add3A_120, %mul3A_121 : i32
          %dma_start3A_123 = arith.constant 0 : i32
          %dma_start3A_124 = tpu.memref_slice %arg2[%dma_start3A_123, %mul3A_122] : memref<32x1000000xf32, #tpu.memory_space<hbm>> -> memref<32x512xf32, #tpu.memory_space<hbm>>
          %dma_start3A_125 = arith.constant 0 : i32
          %dma_start3A_126 = tpu.memref_slice %arg2[%dma_start3A_125, %mul3A_122] : memref<32x1000000xf32, #tpu.memory_space<hbm>> -> memref<32x512xf32, #tpu.memory_space<hbm>>
          tpu.enqueue_dma source(%dma_start3A_126 : memref<32x512xf32, #tpu.memory_space<hbm>>) target(%arg5 : memref<32x512xf32, #tpu.memory_space<vmem>>) target_semaphore(%arg9 : memref<!tpu.dma_semaphore, #tpu.memory_space<semaphore_mem>>)
        } else {
        }
      } else {
      }
      %mul3A_78 = arith.constant 2 : i32
      %mul3A_79 = arith.muli %mul3A_78, %add3A_70 : i32
      %add3A_80 = arith.constant 1 : i32
      %add3A_81 = arith.addi %mul3A_79, %add3A_80 : i32
      %lt3A_82 = arith.cmpi slt, %add3A_81, %add3A_20 : i32
      %convert_element_type3A_83 = arith.extui %lt3A_82 : i1 to i32
      %cond3A_84 = arith.constant 0 : i32
      %cond3A_85 = arith.cmpi ne, %convert_element_type3A_83, %cond3A_84 : i32
      scf.if %cond3A_85 {
        %mul3A_86 = arith.constant 32 : i32
        %mul3A_87 = arith.muli %mul3A_86, %add3A_81 : i32
        %add3A_88 = arith.addi %add3A, %mul3A_87 : i32
        %mul3A_89 = arith.constant 512 : i32
        %mul3A_90 = arith.muli %add3A_88, %mul3A_89 : i32
        %dma_wait3A_91 = arith.constant 0 : i32
        %dma_wait3A_92 = tpu.memref_slice %arg2[%dma_wait3A_91, %mul3A_90] : memref<32x1000000xf32, #tpu.memory_space<hbm>> -> memref<32x512xf32, #tpu.memory_space<hbm>>
        %dma_wait3A_93 = arith.constant 0 : i32
        %dma_wait3A_94 = tpu.memref_slice %arg2[%dma_wait3A_93, %mul3A_90] : memref<32x1000000xf32, #tpu.memory_space<hbm>> -> memref<32x512xf32, #tpu.memory_space<hbm>>
        tpu.wait_dma2 semaphore(%arg10 : memref<!tpu.dma_semaphore, #tpu.memory_space<semaphore_mem>>) src(%dma_wait3A_94 : memref<32x512xf32, #tpu.memory_space<hbm>>) dst(%arg6 : memref<32x512xf32, #tpu.memory_space<vmem>>)
        %ge3A = arith.constant 2 : i32
        %ge3A_95 = arith.cmpi sge, %add3A_81, %ge3A : i32
        %convert_element_type3A_96 = arith.extui %ge3A_95 : i1 to i32
        %cond3A_97 = arith.constant 0 : i32
        %cond3A_98 = arith.cmpi ne, %convert_element_type3A_96, %cond3A_97 : i32
        scf.if %cond3A_98 {
          %sub3A_116 = arith.constant 2 : i32
          %sub3A_117 = arith.subi %add3A_81, %sub3A_116 : i32
          %mul3A_118 = arith.constant 32 : i32
          %mul3A_119 = arith.muli %mul3A_118, %sub3A_117 : i32
          %add3A_120 = arith.addi %add3A, %mul3A_119 : i32
          %mul3A_121 = arith.constant 512 : i32
          %mul3A_122 = arith.muli %add3A_120, %mul3A_121 : i32
          %mul3A_123 = arith.constant 32 : i32
          %mul3A_124 = arith.muli %mul3A_122, %mul3A_123 : i32
          %dma_wait3A_125 = tpu.memref_slice %arg4[%mul3A_124] : memref<32000000xf32, #tpu.memory_space<hbm>> -> memref<16384xf32, #tpu.memory_space<hbm>>
          %dma_wait3A_126 = tpu.memref_slice %arg4[%mul3A_124] : memref<32000000xf32, #tpu.memory_space<hbm>> -> memref<16384xf32, #tpu.memory_space<hbm>>
          tpu.wait_dma2 semaphore(%arg12 : memref<!tpu.dma_semaphore, #tpu.memory_space<semaphore_mem>>) src(%arg8 : memref<16384xf32, #tpu.memory_space<vmem>>) dst(%dma_wait3A_126 : memref<16384xf32, #tpu.memory_space<hbm>>)
        } else {
        }
        %parallel_loop3A = arith.constant 0 : i32
        %parallel_loop3A_99 = arith.constant 32 : i32
        %parallel_loop3A_100 = arith.constant 1 : i32
        scf.for %parallel_loop3A_116 = %parallel_loop3A to %parallel_loop3A_99 step %parallel_loop3A_100  : i32 {
          %parallel_loop3A_117 = arith.constant 512 : i32
          %parallel_loop3A_118 = arith.muli %parallel_loop3A_116, %parallel_loop3A_117 : i32
          %parallel_loop3A_119 = arith.constant 16 : i32
          %parallel_loop3A_120 = arith.muli %parallel_loop3A_116, %parallel_loop3A_119 : i32
          %parallel_loop3A_121 = arith.constant 0 : i32
          %parallel_loop3A_122 = arith.index_cast %parallel_loop3A_121 : i32 to index
          %parallel_loop3A_123 = arith.index_cast %parallel_loop3A_120 : i32 to index
          %parallel_loop3A_124 = tpu.vector_load %arg6[%parallel_loop3A_122, %parallel_loop3A_123] {strides = array<i32>} : memref<32x512xf32, #tpu.memory_space<vmem>>, vector<16xf32>,
          %parallel_loop3A_125 = arith.constant 0 : i32
          %parallel_loop3A_126 = arith.addi %parallel_loop3A_118, %parallel_loop3A_125 : i32
          %parallel_loop3A_127 = vector.broadcast %parallel_loop3A_126 : i32 to vector<16xi32>
          %parallel_loop3A_128 = arith.addi %mul3A_23, %parallel_loop3A_127 : vector<16xi32>
          tpu.vector_store_idx %arg8[%parallel_loop3A_128], %parallel_loop3A_124 : memref<16384xf32, #tpu.memory_space<vmem>>[vector<16xi32>], vector<16xf32>,
          %parallel_loop3A_129 = arith.constant 16 : i32
          %parallel_loop3A_130 = arith.muli %parallel_loop3A_116, %parallel_loop3A_129 : i32
          %parallel_loop3A_131 = arith.constant 1 : i32
          %parallel_loop3A_132 = arith.index_cast %parallel_loop3A_131 : i32 to index
          %parallel_loop3A_133 = arith.index_cast %parallel_loop3A_130 : i32 to index
          %parallel_loop3A_134 = tpu.vector_load %arg6[%parallel_loop3A_132, %parallel_loop3A_133] {strides = array<i32>} : memref<32x512xf32, #tpu.memory_space<vmem>>, vector<16xf32>,
          %parallel_loop3A_135 = arith.constant 1 : i32
          %parallel_loop3A_136 = arith.addi %parallel_loop3A_118, %parallel_loop3A_135 : i32
          %parallel_loop3A_137 = vector.broadcast %parallel_loop3A_136 : i32 to vector<16xi32>
          %parallel_loop3A_138 = arith.addi %mul3A_23, %parallel_loop3A_137 : vector<16xi32>
          tpu.vector_store_idx %arg8[%parallel_loop3A_138], %parallel_loop3A_134 : memref<16384xf32, #tpu.memory_space<vmem>>[vector<16xi32>], vector<16xf32>,
          %parallel_loop3A_139 = arith.constant 16 : i32
          %parallel_loop3A_140 = arith.muli %parallel_loop3A_116, %parallel_loop3A_139 : i32
          %parallel_loop3A_141 = arith.constant 2 : i32
          %parallel_loop3A_142 = arith.index_cast %parallel_loop3A_141 : i32 to index
          %parallel_loop3A_143 = arith.index_cast %parallel_loop3A_140 : i32 to index
          %parallel_loop3A_144 = tpu.vector_load %arg6[%parallel_loop3A_142, %parallel_loop3A_143] {strides = array<i32>} : memref<32x512xf32, #tpu.memory_space<vmem>>, vector<16xf32>,
          %parallel_loop3A_145 = arith.constant 2 : i32
          %parallel_loop3A_146 = arith.addi %parallel_loop3A_118, %parallel_loop3A_145 : i32
          %parallel_loop3A_147 = vector.broadcast %parallel_loop3A_146 : i32 to vector<16xi32>
          %parallel_loop3A_148 = arith.addi %mul3A_23, %parallel_loop3A_147 : vector<16xi32>
          tpu.vector_store_idx %arg8[%parallel_loop3A_148], %parallel_loop3A_144 : memref<16384xf32, #tpu.memory_space<vmem>>[vector<16xi32>], vector<16xf32>,
          %parallel_loop3A_149 = arith.constant 16 : i32
          %parallel_loop3A_150 = arith.muli %parallel_loop3A_116, %parallel_loop3A_149 : i32
          %parallel_loop3A_151 = arith.constant 3 : i32
          %parallel_loop3A_152 = arith.index_cast %parallel_loop3A_151 : i32 to index
          %parallel_loop3A_153 = arith.index_cast %parallel_loop3A_150 : i32 to index
          %parallel_loop3A_154 = tpu.vector_load %arg6[%parallel_loop3A_152, %parallel_loop3A_153] {strides = array<i32>} : memref<32x512xf32, #tpu.memory_space<vmem>>, vector<16xf32>,
          %parallel_loop3A_155 = arith.constant 3 : i32
          %parallel_loop3A_156 = arith.addi %parallel_loop3A_118, %parallel_loop3A_155 : i32
          %parallel_loop3A_157 = vector.broadcast %parallel_loop3A_156 : i32 to vector<16xi32>
          %parallel_loop3A_158 = arith.addi %mul3A_23, %parallel_loop3A_157 : vector<16xi32>
          tpu.vector_store_idx %arg8[%parallel_loop3A_158], %parallel_loop3A_154 : memref<16384xf32, #tpu.memory_space<vmem>>[vector<16xi32>], vector<16xf32>,
          %parallel_loop3A_159 = arith.constant 16 : i32
          %parallel_loop3A_160 = arith.muli %parallel_loop3A_116, %parallel_loop3A_159 : i32
          %parallel_loop3A_161 = arith.constant 4 : i32
          %parallel_loop3A_162 = arith.index_cast %parallel_loop3A_161 : i32 to index
          %parallel_loop3A_163 = arith.index_cast %parallel_loop3A_160 : i32 to index
          %parallel_loop3A_164 = tpu.vector_load %arg6[%parallel_loop3A_162, %parallel_loop3A_163] {strides = array<i32>} : memref<32x512xf32, #tpu.memory_space<vmem>>, vector<16xf32>,
          %parallel_loop3A_165 = arith.constant 4 : i32
          %parallel_loop3A_166 = arith.addi %parallel_loop3A_118, %parallel_loop3A_165 : i32
          %parallel_loop3A_167 = vector.broadcast %parallel_loop3A_166 : i32 to vector<16xi32>
          %parallel_loop3A_168 = arith.addi %mul3A_23, %parallel_loop3A_167 : vector<16xi32>
          tpu.vector_store_idx %arg8[%parallel_loop3A_168], %parallel_loop3A_164 : memref<16384xf32, #tpu.memory_space<vmem>>[vector<16xi32>], vector<16xf32>,
          %parallel_loop3A_169 = arith.constant 16 : i32
          %parallel_loop3A_170 = arith.muli %parallel_loop3A_116, %parallel_loop3A_169 : i32
          %parallel_loop3A_171 = arith.constant 5 : i32
          %parallel_loop3A_172 = arith.index_cast %parallel_loop3A_171 : i32 to index
          %parallel_loop3A_173 = arith.index_cast %parallel_loop3A_170 : i32 to index
          %parallel_loop3A_174 = tpu.vector_load %arg6[%parallel_loop3A_172, %parallel_loop3A_173] {strides = array<i32>} : memref<32x512xf32, #tpu.memory_space<vmem>>, vector<16xf32>,
          %parallel_loop3A_175 = arith.constant 5 : i32
          %parallel_loop3A_176 = arith.addi %parallel_loop3A_118, %parallel_loop3A_175 : i32
          %parallel_loop3A_177 = vector.broadcast %parallel_loop3A_176 : i32 to vector<16xi32>
          %parallel_loop3A_178 = arith.addi %mul3A_23, %parallel_loop3A_177 : vector<16xi32>
          tpu.vector_store_idx %arg8[%parallel_loop3A_178], %parallel_loop3A_174 : memref<16384xf32, #tpu.memory_space<vmem>>[vector<16xi32>], vector<16xf32>,
          %parallel_loop3A_179 = arith.constant 16 : i32
          %parallel_loop3A_180 = arith.muli %parallel_loop3A_116, %parallel_loop3A_179 : i32
          %parallel_loop3A_181 = arith.constant 6 : i32
          %parallel_loop3A_182 = arith.index_cast %parallel_loop3A_181 : i32 to index
          %parallel_loop3A_183 = arith.index_cast %parallel_loop3A_180 : i32 to index
          %parallel_loop3A_184 = tpu.vector_load %arg6[%parallel_loop3A_182, %parallel_loop3A_183] {strides = array<i32>} : memref<32x512xf32, #tpu.memory_space<vmem>>, vector<16xf32>,
          %parallel_loop3A_185 = arith.constant 6 : i32
          %parallel_loop3A_186 = arith.addi %parallel_loop3A_118, %parallel_loop3A_185 : i32
          %parallel_loop3A_187 = vector.broadcast %parallel_loop3A_186 : i32 to vector<16xi32>
          %parallel_loop3A_188 = arith.addi %mul3A_23, %parallel_loop3A_187 : vector<16xi32>
          tpu.vector_store_idx %arg8[%parallel_loop3A_188], %parallel_loop3A_184 : memref<16384xf32, #tpu.memory_space<vmem>>[vector<16xi32>], vector<16xf32>,
          %parallel_loop3A_189 = arith.constant 16 : i32
          %parallel_loop3A_190 = arith.muli %parallel_loop3A_116, %parallel_loop3A_189 : i32
          %parallel_loop3A_191 = arith.constant 7 : i32
          %parallel_loop3A_192 = arith.index_cast %parallel_loop3A_191 : i32 to index
          %parallel_loop3A_193 = arith.index_cast %parallel_loop3A_190 : i32 to index
          %parallel_loop3A_194 = tpu.vector_load %arg6[%parallel_loop3A_192, %parallel_loop3A_193] {strides = array<i32>} : memref<32x512xf32, #tpu.memory_space<vmem>>, vector<16xf32>,
          %parallel_loop3A_195 = arith.constant 7 : i32
          %parallel_loop3A_196 = arith.addi %parallel_loop3A_118, %parallel_loop3A_195 : i32
          %parallel_loop3A_197 = vector.broadcast %parallel_loop3A_196 : i32 to vector<16xi32>
          %parallel_loop3A_198 = arith.addi %mul3A_23, %parallel_loop3A_197 : vector<16xi32>
          tpu.vector_store_idx %arg8[%parallel_loop3A_198], %parallel_loop3A_194 : memref<16384xf32, #tpu.memory_space<vmem>>[vector<16xi32>], vector<16xf32>,
          %parallel_loop3A_199 = arith.constant 16 : i32
          %parallel_loop3A_200 = arith.muli %parallel_loop3A_116, %parallel_loop3A_199 : i32
          %parallel_loop3A_201 = arith.constant 8 : i32
          %parallel_loop3A_202 = arith.index_cast %parallel_loop3A_201 : i32 to index
          %parallel_loop3A_203 = arith.index_cast %parallel_loop3A_200 : i32 to index
          %parallel_loop3A_204 = tpu.vector_load %arg6[%parallel_loop3A_202, %parallel_loop3A_203] {strides = array<i32>} : memref<32x512xf32, #tpu.memory_space<vmem>>, vector<16xf32>,
          %parallel_loop3A_205 = arith.constant 8 : i32
          %parallel_loop3A_206 = arith.addi %parallel_loop3A_118, %parallel_loop3A_205 : i32
          %parallel_loop3A_207 = vector.broadcast %parallel_loop3A_206 : i32 to vector<16xi32>
          %parallel_loop3A_208 = arith.addi %mul3A_23, %parallel_loop3A_207 : vector<16xi32>
          tpu.vector_store_idx %arg8[%parallel_loop3A_208], %parallel_loop3A_204 : memref<16384xf32, #tpu.memory_space<vmem>>[vector<16xi32>], vector<16xf32>,
          %parallel_loop3A_209 = arith.constant 16 : i32
          %parallel_loop3A_210 = arith.muli %parallel_loop3A_116, %parallel_loop3A_209 : i32
          %parallel_loop3A_211 = arith.constant 9 : i32
          %parallel_loop3A_212 = arith.index_cast %parallel_loop3A_211 : i32 to index
          %parallel_loop3A_213 = arith.index_cast %parallel_loop3A_210 : i32 to index
          %parallel_loop3A_214 = tpu.vector_load %arg6[%parallel_loop3A_212, %parallel_loop3A_213] {strides = array<i32>} : memref<32x512xf32, #tpu.memory_space<vmem>>, vector<16xf32>,
          %parallel_loop3A_215 = arith.constant 9 : i32
          %parallel_loop3A_216 = arith.addi %parallel_loop3A_118, %parallel_loop3A_215 : i32
          %parallel_loop3A_217 = vector.broadcast %parallel_loop3A_216 : i32 to vector<16xi32>
          %parallel_loop3A_218 = arith.addi %mul3A_23, %parallel_loop3A_217 : vector<16xi32>
          tpu.vector_store_idx %arg8[%parallel_loop3A_218], %parallel_loop3A_214 : memref<16384xf32, #tpu.memory_space<vmem>>[vector<16xi32>], vector<16xf32>,
          %parallel_loop3A_219 = arith.constant 16 : i32
          %parallel_loop3A_220 = arith.muli %parallel_loop3A_116, %parallel_loop3A_219 : i32
          %parallel_loop3A_221 = arith.constant 10 : i32
          %parallel_loop3A_222 = arith.index_cast %parallel_loop3A_221 : i32 to index
          %parallel_loop3A_223 = arith.index_cast %parallel_loop3A_220 : i32 to index
          %parallel_loop3A_224 = tpu.vector_load %arg6[%parallel_loop3A_222, %parallel_loop3A_223] {strides = array<i32>} : memref<32x512xf32, #tpu.memory_space<vmem>>, vector<16xf32>,
          %parallel_loop3A_225 = arith.constant 10 : i32
          %parallel_loop3A_226 = arith.addi %parallel_loop3A_118, %parallel_loop3A_225 : i32
          %parallel_loop3A_227 = vector.broadcast %parallel_loop3A_226 : i32 to vector<16xi32>
          %parallel_loop3A_228 = arith.addi %mul3A_23, %parallel_loop3A_227 : vector<16xi32>
          tpu.vector_store_idx %arg8[%parallel_loop3A_228], %parallel_loop3A_224 : memref<16384xf32, #tpu.memory_space<vmem>>[vector<16xi32>], vector<16xf32>,
          %parallel_loop3A_229 = arith.constant 16 : i32
          %parallel_loop3A_230 = arith.muli %parallel_loop3A_116, %parallel_loop3A_229 : i32
          %parallel_loop3A_231 = arith.constant 11 : i32
          %parallel_loop3A_232 = arith.index_cast %parallel_loop3A_231 : i32 to index
          %parallel_loop3A_233 = arith.index_cast %parallel_loop3A_230 : i32 to index
          %parallel_loop3A_234 = tpu.vector_load %arg6[%parallel_loop3A_232, %parallel_loop3A_233] {strides = array<i32>} : memref<32x512xf32, #tpu.memory_space<vmem>>, vector<16xf32>,
          %parallel_loop3A_235 = arith.constant 11 : i32
          %parallel_loop3A_236 = arith.addi %parallel_loop3A_118, %parallel_loop3A_235 : i32
          %parallel_loop3A_237 = vector.broadcast %parallel_loop3A_236 : i32 to vector<16xi32>
          %parallel_loop3A_238 = arith.addi %mul3A_23, %parallel_loop3A_237 : vector<16xi32>
          tpu.vector_store_idx %arg8[%parallel_loop3A_238], %parallel_loop3A_234 : memref<16384xf32, #tpu.memory_space<vmem>>[vector<16xi32>], vector<16xf32>,
          %parallel_loop3A_239 = arith.constant 16 : i32
          %parallel_loop3A_240 = arith.muli %parallel_loop3A_116, %parallel_loop3A_239 : i32
          %parallel_loop3A_241 = arith.constant 12 : i32
          %parallel_loop3A_242 = arith.index_cast %parallel_loop3A_241 : i32 to index
          %parallel_loop3A_243 = arith.index_cast %parallel_loop3A_240 : i32 to index
          %parallel_loop3A_244 = tpu.vector_load %arg6[%parallel_loop3A_242, %parallel_loop3A_243] {strides = array<i32>} : memref<32x512xf32, #tpu.memory_space<vmem>>, vector<16xf32>,
          %parallel_loop3A_245 = arith.constant 12 : i32
          %parallel_loop3A_246 = arith.addi %parallel_loop3A_118, %parallel_loop3A_245 : i32
          %parallel_loop3A_247 = vector.broadcast %parallel_loop3A_246 : i32 to vector<16xi32>
          %parallel_loop3A_248 = arith.addi %mul3A_23, %parallel_loop3A_247 : vector<16xi32>
          tpu.vector_store_idx %arg8[%parallel_loop3A_248], %parallel_loop3A_244 : memref<16384xf32, #tpu.memory_space<vmem>>[vector<16xi32>], vector<16xf32>,
          %parallel_loop3A_249 = arith.constant 16 : i32
          %parallel_loop3A_250 = arith.muli %parallel_loop3A_116, %parallel_loop3A_249 : i32
          %parallel_loop3A_251 = arith.constant 13 : i32
          %parallel_loop3A_252 = arith.index_cast %parallel_loop3A_251 : i32 to index
          %parallel_loop3A_253 = arith.index_cast %parallel_loop3A_250 : i32 to index
          %parallel_loop3A_254 = tpu.vector_load %arg6[%parallel_loop3A_252, %parallel_loop3A_253] {strides = array<i32>} : memref<32x512xf32, #tpu.memory_space<vmem>>, vector<16xf32>,
          %parallel_loop3A_255 = arith.constant 13 : i32
          %parallel_loop3A_256 = arith.addi %parallel_loop3A_118, %parallel_loop3A_255 : i32
          %parallel_loop3A_257 = vector.broadcast %parallel_loop3A_256 : i32 to vector<16xi32>
          %parallel_loop3A_258 = arith.addi %mul3A_23, %parallel_loop3A_257 : vector<16xi32>
          tpu.vector_store_idx %arg8[%parallel_loop3A_258], %parallel_loop3A_254 : memref<16384xf32, #tpu.memory_space<vmem>>[vector<16xi32>], vector<16xf32>,
          %parallel_loop3A_259 = arith.constant 16 : i32
          %parallel_loop3A_260 = arith.muli %parallel_loop3A_116, %parallel_loop3A_259 : i32
          %parallel_loop3A_261 = arith.constant 14 : i32
          %parallel_loop3A_262 = arith.index_cast %parallel_loop3A_261 : i32 to index
          %parallel_loop3A_263 = arith.index_cast %parallel_loop3A_260 : i32 to index
          %parallel_loop3A_264 = tpu.vector_load %arg6[%parallel_loop3A_262, %parallel_loop3A_263] {strides = array<i32>} : memref<32x512xf32, #tpu.memory_space<vmem>>, vector<16xf32>,
          %parallel_loop3A_265 = arith.constant 14 : i32
          %parallel_loop3A_266 = arith.addi %parallel_loop3A_118, %parallel_loop3A_265 : i32
          %parallel_loop3A_267 = vector.broadcast %parallel_loop3A_266 : i32 to vector<16xi32>
          %parallel_loop3A_268 = arith.addi %mul3A_23, %parallel_loop3A_267 : vector<16xi32>
          tpu.vector_store_idx %arg8[%parallel_loop3A_268], %parallel_loop3A_264 : memref<16384xf32, #tpu.memory_space<vmem>>[vector<16xi32>], vector<16xf32>,
          %parallel_loop3A_269 = arith.constant 16 : i32
          %parallel_loop3A_270 = arith.muli %parallel_loop3A_116, %parallel_loop3A_269 : i32
          %parallel_loop3A_271 = arith.constant 15 : i32
          %parallel_loop3A_272 = arith.index_cast %parallel_loop3A_271 : i32 to index
          %parallel_loop3A_273 = arith.index_cast %parallel_loop3A_270 : i32 to index
          %parallel_loop3A_274 = tpu.vector_load %arg6[%parallel_loop3A_272, %parallel_loop3A_273] {strides = array<i32>} : memref<32x512xf32, #tpu.memory_space<vmem>>, vector<16xf32>,
          %parallel_loop3A_275 = arith.constant 15 : i32
          %parallel_loop3A_276 = arith.addi %parallel_loop3A_118, %parallel_loop3A_275 : i32
          %parallel_loop3A_277 = vector.broadcast %parallel_loop3A_276 : i32 to vector<16xi32>
          %parallel_loop3A_278 = arith.addi %mul3A_23, %parallel_loop3A_277 : vector<16xi32>
          tpu.vector_store_idx %arg8[%parallel_loop3A_278], %parallel_loop3A_274 : memref<16384xf32, #tpu.memory_space<vmem>>[vector<16xi32>], vector<16xf32>,
          %parallel_loop3A_279 = arith.constant 16 : i32
          %parallel_loop3A_280 = arith.muli %parallel_loop3A_116, %parallel_loop3A_279 : i32
          %parallel_loop3A_281 = arith.constant 16 : i32
          %parallel_loop3A_282 = arith.index_cast %parallel_loop3A_281 : i32 to index
          %parallel_loop3A_283 = arith.index_cast %parallel_loop3A_280 : i32 to index
          %parallel_loop3A_284 = tpu.vector_load %arg6[%parallel_loop3A_282, %parallel_loop3A_283] {strides = array<i32>} : memref<32x512xf32, #tpu.memory_space<vmem>>, vector<16xf32>,
          %parallel_loop3A_285 = arith.constant 16 : i32
          %parallel_loop3A_286 = arith.addi %parallel_loop3A_118, %parallel_loop3A_285 : i32
          %parallel_loop3A_287 = vector.broadcast %parallel_loop3A_286 : i32 to vector<16xi32>
          %parallel_loop3A_288 = arith.addi %mul3A_23, %parallel_loop3A_287 : vector<16xi32>
          tpu.vector_store_idx %arg8[%parallel_loop3A_288], %parallel_loop3A_284 : memref<16384xf32, #tpu.memory_space<vmem>>[vector<16xi32>], vector<16xf32>,
          %parallel_loop3A_289 = arith.constant 16 : i32
          %parallel_loop3A_290 = arith.muli %parallel_loop3A_116, %parallel_loop3A_289 : i32
          %parallel_loop3A_291 = arith.constant 17 : i32
          %parallel_loop3A_292 = arith.index_cast %parallel_loop3A_291 : i32 to index
          %parallel_loop3A_293 = arith.index_cast %parallel_loop3A_290 : i32 to index
          %parallel_loop3A_294 = tpu.vector_load %arg6[%parallel_loop3A_292, %parallel_loop3A_293] {strides = array<i32>} : memref<32x512xf32, #tpu.memory_space<vmem>>, vector<16xf32>,
          %parallel_loop3A_295 = arith.constant 17 : i32
          %parallel_loop3A_296 = arith.addi %parallel_loop3A_118, %parallel_loop3A_295 : i32
          %parallel_loop3A_297 = vector.broadcast %parallel_loop3A_296 : i32 to vector<16xi32>
          %parallel_loop3A_298 = arith.addi %mul3A_23, %parallel_loop3A_297 : vector<16xi32>
          tpu.vector_store_idx %arg8[%parallel_loop3A_298], %parallel_loop3A_294 : memref<16384xf32, #tpu.memory_space<vmem>>[vector<16xi32>], vector<16xf32>,
          %parallel_loop3A_299 = arith.constant 16 : i32
          %parallel_loop3A_300 = arith.muli %parallel_loop3A_116, %parallel_loop3A_299 : i32
          %parallel_loop3A_301 = arith.constant 18 : i32
          %parallel_loop3A_302 = arith.index_cast %parallel_loop3A_301 : i32 to index
          %parallel_loop3A_303 = arith.index_cast %parallel_loop3A_300 : i32 to index
          %parallel_loop3A_304 = tpu.vector_load %arg6[%parallel_loop3A_302, %parallel_loop3A_303] {strides = array<i32>} : memref<32x512xf32, #tpu.memory_space<vmem>>, vector<16xf32>,
          %parallel_loop3A_305 = arith.constant 18 : i32
          %parallel_loop3A_306 = arith.addi %parallel_loop3A_118, %parallel_loop3A_305 : i32
          %parallel_loop3A_307 = vector.broadcast %parallel_loop3A_306 : i32 to vector<16xi32>
          %parallel_loop3A_308 = arith.addi %mul3A_23, %parallel_loop3A_307 : vector<16xi32>
          tpu.vector_store_idx %arg8[%parallel_loop3A_308], %parallel_loop3A_304 : memref<16384xf32, #tpu.memory_space<vmem>>[vector<16xi32>], vector<16xf32>,
          %parallel_loop3A_309 = arith.constant 16 : i32
          %parallel_loop3A_310 = arith.muli %parallel_loop3A_116, %parallel_loop3A_309 : i32
          %parallel_loop3A_311 = arith.constant 19 : i32
          %parallel_loop3A_312 = arith.index_cast %parallel_loop3A_311 : i32 to index
          %parallel_loop3A_313 = arith.index_cast %parallel_loop3A_310 : i32 to index
          %parallel_loop3A_314 = tpu.vector_load %arg6[%parallel_loop3A_312, %parallel_loop3A_313] {strides = array<i32>} : memref<32x512xf32, #tpu.memory_space<vmem>>, vector<16xf32>,
          %parallel_loop3A_315 = arith.constant 19 : i32
          %parallel_loop3A_316 = arith.addi %parallel_loop3A_118, %parallel_loop3A_315 : i32
          %parallel_loop3A_317 = vector.broadcast %parallel_loop3A_316 : i32 to vector<16xi32>
          %parallel_loop3A_318 = arith.addi %mul3A_23, %parallel_loop3A_317 : vector<16xi32>
          tpu.vector_store_idx %arg8[%parallel_loop3A_318], %parallel_loop3A_314 : memref<16384xf32, #tpu.memory_space<vmem>>[vector<16xi32>], vector<16xf32>,
          %parallel_loop3A_319 = arith.constant 16 : i32
          %parallel_loop3A_320 = arith.muli %parallel_loop3A_116, %parallel_loop3A_319 : i32
          %parallel_loop3A_321 = arith.constant 20 : i32
          %parallel_loop3A_322 = arith.index_cast %parallel_loop3A_321 : i32 to index
          %parallel_loop3A_323 = arith.index_cast %parallel_loop3A_320 : i32 to index
          %parallel_loop3A_324 = tpu.vector_load %arg6[%parallel_loop3A_322, %parallel_loop3A_323] {strides = array<i32>} : memref<32x512xf32, #tpu.memory_space<vmem>>, vector<16xf32>,
          %parallel_loop3A_325 = arith.constant 20 : i32
          %parallel_loop3A_326 = arith.addi %parallel_loop3A_118, %parallel_loop3A_325 : i32
          %parallel_loop3A_327 = vector.broadcast %parallel_loop3A_326 : i32 to vector<16xi32>
          %parallel_loop3A_328 = arith.addi %mul3A_23, %parallel_loop3A_327 : vector<16xi32>
          tpu.vector_store_idx %arg8[%parallel_loop3A_328], %parallel_loop3A_324 : memref<16384xf32, #tpu.memory_space<vmem>>[vector<16xi32>], vector<16xf32>,
          %parallel_loop3A_329 = arith.constant 16 : i32
          %parallel_loop3A_330 = arith.muli %parallel_loop3A_116, %parallel_loop3A_329 : i32
          %parallel_loop3A_331 = arith.constant 21 : i32
          %parallel_loop3A_332 = arith.index_cast %parallel_loop3A_331 : i32 to index
          %parallel_loop3A_333 = arith.index_cast %parallel_loop3A_330 : i32 to index
          %parallel_loop3A_334 = tpu.vector_load %arg6[%parallel_loop3A_332, %parallel_loop3A_333] {strides = array<i32>} : memref<32x512xf32, #tpu.memory_space<vmem>>, vector<16xf32>,
          %parallel_loop3A_335 = arith.constant 21 : i32
          %parallel_loop3A_336 = arith.addi %parallel_loop3A_118, %parallel_loop3A_335 : i32
          %parallel_loop3A_337 = vector.broadcast %parallel_loop3A_336 : i32 to vector<16xi32>
          %parallel_loop3A_338 = arith.addi %mul3A_23, %parallel_loop3A_337 : vector<16xi32>
          tpu.vector_store_idx %arg8[%parallel_loop3A_338], %parallel_loop3A_334 : memref<16384xf32, #tpu.memory_space<vmem>>[vector<16xi32>], vector<16xf32>,
          %parallel_loop3A_339 = arith.constant 16 : i32
          %parallel_loop3A_340 = arith.muli %parallel_loop3A_116, %parallel_loop3A_339 : i32
          %parallel_loop3A_341 = arith.constant 22 : i32
          %parallel_loop3A_342 = arith.index_cast %parallel_loop3A_341 : i32 to index
          %parallel_loop3A_343 = arith.index_cast %parallel_loop3A_340 : i32 to index
          %parallel_loop3A_344 = tpu.vector_load %arg6[%parallel_loop3A_342, %parallel_loop3A_343] {strides = array<i32>} : memref<32x512xf32, #tpu.memory_space<vmem>>, vector<16xf32>,
          %parallel_loop3A_345 = arith.constant 22 : i32
          %parallel_loop3A_346 = arith.addi %parallel_loop3A_118, %parallel_loop3A_345 : i32
          %parallel_loop3A_347 = vector.broadcast %parallel_loop3A_346 : i32 to vector<16xi32>
          %parallel_loop3A_348 = arith.addi %mul3A_23, %parallel_loop3A_347 : vector<16xi32>
          tpu.vector_store_idx %arg8[%parallel_loop3A_348], %parallel_loop3A_344 : memref<16384xf32, #tpu.memory_space<vmem>>[vector<16xi32>], vector<16xf32>,
          %parallel_loop3A_349 = arith.constant 16 : i32
          %parallel_loop3A_350 = arith.muli %parallel_loop3A_116, %parallel_loop3A_349 : i32
          %parallel_loop3A_351 = arith.constant 23 : i32
          %parallel_loop3A_352 = arith.index_cast %parallel_loop3A_351 : i32 to index
          %parallel_loop3A_353 = arith.index_cast %parallel_loop3A_350 : i32 to index
          %parallel_loop3A_354 = tpu.vector_load %arg6[%parallel_loop3A_352, %parallel_loop3A_353] {strides = array<i32>} : memref<32x512xf32, #tpu.memory_space<vmem>>, vector<16xf32>,
          %parallel_loop3A_355 = arith.constant 23 : i32
          %parallel_loop3A_356 = arith.addi %parallel_loop3A_118, %parallel_loop3A_355 : i32
          %parallel_loop3A_357 = vector.broadcast %parallel_loop3A_356 : i32 to vector<16xi32>
          %parallel_loop3A_358 = arith.addi %mul3A_23, %parallel_loop3A_357 : vector<16xi32>
          tpu.vector_store_idx %arg8[%parallel_loop3A_358], %parallel_loop3A_354 : memref<16384xf32, #tpu.memory_space<vmem>>[vector<16xi32>], vector<16xf32>,
          %parallel_loop3A_359 = arith.constant 16 : i32
          %parallel_loop3A_360 = arith.muli %parallel_loop3A_116, %parallel_loop3A_359 : i32
          %parallel_loop3A_361 = arith.constant 24 : i32
          %parallel_loop3A_362 = arith.index_cast %parallel_loop3A_361 : i32 to index
          %parallel_loop3A_363 = arith.index_cast %parallel_loop3A_360 : i32 to index
          %parallel_loop3A_364 = tpu.vector_load %arg6[%parallel_loop3A_362, %parallel_loop3A_363] {strides = array<i32>} : memref<32x512xf32, #tpu.memory_space<vmem>>, vector<16xf32>,
          %parallel_loop3A_365 = arith.constant 24 : i32
          %parallel_loop3A_366 = arith.addi %parallel_loop3A_118, %parallel_loop3A_365 : i32
          %parallel_loop3A_367 = vector.broadcast %parallel_loop3A_366 : i32 to vector<16xi32>
          %parallel_loop3A_368 = arith.addi %mul3A_23, %parallel_loop3A_367 : vector<16xi32>
          tpu.vector_store_idx %arg8[%parallel_loop3A_368], %parallel_loop3A_364 : memref<16384xf32, #tpu.memory_space<vmem>>[vector<16xi32>], vector<16xf32>,
          %parallel_loop3A_369 = arith.constant 16 : i32
          %parallel_loop3A_370 = arith.muli %parallel_loop3A_116, %parallel_loop3A_369 : i32
          %parallel_loop3A_371 = arith.constant 25 : i32
          %parallel_loop3A_372 = arith.index_cast %parallel_loop3A_371 : i32 to index
          %parallel_loop3A_373 = arith.index_cast %parallel_loop3A_370 : i32 to index
          %parallel_loop3A_374 = tpu.vector_load %arg6[%parallel_loop3A_372, %parallel_loop3A_373] {strides = array<i32>} : memref<32x512xf32, #tpu.memory_space<vmem>>, vector<16xf32>,
          %parallel_loop3A_375 = arith.constant 25 : i32
          %parallel_loop3A_376 = arith.addi %parallel_loop3A_118, %parallel_loop3A_375 : i32
          %parallel_loop3A_377 = vector.broadcast %parallel_loop3A_376 : i32 to vector<16xi32>
          %parallel_loop3A_378 = arith.addi %mul3A_23, %parallel_loop3A_377 : vector<16xi32>
          tpu.vector_store_idx %arg8[%parallel_loop3A_378], %parallel_loop3A_374 : memref<16384xf32, #tpu.memory_space<vmem>>[vector<16xi32>], vector<16xf32>,
          %parallel_loop3A_379 = arith.constant 16 : i32
          %parallel_loop3A_380 = arith.muli %parallel_loop3A_116, %parallel_loop3A_379 : i32
          %parallel_loop3A_381 = arith.constant 26 : i32
          %parallel_loop3A_382 = arith.index_cast %parallel_loop3A_381 : i32 to index
          %parallel_loop3A_383 = arith.index_cast %parallel_loop3A_380 : i32 to index
          %parallel_loop3A_384 = tpu.vector_load %arg6[%parallel_loop3A_382, %parallel_loop3A_383] {strides = array<i32>} : memref<32x512xf32, #tpu.memory_space<vmem>>, vector<16xf32>,
          %parallel_loop3A_385 = arith.constant 26 : i32
          %parallel_loop3A_386 = arith.addi %parallel_loop3A_118, %parallel_loop3A_385 : i32
          %parallel_loop3A_387 = vector.broadcast %parallel_loop3A_386 : i32 to vector<16xi32>
          %parallel_loop3A_388 = arith.addi %mul3A_23, %parallel_loop3A_387 : vector<16xi32>
          tpu.vector_store_idx %arg8[%parallel_loop3A_388], %parallel_loop3A_384 : memref<16384xf32, #tpu.memory_space<vmem>>[vector<16xi32>], vector<16xf32>,
          %parallel_loop3A_389 = arith.constant 16 : i32
          %parallel_loop3A_390 = arith.muli %parallel_loop3A_116, %parallel_loop3A_389 : i32
          %parallel_loop3A_391 = arith.constant 27 : i32
          %parallel_loop3A_392 = arith.index_cast %parallel_loop3A_391 : i32 to index
          %parallel_loop3A_393 = arith.index_cast %parallel_loop3A_390 : i32 to index
          %parallel_loop3A_394 = tpu.vector_load %arg6[%parallel_loop3A_392, %parallel_loop3A_393] {strides = array<i32>} : memref<32x512xf32, #tpu.memory_space<vmem>>, vector<16xf32>,
          %parallel_loop3A_395 = arith.constant 27 : i32
          %parallel_loop3A_396 = arith.addi %parallel_loop3A_118, %parallel_loop3A_395 : i32
          %parallel_loop3A_397 = vector.broadcast %parallel_loop3A_396 : i32 to vector<16xi32>
          %parallel_loop3A_398 = arith.addi %mul3A_23, %parallel_loop3A_397 : vector<16xi32>
          tpu.vector_store_idx %arg8[%parallel_loop3A_398], %parallel_loop3A_394 : memref<16384xf32, #tpu.memory_space<vmem>>[vector<16xi32>], vector<16xf32>,
          %parallel_loop3A_399 = arith.constant 16 : i32
          %parallel_loop3A_400 = arith.muli %parallel_loop3A_116, %parallel_loop3A_399 : i32
          %parallel_loop3A_401 = arith.constant 28 : i32
          %parallel_loop3A_402 = arith.index_cast %parallel_loop3A_401 : i32 to index
          %parallel_loop3A_403 = arith.index_cast %parallel_loop3A_400 : i32 to index
          %parallel_loop3A_404 = tpu.vector_load %arg6[%parallel_loop3A_402, %parallel_loop3A_403] {strides = array<i32>} : memref<32x512xf32, #tpu.memory_space<vmem>>, vector<16xf32>,
          %parallel_loop3A_405 = arith.constant 28 : i32
          %parallel_loop3A_406 = arith.addi %parallel_loop3A_118, %parallel_loop3A_405 : i32
          %parallel_loop3A_407 = vector.broadcast %parallel_loop3A_406 : i32 to vector<16xi32>
          %parallel_loop3A_408 = arith.addi %mul3A_23, %parallel_loop3A_407 : vector<16xi32>
          tpu.vector_store_idx %arg8[%parallel_loop3A_408], %parallel_loop3A_404 : memref<16384xf32, #tpu.memory_space<vmem>>[vector<16xi32>], vector<16xf32>,
          %parallel_loop3A_409 = arith.constant 16 : i32
          %parallel_loop3A_410 = arith.muli %parallel_loop3A_116, %parallel_loop3A_409 : i32
          %parallel_loop3A_411 = arith.constant 29 : i32
          %parallel_loop3A_412 = arith.index_cast %parallel_loop3A_411 : i32 to index
          %parallel_loop3A_413 = arith.index_cast %parallel_loop3A_410 : i32 to index
          %parallel_loop3A_414 = tpu.vector_load %arg6[%parallel_loop3A_412, %parallel_loop3A_413] {strides = array<i32>} : memref<32x512xf32, #tpu.memory_space<vmem>>, vector<16xf32>,
          %parallel_loop3A_415 = arith.constant 29 : i32
          %parallel_loop3A_416 = arith.addi %parallel_loop3A_118, %parallel_loop3A_415 : i32
          %parallel_loop3A_417 = vector.broadcast %parallel_loop3A_416 : i32 to vector<16xi32>
          %parallel_loop3A_418 = arith.addi %mul3A_23, %parallel_loop3A_417 : vector<16xi32>
          tpu.vector_store_idx %arg8[%parallel_loop3A_418], %parallel_loop3A_414 : memref<16384xf32, #tpu.memory_space<vmem>>[vector<16xi32>], vector<16xf32>,
          %parallel_loop3A_419 = arith.constant 16 : i32
          %parallel_loop3A_420 = arith.muli %parallel_loop3A_116, %parallel_loop3A_419 : i32
          %parallel_loop3A_421 = arith.constant 30 : i32
          %parallel_loop3A_422 = arith.index_cast %parallel_loop3A_421 : i32 to index
          %parallel_loop3A_423 = arith.index_cast %parallel_loop3A_420 : i32 to index
          %parallel_loop3A_424 = tpu.vector_load %arg6[%parallel_loop3A_422, %parallel_loop3A_423] {strides = array<i32>} : memref<32x512xf32, #tpu.memory_space<vmem>>, vector<16xf32>,
          %parallel_loop3A_425 = arith.constant 30 : i32
          %parallel_loop3A_426 = arith.addi %parallel_loop3A_118, %parallel_loop3A_425 : i32
          %parallel_loop3A_427 = vector.broadcast %parallel_loop3A_426 : i32 to vector<16xi32>
          %parallel_loop3A_428 = arith.addi %mul3A_23, %parallel_loop3A_427 : vector<16xi32>
          tpu.vector_store_idx %arg8[%parallel_loop3A_428], %parallel_loop3A_424 : memref<16384xf32, #tpu.memory_space<vmem>>[vector<16xi32>], vector<16xf32>,
          %parallel_loop3A_429 = arith.constant 16 : i32
          %parallel_loop3A_430 = arith.muli %parallel_loop3A_116, %parallel_loop3A_429 : i32
          %parallel_loop3A_431 = arith.constant 31 : i32
          %parallel_loop3A_432 = arith.index_cast %parallel_loop3A_431 : i32 to index
          %parallel_loop3A_433 = arith.index_cast %parallel_loop3A_430 : i32 to index
          %parallel_loop3A_434 = tpu.vector_load %arg6[%parallel_loop3A_432, %parallel_loop3A_433] {strides = array<i32>} : memref<32x512xf32, #tpu.memory_space<vmem>>, vector<16xf32>,
          %parallel_loop3A_435 = arith.constant 31 : i32
          %parallel_loop3A_436 = arith.addi %parallel_loop3A_118, %parallel_loop3A_435 : i32
          %parallel_loop3A_437 = vector.broadcast %parallel_loop3A_436 : i32 to vector<16xi32>
          %parallel_loop3A_438 = arith.addi %mul3A_23, %parallel_loop3A_437 : vector<16xi32>
          tpu.vector_store_idx %arg8[%parallel_loop3A_438], %parallel_loop3A_434 : memref<16384xf32, #tpu.memory_space<vmem>>[vector<16xi32>], vector<16xf32>,
        } {sc.loop_unroll_factor = 4 : i64, sc.parallel_access}
        %mul3A_101 = arith.constant 32 : i32
        %mul3A_102 = arith.muli %mul3A_101, %add3A_81 : i32
        %add3A_103 = arith.addi %add3A, %mul3A_102 : i32
        %mul3A_104 = arith.constant 512 : i32
        %mul3A_105 = arith.muli %add3A_103, %mul3A_104 : i32
        %mul3A_106 = arith.constant 32 : i32
        %mul3A_107 = arith.muli %mul3A_105, %mul3A_106 : i32
        %dma_start3A_108 = tpu.memref_slice %arg4[%mul3A_107] : memref<32000000xf32, #tpu.memory_space<hbm>> -> memref<16384xf32, #tpu.memory_space<hbm>>
        %dma_start3A_109 = tpu.memref_slice %arg4[%mul3A_107] : memref<32000000xf32, #tpu.memory_space<hbm>> -> memref<16384xf32, #tpu.memory_space<hbm>>
        tpu.enqueue_dma source(%arg8 : memref<16384xf32, #tpu.memory_space<vmem>>) target(%dma_start3A_109 : memref<16384xf32, #tpu.memory_space<hbm>>) target_semaphore(%arg12 : memref<!tpu.dma_semaphore, #tpu.memory_space<semaphore_mem>>)
        %add3A_110 = arith.constant 2 : i32
        %add3A_111 = arith.addi %add3A_81, %add3A_110 : i32
        %lt3A_112 = arith.cmpi slt, %add3A_111, %add3A_20 : i32
        %convert_element_type3A_113 = arith.extui %lt3A_112 : i1 to i32
        %cond3A_114 = arith.constant 0 : i32
        %cond3A_115 = arith.cmpi ne, %convert_element_type3A_113, %cond3A_114 : i32
        scf.if %cond3A_115 {
          %add3A_116 = arith.constant 2 : i32
          %add3A_117 = arith.addi %add3A_81, %add3A_116 : i32
          %mul3A_118 = arith.constant 32 : i32
          %mul3A_119 = arith.muli %mul3A_118, %add3A_117 : i32
          %add3A_120 = arith.addi %add3A, %mul3A_119 : i32
          %mul3A_121 = arith.constant 512 : i32
          %mul3A_122 = arith.muli %add3A_120, %mul3A_121 : i32
          %dma_start3A_123 = arith.constant 0 : i32
          %dma_start3A_124 = tpu.memref_slice %arg2[%dma_start3A_123, %mul3A_122] : memref<32x1000000xf32, #tpu.memory_space<hbm>> -> memref<32x512xf32, #tpu.memory_space<hbm>>
          %dma_start3A_125 = arith.constant 0 : i32
          %dma_start3A_126 = tpu.memref_slice %arg2[%dma_start3A_125, %mul3A_122] : memref<32x1000000xf32, #tpu.memory_space<hbm>> -> memref<32x512xf32, #tpu.memory_space<hbm>>
          tpu.enqueue_dma source(%dma_start3A_126 : memref<32x512xf32, #tpu.memory_space<hbm>>) target(%arg6 : memref<32x512xf32, #tpu.memory_space<vmem>>) target_semaphore(%arg10 : memref<!tpu.dma_semaphore, #tpu.memory_space<semaphore_mem>>)
        } else {
        }
      } else {
      }
    }
    %scan3A_42 = arith.constant 31 : i32
    %sub3A_43 = arith.constant 2 : i32
    %sub3A_44 = arith.subi %add3A_20, %sub3A_43 : i32
    %mul3A_45 = arith.constant 32 : i32
    %mul3A_46 = arith.muli %mul3A_45, %sub3A_44 : i32
    %add3A_47 = arith.addi %add3A, %mul3A_46 : i32
    %mul3A_48 = arith.constant 512 : i32
    %mul3A_49 = arith.muli %add3A_47, %mul3A_48 : i32
    %mul3A_50 = arith.constant 32 : i32
    %mul3A_51 = arith.muli %mul3A_49, %mul3A_50 : i32
    %dma_wait3A = tpu.memref_slice %arg4[%mul3A_51] : memref<32000000xf32, #tpu.memory_space<hbm>> -> memref<16384xf32, #tpu.memory_space<hbm>>
    %dma_wait3A_52 = tpu.memref_slice %arg4[%mul3A_51] : memref<32000000xf32, #tpu.memory_space<hbm>> -> memref<16384xf32, #tpu.memory_space<hbm>>
    tpu.wait_dma2 semaphore(%arg11 : memref<!tpu.dma_semaphore, #tpu.memory_space<semaphore_mem>>) src(%arg7 : memref<16384xf32, #tpu.memory_space<vmem>>) dst(%dma_wait3A_52 : memref<16384xf32, #tpu.memory_space<hbm>>)
    %sub3A_53 = arith.constant 1 : i32
    %sub3A_54 = arith.subi %add3A_20, %sub3A_53 : i32
    %mul3A_55 = arith.constant 32 : i32
    %mul3A_56 = arith.muli %mul3A_55, %sub3A_54 : i32
    %add3A_57 = arith.addi %add3A, %mul3A_56 : i32
    %mul3A_58 = arith.constant 512 : i32
    %mul3A_59 = arith.muli %add3A_57, %mul3A_58 : i32
    %mul3A_60 = arith.constant 32 : i32
    %mul3A_61 = arith.muli %mul3A_59, %mul3A_60 : i32
    %dma_wait3A_62 = tpu.memref_slice %arg4[%mul3A_61] : memref<32000000xf32, #tpu.memory_space<hbm>> -> memref<16384xf32, #tpu.memory_space<hbm>>
    %dma_wait3A_63 = tpu.memref_slice %arg4[%mul3A_61] : memref<32000000xf32, #tpu.memory_space<hbm>> -> memref<16384xf32, #tpu.memory_space<hbm>>
    tpu.wait_dma2 semaphore(%arg12 : memref<!tpu.dma_semaphore, #tpu.memory_space<semaphore_mem>>) src(%arg8 : memref<16384xf32, #tpu.memory_space<vmem>>) dst(%dma_wait3A_63 : memref<16384xf32, #tpu.memory_space<hbm>>)
    %eq3A = arith.constant 1 : i32
    %eq3A_64 = arith.cmpi eq, %add3A, %eq3A : i32
    %convert_element_type3A = arith.extui %eq3A_64 : i1 to i32
    %cond3A = arith.constant 0 : i32
    %cond3A_65 = arith.cmpi ne, %convert_element_type3A, %cond3A : i32
    scf.if %cond3A_65 {
      "tpu.region"() ({
        %run_scoped3A = tpu.sem_alloc : memref<!tpu.dma_semaphore, #tpu.memory_space<semaphore_mem>>
        %dma_start3A_66 = arith.constant 0 : i32
        %dma_start3A_67 = tpu.memref_slice %arg7[%dma_start3A_66] : memref<16384xf32, #tpu.memory_space<vmem>> -> memref<2048xf32, #tpu.memory_space<vmem>>
        %dma_start3A_68 = arith.constant 0 : i32
        %dma_start3A_69 = tpu.memref_slice %arg7[%dma_start3A_68] : memref<16384xf32, #tpu.memory_space<vmem>> -> memref<2048xf32, #tpu.memory_space<vmem>>
        tpu.enqueue_dma source(%arg3 : memref<2048xf32, #tpu.memory_space<hbm>>) target(%dma_start3A_69 : memref<2048xf32, #tpu.memory_space<vmem>>) target_semaphore(%run_scoped3A : memref<!tpu.dma_semaphore, #tpu.memory_space<semaphore_mem>>)
        %dma_wait3A_70 = arith.constant 0 : i32
        %dma_wait3A_71 = tpu.memref_slice %arg7[%dma_wait3A_70] : memref<16384xf32, #tpu.memory_space<vmem>> -> memref<2048xf32, #tpu.memory_space<vmem>>
        %dma_wait3A_72 = arith.constant 0 : i32
        %dma_wait3A_73 = tpu.memref_slice %arg7[%dma_wait3A_72] : memref<16384xf32, #tpu.memory_space<vmem>> -> memref<2048xf32, #tpu.memory_space<vmem>>
        tpu.wait_dma2 semaphore(%run_scoped3A : memref<!tpu.dma_semaphore, #tpu.memory_space<semaphore_mem>>) src(%arg3 : memref<2048xf32, #tpu.memory_space<hbm>>) dst(%dma_wait3A_73 : memref<2048xf32, #tpu.memory_space<vmem>>)
        tpu.yield
      }) : () -> ()
      "tpu.region"() ({
        %run_scoped3A = tpu.sem_alloc : memref<!tpu.dma_semaphore, #tpu.memory_space<semaphore_mem>>
        %dma_start3A_66 = arith.constant 0 : i32
        %dma_start3A_67 = tpu.memref_slice %arg7[%dma_start3A_66] : memref<16384xf32, #tpu.memory_space<vmem>> -> memref<2048xf32, #tpu.memory_space<vmem>>
        %dma_start3A_68 = arith.constant 31997952 : i32
        %dma_start3A_69 = tpu.memref_slice %arg4[%dma_start3A_68] : memref<32000000xf32, #tpu.memory_space<hbm>> -> memref<2048xf32, #tpu.memory_space<hbm>>
        %dma_start3A_70 = arith.constant 31997952 : i32
        %dma_start3A_71 = tpu.memref_slice %arg4[%dma_start3A_70] : memref<32000000xf32, #tpu.memory_space<hbm>> -> memref<2048xf32, #tpu.memory_space<hbm>>
        %dma_start3A_72 = arith.constant 0 : i32
        %dma_start3A_73 = tpu.memref_slice %arg7[%dma_start3A_72] : memref<16384xf32, #tpu.memory_space<vmem>> -> memref<2048xf32, #tpu.memory_space<vmem>>
        tpu.enqueue_dma source(%dma_start3A_73 : memref<2048xf32, #tpu.memory_space<vmem>>) target(%dma_start3A_71 : memref<2048xf32, #tpu.memory_space<hbm>>) target_semaphore(%run_scoped3A : memref<!tpu.dma_semaphore, #tpu.memory_space<semaphore_mem>>)
        %dma_wait3A_74 = arith.constant 0 : i32
        %dma_wait3A_75 = tpu.memref_slice %arg7[%dma_wait3A_74] : memref<16384xf32, #tpu.memory_space<vmem>> -> memref<2048xf32, #tpu.memory_space<vmem>>
        %dma_wait3A_76 = arith.constant 31997952 : i32
        %dma_wait3A_77 = tpu.memref_slice %arg4[%dma_wait3A_76] : memref<32000000xf32, #tpu.memory_space<hbm>> -> memref<2048xf32, #tpu.memory_space<hbm>>
        %dma_wait3A_78 = arith.constant 31997952 : i32
        %dma_wait3A_79 = tpu.memref_slice %arg4[%dma_wait3A_78] : memref<32000000xf32, #tpu.memory_space<hbm>> -> memref<2048xf32, #tpu.memory_space<hbm>>
        %dma_wait3A_80 = arith.constant 0 : i32
        %dma_wait3A_81 = tpu.memref_slice %arg7[%dma_wait3A_80] : memref<16384xf32, #tpu.memory_space<vmem>> -> memref<2048xf32, #tpu.memory_space<vmem>>
        tpu.wait_dma2 semaphore(%run_scoped3A : memref<!tpu.dma_semaphore, #tpu.memory_space<semaphore_mem>>) src(%dma_wait3A_81 : memref<2048xf32, #tpu.memory_space<vmem>>) dst(%dma_wait3A_79 : memref<2048xf32, #tpu.memory_space<hbm>>)
        tpu.yield
      }) : () -> ()
    } else {
    }
    return
  }
}

</mosaic_0001>

<sc_bundles>
// kernel: _transpose_table.3.cloned.1.call-start
scs
__scs_entry_jumppad:
0x0: {  	(pc) =	sbr.rel $0x88, $3  }
0x1: {  	(tag) =	ssettag $0x0;
	lr =	simm.s32 $0x1  }
0x2: {  	[smem:$0x3F9F] =	sst lr;
	_ =	strace $0xD0000000  }
0x3: {  	_ = 	snop  }
0x4: {  	_ = 	snop  }
0x5: {  	_ = 	snop  }
0x6: {  	_ = 	snop  }
0x7: {  	_ = 	snop  }
__scs_overlays_trampoline_lowered:
0x8: {  	[smem:$0x3FAE] =	sst s0  }
0x9: {  	[smem:$0x3FAF] =	sst s1  }
0xa: {  	[smem:$0x3FB0] =	sst s2  }
0xb: {  	[smem:$0x3FB1] =	sst s3  }
0xc: {  	[smem:$0x3FB2] =	sst s4  }
0xd: {  	[smem:$0x3FB3] =	sst s5  }
0xe: {  	[smem:$0x3FB4] =	sst s6  }
0xf: {  	[smem:$0x3FB5] =	sst s7  }
0x10: {  	[smem:$0x3FB6] =	sst s8  }
0x11: {  	[smem:$0x3FB7] =	sst s9;
	s0 =	simm.s32 @!p0 $0x0  }
0x12: {  	s1 =	sld [smem:$0x3F9D];
	s0 =	simm.s32 @p0 $0x1  }
0x13: {  	[smem:$0x3FB8] =	sst s0;
	s0 =	simm.s32 @!p1 $0x0  }
0x14: {  	s2 =	sld [smem:$0x3F9C];
	s0 =	simm.s32 @p1 $0x1  }
0x15: {  	[smem:$0x3FB9] =	sst s0;
	s0 =	simm.s32 @!p2 $0x0  }
0x16: {  	s3 =	sld [smem:$0x3FDB];
	s0 =	simm.s32 @p2 $0x1  }
0x17: {  	s4 =	simm.s32 $0x1BF5;
	[smem:$0x3FBB] =	sst s0  }
0x18: {  	s0 =	sld [smem:$0x3F9E];
	_ =	swait.ge [sflag:s4], $0x0  }
0x19: {  	s7 =	sld [smem:$0x3F9F]  }
0x1a: {  	s8 =	sadd.s32 $0xFFFFE003, lr  }
0x1b: {  	s9 =	sadd.s32 $0xFFFFFEF7, lr;
	s5 =	simm.s32 $0xFFFFFFFF;
	p2 =	slt.u32 s8, $0xFFFFF086  }
0x1c: {  	p1 =	slt.u32 s9, $0xF7A;
	s5 =	simm.s32 @!p2 $0x0  }
0x1d: {  	s5 =	simm.s32 @p1 $0x1;
	p0 =	seq.s32 s7, s2  }
0x1e: {  	s7 =	smul.u32 @!p0 $0xF7A, s2;
	p2 =	seq.s32 @!p0 s5, $0x0  }
0x1f: {  	s9 =	smul.u32 $0xF7A, s1;
	s8 =	simm.s32 @!p0 $0x1BF5;
	p2 =	por !p2, p0  }
0x20: {  	[sflag:s8] =	ssyncset.s32 @!p0 $0xFFFFF086;
	s6 =	sadd.s32 @!p0 s3, s7;
	s7 =	simm.s32 @!p0 $0x108  }
0x21: {  	s3 =	sadd.s32 s3, s9;
	s6 =	sadd.s32 @!p0 $0x88, s6;
	s7 =	simm.s32 @p2 $0x1082  }
0x22: {  	[simem:s7], [sflag:s8] =	dma.local @!p0 [hbm:s6], $0xF7A  }
0x23: {  	s9 =	sor.u32 $0xD0000000, s2;
	s6 =	simm.s32 $0x108;
	_ =	swait.ge @!p0 [sflag:s8], $0x0  }
0x24: {  	s3 =	sadd.s32 $0x88, s3;
	s6 =	simm.s32 @!p1 $0x1082;
	[sflag:s4] =	ssyncset.s32 $0xFFFFF086  }
0x25: {  	[simem:s6], [sflag:s4] =	dma.local [hbm:s3], $0xF7A  }
0x26: {  	[smem:$0x3F9F] =	sst s1;
	(tag) =	ssettag s2;
	_ =	strace s9  }
0x27: {  	s1 =	sld [smem:$0x3FAF]  }
0x28: {  	s2 =	sld [smem:$0x3FB0]  }
0x29: {  	s4 =	sld [smem:$0x3FB2]  }
0x2a: {  	p0 =	seq.s32 s5, $0x0;
	s5 =	sld [smem:$0x3FB3]  }
0x2b: {  	s6 =	sld [smem:$0x3FB4]  }
0x2c: {  	s7 =	sld [smem:$0x3FB5]  }
0x2d: {  	s3 =	simm.s32 $0x108;
	s8 =	sld [smem:$0x3FB6]  }
0x2e: {  	s3 =	simm.s32 @!p0 $0x1082;
	s9 =	sld [smem:$0x3FB7]  }
0x2f: {  	lr =	sadd.s32 s0, s3;
	s0 =	sld [smem:$0x3FAE]  }
0x30: {  	s3 =	sld [smem:$0x3FB1]  }
0x31: {  	[smem:$0x3FBA] =	sst s10  }
0x32: {  	s10 =	sld [smem:$0x3FB8];
	_ =	sdelay $0x3  }
0x33: {  	p0 =	seq.s32 s10, $0x1;
	s10 =	sld [smem:$0x3FBA];
	_ =	sdelay $0x3  }
0x34: {  	[smem:$0x3FBA] =	sst s10  }
0x35: {  	s10 =	sld [smem:$0x3FB9];
	_ =	sdelay $0x3  }
0x36: {  	p1 =	seq.s32 s10, $0x1;
	s10 =	sld [smem:$0x3FBA];
	_ =	sdelay $0x3  }
0x37: {  	[smem:$0x3FBA] =	sst s10  }
0x38: {  	s10 =	sld [smem:$0x3FBB]  }
0x39: {  	_ = 	snop;
	(pc) =	sbr.ind lr, $3  }
0x3a: {  	_ = 	snop  }
0x3b: {  	_ = 	snop  }
0x3c: {  	p2 =	seq.s32 s10, $0x1;
	s10 =	sld [smem:$0x3FBA]  }
0x3d: {  	_ =	shalt  }
0x3e: {  	_ =	shalt  }
0x3f: {  	_ =	shalt  }
0x40: {  	_ =	shalt  }
0x41: {  	_ =	shalt  }
0x42: {  	_ =	shalt  }
0x43: {  	_ =	shalt  }
0x44: {  	_ =	shalt  }
0x45: {  	_ =	shalt  }
0x46: {  	_ =	shalt  }
0x47: {  	_ =	shalt  }
0x48: {  	_ =	shalt  }
0x49: {  	_ =	shalt  }
0x4a: {  	_ =	shalt  }
0x4b: {  	_ =	shalt  }
0x4c: {  	_ =	shalt  }
0x4d: {  	_ =	shalt  }
0x4e: {  	_ =	shalt  }
0x4f: {  	_ =	shalt  }
0x50: {  	_ =	shalt  }
0x51: {  	_ =	shalt  }
0x52: {  	_ =	shalt  }
0x53: {  	_ =	shalt  }
0x54: {  	_ =	shalt  }
0x55: {  	_ =	shalt  }
0x56: {  	_ =	shalt  }
0x57: {  	_ =	shalt  }
0x58: {  	_ =	shalt  }
0x59: {  	_ =	shalt  }
0x5a: {  	_ =	shalt  }
0x5b: {  	_ =	shalt  }
0x5c: {  	_ =	shalt  }
0x5d: {  	_ =	shalt  }
0x5e: {  	_ =	shalt  }
0x5f: {  	_ =	shalt  }
0x60: {  	_ =	shalt  }
0x61: {  	_ =	shalt  }
0x62: {  	_ =	shalt  }
0x63: {  	_ =	shalt  }
0x64: {  	_ =	shalt  }
0x65: {  	_ =	shalt  }
0x66: {  	_ =	shalt  }
0x67: {  	_ =	shalt  }
0x68: {  	_ =	shalt  }
0x69: {  	_ =	shalt  }
0x6a: {  	_ =	shalt  }
0x6b: {  	_ =	shalt  }
0x6c: {  	_ =	shalt  }
0x6d: {  	_ =	shalt  }
0x6e: {  	_ =	shalt  }
0x6f: {  	_ =	shalt  }
0x70: {  	_ =	shalt  }
0x71: {  	_ =	shalt  }
0x72: {  	_ =	shalt  }
0x73: {  	_ =	shalt  }
0x74: {  	_ =	shalt  }
0x75: {  	_ =	shalt  }
0x76: {  	_ =	shalt  }
0x77: {  	_ =	shalt  }
0x78: {  	_ =	shalt  }
0x79: {  	_ =	shalt  }
0x7a: {  	_ =	shalt  }
0x7b: {  	_ =	shalt  }
0x7c: {  	_ =	shalt  }
0x7d: {  	_ =	shalt  }
0x7e: {  	_ =	shalt  }
0x7f: {  	_ =	shalt  }
0x80: {  	_ =	shalt  }
0x81: {  	_ =	shalt  }
0x82: {  	_ =	shalt  }
0x83: {  	_ =	shalt  }
0x84: {  	_ =	shalt  }
0x85: {  	_ =	shalt  }
0x86: {  	_ =	shalt  }
0x87: {  	_ =	shalt  }
.Lfunc_end0:
.L_simem_size_0:
called_computation_lowered:
.L_overlay_start_0:
0x88: {  	s2 =	sld [smem:$0x3FD9]  }
0x89: {  	s3 =	sld [smem:$0x3FFE];
	_ =	sdelay $0x1  }
0x8a: {  	s1 =	srdreg.scid  }
0x8b: {  	s0 =	sand.u32 $0x1, s1  }
0x8c: {  	s18 =	sshll.u32 s0, $0xA;
	s2 =	sadd.s32 s3, s2  }
0x8d: {  	s2 =	sadd.s32 s2, s18  }
0x8e: {  	[smem:$0x3FC6] =	sst s2  }
0x8f: {  	_ = 	snop  }
0x90: {  	s2 =	sld [smem:$0x3FC9]  }
0x91: {  	s19 =	sld [smem:$0x3FC8]  }
0x92: {  	s4 =	sld [smem:$0x3FD0];
	(tm) =	ssettm $0x1  }
0x93: {  	s5 =	sld [smem:$0x3FFB];
	_ =	sdelay $0x3  }
0x94: {  	_ =	strace s5  }
0x95: {  	s5 =	sld [smem:$0x3FFC];
	_ =	sdelay $0x3  }
0x96: {  	_ =	strace s5  }
0x97: {  	s5 =	sld [smem:$0x3FFD];
	_ =	sdelay $0x3  }
0x98: {  	_ =	strace s5  }
0x99: {  	_ =	strace $0x8FFFFFFF  }
0x9a: {  	s20 =	sld [smem:$0x3FDB];
	_ =	sdelay $0x1  }
0x9b: {  	s6 =	simm.s32 $_scs_section_size  }
0x9c: {  	s7 =	simm.s32 $_size__tile_overlayer_lowered;
	s8 =	simm.s32 $_tile_overlayer_lowered  }
0x9d: {  	s23 =	simm.s32 $0x1BFF;
	s22 =	sshll.u32 s8, $0x1;
	s5 =	sadd.s32 s6, s20  }
0x9e: {  	s9 =	simm.s32 $0x0;
	s21 =	sshll.u32 s7, $0x1;
	s7 =	sadd.s32 s22, s5  }
0x9f: {  	[timem:s9], [sflag:s23] =	dma.local [hbm:s7], s21  }
0xa0: {  	_ =	swait.ge [sflag:s23], s21  }
0xa1: {  	s6 =	ssub.s32 $0x0, s21;
	[sflag:s23] =	ssyncset.done $0x0  }
0xa2: {  	[sflag:s23] =	ssyncadd.s32 s6;
	_ =	sdelay $0x1  }
0xa3: {  	s24 =	simm.s32 $0x1B8B  }
0xa4: {  	_ =	swait.ge [sflag:s24], $0x1  }
0xa5: {  	[sflag:s24] =	ssyncset.done $0x0  }
0xa6: {  	s25 =	simm.s32 $0x1B8E;
	[sflag:s24] =	ssyncadd.s32 $0xFFFFFFFF  }
0xa7: {  	s26 =	simm.s32 $execute0_lowered;
	[smem:$0x3FD2] =	sst s25  }
0xa8: {  	s6 =	sshll.u32 s26, $0x1;
	_ =	strace $0x80000046;
	[dreg:$0x1] =	wrdreg $0xFFFFFFFF  }
0xa9: {  	s28 =	simm.s32 $_size_execute0_lowered;
	s5 =	sadd.s32 s5, s6;
	[dreg:$0x0] =	wrdreg $0x0  }
0xaa: {  	s6 =	sshll.u32 s28, $0x1;
	[dreg:$0x2] =	wrdreg s5  }
0xab: {  	[dreg:$0x3] =	wrdreg s6  }
0xac: {  	[dreg:$0x4] =	wrdreg $0xC0  }
0xad: {  	_ =	task [dreg:s9], $0x5FFFF  }
0xae: {  	[dreg:$0x1] =	wrdreg $0xFFFFFFFF  }
0xaf: {  	[dreg:$0x0] =	wrdreg $0x60  }
0xb0: {  	[dreg:$0x2] =	wrdreg s2  }
0xb1: {  	[dreg:$0x3] =	wrdreg s19  }
0xb2: {  	[dreg:$0x4] =	wrdreg s4  }
0xb3: {  	[dreg:$0x5] =	wrdreg $0x9  }
0xb4: {  	_ =	task.clear_ibuf [dreg:s9], $0x6FFFF;
	_ =	strace $0x90000046  }
0xb5: {  	s29 =	simm.s32 $0x9;
	_ =	strace $0x80000048  }
0xb6: {  	_ =	swait.ge [sflag:s29], $0x1  }
0xb7: {  	[sflag:s29] =	ssyncadd.s32 $0xFFFFFFFF  }
0xb8: {  	_ =	strace $0x90000048  }
0xb9: {  	_ =	sfence  }
0xba: {  	s30 =	sld [smem:$0x0];
	_ =	sdelay $0x2  }
0xbb: {  	s31 =	sshll.u32 s1, $0xD;
	s1 =	sshrl.u32 s1, $0x2  }
0xbc: {  	s3 =	sand.u32 $0x4000, s31;
	s1 =	sadd.s32 s1, s30  }
0xbd: {  	s0 =	sor.u32 s3, s0;
	s1 =	sshll.u32 s1, $0x11  }
0xbe: {  	s0 =	sor.u32 s1, s0  }
0xbf: {  	s0 =	sadd.s32 $0x8F2B, s0  }
0xc0: {  	[sflag:s0] =	ssyncadd.remote.s32 $0x1  }
0xc1: {  	_ =	sfence.sel $0xFFFF  }
0xc2: {  	[dreg:$0x0] =	wrdreg $0xFFFFFFFF;
	(pc) =	sbr.abs _section_cstart, $3  }
0xc3: {  	[dreg:$0x1] =	wrdreg $0xFFFFFFFF  }
0xc4: {  	_ =	task.clear_ibuf [dreg:s9], $0x2FFFF;
	_ =	strace $0x9FFFFFFF  }
0xc5: {  	(tm) =	ssettm $0x7FFFFFFF  }
tec
execute0_lowered:
.L_overlay_start_1:
0x0: {  	(tag) =	ssettag $0x1  }
0x1: {  	s0 =	rddreg [dreg:$0x0]  }
0x2: {  	s5 =	rddreg [dreg:$0x2]  }
0x3: {  	s1 =	srdreg.scid;
	s2 =	stileid.u32;
	s3 =	simm.s32 $0x0  }
0x4: {  	s1 =	sand.u32 $0x1, s1;
	s2 =	sshll.u32 s2, $0x1;
	[smem:$0x7FF] =	sst s3  }
0x5: {  	s31 =	sadd.s32 $0x3D0800, s5;
	s25 =	ssub.s32 $0x2, s1;
	s1 =	sor.u32 s1, s2  }
0x6: {  	_ =	strace $0x80000047;
	[smem:$0x7FB] =	sst s31;
	s28 =	ssub.s32 $0x7A0, s1  }
0x7: {  	s26 =	sshrl.u32 s25, $0x1;
	s4 =	sshll.u32 s1, $0x9;
	s3 =	sshrl.u32 s28, $0x5  }
0x8: {  	s29 =	sshll.u32 s1, $0xB;
	s0 =	sadd.s32 s0, s4;
	[smem:$0x7F7] =	sst s3  }
.Ltmp0:
0x9: {  	s30 =	sadd.s32 s5, s29;
	[smem:$0x7F8] =	sst s0;
	(pc) =	sbr.rel .LBB2_1-.Ltmp0, $4  }
0xa: {  	s2 =	ssub.s32 s25, s26;
	s0 =	sadd.s32 $0x4000, s0;
	[smem:$0x7FA] =	sst s30  }
0xb: {  	s2 =	smax.u32 s2, $0x1;
	[smem:$0x7F9] =	sst s0  }
0xc: {  	s16 =	simm.s32 $0x8000;
	v0 =	vlaneseq.u32;
	[smem:$0x7FC] =	sst s2;
	s0 =	sor.u32 $0x10000, s29  }
0xd: {  	v0 =	vmul.u32 $0x20, v0;
	p0 =	sne.s32 s1, $0x1;
	s1 =	simm.s32 $0x0;
	[smem:$0x7FD] =	sst s0  }
.LBB2_9:
0xe: {  	s0 =	simm.s32 $0x3  }
0xf: {  	_ =	swait.ge [sflag:s0], $0x4000  }
0x10: {  	[sflag:s0] =	ssyncset.done $0x0  }
0x11: {  	s29 =	simm.s32 $0x4;
	[sflag:s0] =	ssyncadd.s32 $0xFFFFC000  }
0x12: {  	_ =	swait.ge [sflag:s29], $0x4000  }
0x13: {  	[sflag:s29] =	ssyncset.done $0x0  }
0x14: {  	[sflag:s29] =	ssyncadd.s32 $0xFFFFC000  }
0x15: {  	s1 =	simm.s32 @!p0 $0x8000;
	s0 =	simm.s32 @!p0 $0x0;
	s2 =	rddreg [dreg:$0x1]  }
0x16: {  	[tilespmem:s1], [sflag:$0x5] =	stream.linear.gather @!p0 [hbm4b:s2+s0], $0x800, $0x38;
	[tilespmem:$0x10000] =	vst v63  }
0x17: {  	s2 =	simm.s32 @!p0 $0x5  }
0x18: {  	_ =	swait.ge @!p0 [sflag:s2], $0x800  }
0x19: {  	s3 =	sld [smem:$0x7FB]  }
0x1a: {  	[sflag:s2] =	ssyncset.done @!p0 $0x0  }
0x1b: {  	[sflag:s2] =	ssyncadd.s32 @!p0 $0xFFFFF800  }
0x1c: {  	[hbm4b:s3+s0] =	stream.linear.scatter @!p0 [tilespmem:s1], [sflag:$0x5], $0x800, $0x38;
	[tilespmem:$0x10000] =	vst v63  }
0x1d: {  	_ =	swait.ge @!p0 [sflag:s2], $0x800  }
0x1e: {  	s30 =	sld [smem:$0x7F6]  }
0x1f: {  	s31 =	sld [smem:$0x7FC];
	_ =	sdelay $0x1  }
0x20: {  	s1 =	sadd.s32 $0x1, s30  }
0x21: {  	p1 =	sne.s32 s1, s31  }
.Ltmp1:
0x22: {  	_ = 	snop;
	(pc) =	sbr.rel @!p1 .LBB2_10-.Ltmp1, $3  }
0x23: {  	_ =	sdelay $0x1  }
0x24: {  	[sflag:s2] =	ssyncset.done @!p0 $0x0  }
0x25: {  	[sflag:s2] =	ssyncadd.s32 @!p0 $0xFFFFF800  }
.LBB2_1:
0x26: {  	s29 =	sld [smem:$0x7F8]  }
.Ltmp2:
0x27: {  	s0 =	simm.s32 $0x0;
	(pc) =	sbr.rel .LBB2_2-.Ltmp2, $4  }
0x28: {  	s2 =	simm.s32 $0x1000;
	s3 =	simm.s32 $0x7A1400;
	s30 =	sld [smem:$0x7F9]  }
0x29: {  	[tilespmem:s0], [sflag:$0x1] =	stream.strided.gather [hbm4b:s29+s2], $0x4000, s3, s2, $0x38;
	[tilespmem:$0x10000] =	vst v63  }
0x2a: {  	[smem:$0x7F6] =	sst s1;
	s31 =	simm.s32 $0x4000;
	s13 =	simm.s32 $0x0  }
0x2b: {  	[tilespmem:s31], [sflag:$0x2] =	stream.strided.gather [hbm4b:s30+s2], $0x4000, s3, s2, $0x38;
	[tilespmem:$0x10000] =	vst v63  }
.LBB2_8:
0x2c: {  	s13 =	sadd.s32 $0x1, s13  }
0x2d: {  	p1 =	sne.s32 s13, $0x1F  }
.Ltmp3:
0x2e: {  	_ = 	snop;
	(pc) =	sbr.rel @!p1 .LBB2_9-.Ltmp3, $1  }
0x2f: {  	_ =	sdelay $0x3  }
.LBB2_2:
0x30: {  	s0 =	simm.s32 $0x1  }
0x31: {  	_ =	swait.ge [sflag:s0], $0x4000  }
0x32: {  	p1 =	seq.s32 s13, $0x0;
	[sflag:s0] =	ssyncset.done $0x0  }
0x33: {  	[sflag:s0] =	ssyncadd.s32 $0xFFFFC000;
	s0 =	simm.s32 @!p1 $0x3  }
0x34: {  	_ =	swait.ge @!p1 [sflag:s0], $0x4000  }
0x35: {  	[sflag:s0] =	ssyncset.done @!p1 $0x0  }
0x36: {  	s4 =	simm.s32 $0x10;
	[sflag:s0] =	ssyncadd.s32 @!p1 $0xFFFFC000;
	s0 =	simm.s32 $0x0  }
0x37: {  	s2 =	simm.s32 $0x20;
	s26 =	sand.u32 $0x50, s4;
	s24 =	sand.u32 $0xC00, s0  }
0x38: {  	s1 =	simm.s32 $0x200;
	s25 =	sand.u32 $0x60, s2;
	s5 =	sor.u32 s26, s24  }
0x39: {  	s3 =	simm.s32 $0x400;
	v2 =	vor.u32 s1, v0;
	s6 =	sor.u32 s25, s24;
	v1 =	vld [tilespmem:s5+$0x0]  }
0x3a: {  	s1 =	simm.s32 $0x0;
	v3 =	vor.u32 s3, v0;
	v4 =	vld [tilespmem:s6+$0x0]  }
0x3b: {  	s3 =	simm.s32 $0x30;
	s29 =	sand.u32 $0x40, s1  }
0x3c: {  	s7 =	simm.s32 $0x0;
	s28 =	sand.u32 $0x70, s3;
	s8 =	sor.u32 s29, s24  }
0x3d: {  	s9 =	simm.s32 $0x600;
	v6 =	vor.u32 s7, v0;
	s10 =	sor.u32 s28, s24;
	v5 =	vld [tilespmem:s8+$0x0]  }
0x3e: {  	s17 =	simm.s32 $0x201;
	v8 =	vor.u32 s9, v0;
	v7 =	vld [tilespmem:s10+$0x0];
	[tilespmem:v2+s16+$0x0] =	vst.idx.msk $0xffff, v1  }
0x3f: {  	s18 =	simm.s32 $0x401;
	v2 =	vor.u32 s17, v0;
	[tilespmem:v3+s16+$0x0] =	vst.idx.msk $0xffff, v4;
	v1 =	vld [tilespmem:s5+$0x80]  }
0x40: {  	v3 =	vor.u32 s18, v0;
	v4 =	vld [tilespmem:s6+$0x80];
	_ =	sdelay $0x1  }
0x41: {  	s19 =	simm.s32 $0x1;
	[tilespmem:v6+s16+$0x0] =	vst.idx.msk $0xffff, v5  }
0x42: {  	s20 =	simm.s32 $0x601;
	[tilespmem:v8+s16+$0x0] =	vst.idx.msk $0xffff, v7;
	v6 =	vor.u32 s19, v0;
	v5 =	vld [tilespmem:s8+$0x80]  }
0x43: {  	s21 =	simm.s32 $0x202;
	v7 =	vor.u32 s20, v0;
	v8 =	vld [tilespmem:s10+$0x80];
	[tilespmem:v2+s16+$0x0] =	vst.idx.msk $0xffff, v1  }
0x44: {  	s22 =	simm.s32 $0x402;
	v2 =	vor.u32 s21, v0;
	[tilespmem:v3+s16+$0x0] =	vst.idx.msk $0xffff, v4;
	v1 =	vld [tilespmem:s5+$0x100]  }
0x45: {  	v3 =	vor.u32 s22, v0;
	v4 =	vld [tilespmem:s6+$0x100];
	_ =	sdelay $0x1  }
0x46: {  	s23 =	simm.s32 $0x2;
	[tilespmem:v6+s16+$0x0] =	vst.idx.msk $0xffff, v5  }
0x47: {  	s31 =	simm.s32 $0x602;
	[tilespmem:v7+s16+$0x0] =	vst.idx.msk $0xffff, v8;
	v6 =	vor.u32 s23, v0;
	v5 =	vld [tilespmem:s8+$0x100]  }
0x48: {  	s9 =	simm.s32 $0x203;
	v8 =	vor.u32 s31, v0;
	v7 =	vld [tilespmem:s10+$0x100];
	[tilespmem:v2+s16+$0x0] =	vst.idx.msk $0xffff, v1  }
0x49: {  	s11 =	simm.s32 $0x403;
	v2 =	vor.u32 s9, v0;
	[tilespmem:v3+s16+$0x0] =	vst.idx.msk $0xffff, v4;
	v1 =	vld [tilespmem:s5+$0x180]  }
0x4a: {  	p2 =	por $0x0, $0x0;
	s14 =	sand.u32 $0x7, s0;
	v3 =	vor.u32 s11, v0;
	v4 =	vld [tilespmem:s6+$0x180]  }
0x4b: {  	s7 =	simm.s32 $0x1;
	s12 =	sand.u32 $0x3, s0;
	s17 =	sshll.u32 s14, $0x4  }
0x4c: {  	s15 =	sshll.u32 s12, $0x5;
	s18 =	simm.s32 $0x3;
	[tilespmem:v6+s16+$0x0] =	vst.idx.msk $0xffff, v5;
	s6 =	sadd.s32 $0x0, s17  }
0x4d: {  	s19 =	simm.s32 $0x603;
	v5 =	vor.u32 s18, v0;
	[tilespmem:v8+s16+$0x0] =	vst.idx.msk $0xffff, v7;
	v6 =	vld [tilespmem:s8+$0x180];
	s5 =	sadd.s32 $0x0, s15;
	s8 =	sadd.s32 $0x10, s6  }
0x4e: {  	s21 =	simm.s32 $0x204;
	v8 =	vor.u32 s19, v0;
	v7 =	vld [tilespmem:s10+$0x180];
	s5 =	sadd.s32 $0x20, s5;
	s20 =	sor.u32 $0x200, s8;
	[tilespmem:v2+s16+$0x0] =	vst.idx.msk $0xffff, v1  }
0x4f: {  	s7 =	simm.s32 @!p2 $0x0;
	s23 =	simm.s32 $0x404;
	s22 =	sor.u32 $0x200, s5;
	v2 =	vor.u32 s21, v0;
	[tilespmem:v3+s16+$0x0] =	vst.idx.msk $0xffff, v4;
	v1 =	vld [tilespmem:s20+$0x0]  }
0x50: {  	s7 =	sshll.u32 s7, $0x6;
	v3 =	vor.u32 s23, v0;
	v4 =	vld [tilespmem:s22+$0x0]  }
0x51: {  	s7 =	sadd.s32 $0x0, s7  }
0x52: {  	s12 =	simm.s32 $0x4;
	s31 =	sor.u32 $0x200, s7;
	s6 =	sadd.s32 $0x30, s6;
	[tilespmem:v5+s16+$0x0] =	vst.idx.msk $0xffff, v6  }
0x53: {  	s11 =	simm.s32 $0x604;
	s14 =	sor.u32 $0x200, s6;
	v5 =	vor.u32 s12, v0;
	[tilespmem:v8+s16+$0x0] =	vst.idx.msk $0xffff, v7;
	v6 =	vld [tilespmem:s31+$0x0]  }
0x54: {  	s17 =	simm.s32 $0x205;
	s15 =	sor.u32 $0x280, s8;
	v8 =	vor.u32 s11, v0;
	v7 =	vld [tilespmem:s14+$0x0];
	[tilespmem:v2+s16+$0x0] =	vst.idx.msk $0xffff, v1  }
0x55: {  	s19 =	simm.s32 $0x405;
	s18 =	sor.u32 $0x280, s5;
	v2 =	vor.u32 s17, v0;
	[tilespmem:v3+s16+$0x0] =	vst.idx.msk $0xffff, v4;
	v1 =	vld [tilespmem:s15+$0x0]  }
0x56: {  	v3 =	vor.u32 s19, v0;
	v4 =	vld [tilespmem:s18+$0x0];
	_ =	sdelay $0x1  }
0x57: {  	s21 =	simm.s32 $0x5;
	s20 =	sor.u32 $0x280, s7;
	[tilespmem:v5+s16+$0x0] =	vst.idx.msk $0xffff, v6  }
0x58: {  	s12 =	sor.u32 $0x280, s6;
	s22 =	simm.s32 $0x605;
	[tilespmem:v8+s16+$0x0] =	vst.idx.msk $0xffff, v7;
	v6 =	vor.u32 s21, v0;
	v5 =	vld [tilespmem:s20+$0x0]  }
0x59: {  	s8 =	sor.u32 $0x300, s8;
	s23 =	simm.s32 $0x206;
	v7 =	vor.u32 s22, v0;
	v8 =	vld [tilespmem:s12+$0x0];
	[tilespmem:v2+s16+$0x0] =	vst.idx.msk $0xffff, v1  }
0x5a: {  	s5 =	sor.u32 $0x300, s5;
	s31 =	simm.s32 $0x406;
	v2 =	vor.u32 s23, v0;
	[tilespmem:v3+s16+$0x0] =	vst.idx.msk $0xffff, v4;
	v1 =	vld [tilespmem:s8+$0x0]  }
0x5b: {  	v4 =	vor.u32 s31, v0;
	v3 =	vld [tilespmem:s5+$0x0];
	_ =	sdelay $0x1  }
0x5c: {  	s9 =	simm.s32 $0x6;
	[tilespmem:v6+s16+$0x0] =	vst.idx.msk $0xffff, v5;
	s8 =	sor.u32 $0x300, s7  }
0x5d: {  	s4 =	sor.u32 s4, s0;
	s10 =	simm.s32 $0x606;
	s6 =	sor.u32 $0x300, s6;
	[tilespmem:v7+s16+$0x0] =	vst.idx.msk $0xffff, v8;
	v6 =	vor.u32 s9, v0;
	v5 =	vld [tilespmem:s8+$0x0]  }
0x5e: {  	s2 =	sor.u32 s2, s0;
	s4 =	sor.u32 $0x380, s4;
	s11 =	simm.s32 $0x207;
	v8 =	vor.u32 s10, v0;
	v7 =	vld [tilespmem:s6+$0x0];
	[tilespmem:v2+s16+$0x0] =	vst.idx.msk $0xffff, v1  }
0x5f: {  	s2 =	sor.u32 $0x380, s2;
	s12 =	simm.s32 $0x407;
	v2 =	vor.u32 s11, v0;
	[tilespmem:v4+s16+$0x0] =	vst.idx.msk $0xffff, v3;
	v1 =	vld [tilespmem:s4+$0x0]  }
0x60: {  	v4 =	vor.u32 s12, v0;
	v3 =	vld [tilespmem:s2+$0x0]  }
0x61: {  	s1 =	sor.u32 s1, s0  }
0x62: {  	s0 =	sor.u32 s3, s0;
	s1 =	sor.u32 $0x380, s1;
	s14 =	simm.s32 $0x7;
	[tilespmem:v6+s16+$0x0] =	vst.idx.msk $0xffff, v5  }
0x63: {  	s0 =	sor.u32 $0x380, s0;
	s17 =	sor.u32 $0x1000, s24;
	s15 =	simm.s32 $0x607;
	[tilespmem:v8+s16+$0x0] =	vst.idx.msk $0xffff, v7;
	v6 =	vor.u32 s14, v0;
	v5 =	vld [tilespmem:s1+$0x0]  }
0x64: {  	s19 =	simm.s32 $0x208;
	s18 =	sor.u32 s26, s17;
	v8 =	vor.u32 s15, v0;
	v7 =	vld [tilespmem:s0+$0x0];
	[tilespmem:v2+s16+$0x0] =	vst.idx.msk $0xffff, v1  }
0x65: {  	s21 =	simm.s32 $0x408;
	s20 =	sor.u32 s25, s17;
	v2 =	vor.u32 s19, v0;
	[tilespmem:v4+s16+$0x0] =	vst.idx.msk $0xffff, v3;
	v1 =	vld [tilespmem:s18+$0x0]  }
0x66: {  	v4 =	vor.u32 s21, v0;
	v3 =	vld [tilespmem:s20+$0x0];
	_ =	sdelay $0x1  }
0x67: {  	s22 =	sor.u32 s29, s17;
	s23 =	simm.s32 $0x8;
	[tilespmem:v6+s16+$0x0] =	vst.idx.msk $0xffff, v5  }
0x68: {  	s31 =	simm.s32 $0x608;
	s4 =	sor.u32 $0x1080, s24;
	s1 =	sor.u32 s28, s17;
	[tilespmem:v8+s16+$0x0] =	vst.idx.msk $0xffff, v7;
	v6 =	vor.u32 s23, v0;
	v5 =	vld [tilespmem:s22+$0x0]  }
0x69: {  	s5 =	simm.s32 $0x209;
	s6 =	sor.u32 s26, s4;
	v8 =	vor.u32 s31, v0;
	v7 =	vld [tilespmem:s1+$0x0];
	[tilespmem:v2+s16+$0x0] =	vst.idx.msk $0xffff, v1  }
0x6a: {  	s8 =	simm.s32 $0x409;
	s7 =	sor.u32 s25, s4;
	v2 =	vor.u32 s5, v0;
	[tilespmem:v4+s16+$0x0] =	vst.idx.msk $0xffff, v3;
	v1 =	vld [tilespmem:s6+$0x0]  }
0x6b: {  	v4 =	vor.u32 s8, v0;
	v3 =	vld [tilespmem:s7+$0x0];
	_ =	sdelay $0x1  }
0x6c: {  	s10 =	simm.s32 $0x9;
	s9 =	sor.u32 s29, s4;
	[tilespmem:v6+s16+$0x0] =	vst.idx.msk $0xffff, v5  }
0x6d: {  	s11 =	simm.s32 $0x609;
	s12 =	sor.u32 $0x1100, s24;
	s0 =	sor.u32 s28, s4;
	[tilespmem:v8+s16+$0x0] =	vst.idx.msk $0xffff, v7;
	v6 =	vor.u32 s10, v0;
	v5 =	vld [tilespmem:s9+$0x0]  }
0x6e: {  	s15 =	simm.s32 $0x20A;
	s14 =	sor.u32 s26, s12;
	v8 =	vor.u32 s11, v0;
	v7 =	vld [tilespmem:s0+$0x0];
	[tilespmem:v2+s16+$0x0] =	vst.idx.msk $0xffff, v1  }
0x6f: {  	s17 =	sor.u32 s25, s12;
	s18 =	simm.s32 $0x40A;
	v2 =	vor.u32 s15, v0;
	[tilespmem:v4+s16+$0x0] =	vst.idx.msk $0xffff, v3;
	v1 =	vld [tilespmem:s14+$0x0]  }
0x70: {  	v4 =	vor.u32 s18, v0;
	v3 =	vld [tilespmem:s17+$0x0];
	_ =	sdelay $0x1  }
0x71: {  	s19 =	sor.u32 s29, s12;
	s20 =	simm.s32 $0xA;
	[tilespmem:v6+s16+$0x0] =	vst.idx.msk $0xffff, v5  }
0x72: {  	s21 =	simm.s32 $0x60A;
	s1 =	sor.u32 s28, s12;
	s22 =	sor.u32 $0x1180, s24;
	[tilespmem:v8+s16+$0x0] =	vst.idx.msk $0xffff, v7;
	v6 =	vor.u32 s20, v0;
	v5 =	vld [tilespmem:s19+$0x0]  }
0x73: {  	s31 =	simm.s32 $0x20B;
	s23 =	sor.u32 s26, s22;
	v8 =	vor.u32 s21, v0;
	v7 =	vld [tilespmem:s1+$0x0];
	[tilespmem:v2+s16+$0x0] =	vst.idx.msk $0xffff, v1  }
0x74: {  	s4 =	simm.s32 $0x40B;
	s3 =	sor.u32 s25, s22;
	v2 =	vor.u32 s31, v0;
	[tilespmem:v4+s16+$0x0] =	vst.idx.msk $0xffff, v3;
	v1 =	vld [tilespmem:s23+$0x0]  }
0x75: {  	v4 =	vor.u32 s4, v0;
	v3 =	vld [tilespmem:s3+$0x0];
	_ =	sdelay $0x1  }
0x76: {  	s5 =	sor.u32 s29, s22;
	s6 =	simm.s32 $0xB;
	[tilespmem:v6+s16+$0x0] =	vst.idx.msk $0xffff, v5  }
0x77: {  	s2 =	sor.u32 s28, s22;
	s8 =	sor.u32 $0x1200, s24;
	s7 =	simm.s32 $0x60B;
	[tilespmem:v8+s16+$0x0] =	vst.idx.msk $0xffff, v7;
	v6 =	vor.u32 s6, v0;
	v5 =	vld [tilespmem:s5+$0x0]  }
0x78: {  	s10 =	simm.s32 $0x20C;
	s9 =	sor.u32 s26, s8;
	v8 =	vor.u32 s7, v0;
	v7 =	vld [tilespmem:s2+$0x0];
	[tilespmem:v2+s16+$0x0] =	vst.idx.msk $0xffff, v1  }
0x79: {  	s12 =	simm.s32 $0x40C;
	s11 =	sor.u32 s25, s8;
	v2 =	vor.u32 s10, v0;
	[tilespmem:v4+s16+$0x0] =	vst.idx.msk $0xffff, v3;
	v1 =	vld [tilespmem:s9+$0x0]  }
0x7a: {  	v4 =	vor.u32 s12, v0;
	v3 =	vld [tilespmem:s11+$0x0];
	_ =	sdelay $0x1  }
0x7b: {  	s15 =	simm.s32 $0xC;
	s14 =	sor.u32 s29, s8;
	[tilespmem:v6+s16+$0x0] =	vst.idx.msk $0xffff, v5  }
0x7c: {  	s18 =	sor.u32 $0x1280, s24;
	s1 =	sor.u32 s28, s8;
	s17 =	simm.s32 $0x60C;
	[tilespmem:v8+s16+$0x0] =	vst.idx.msk $0xffff, v7;
	v6 =	vor.u32 s15, v0;
	v5 =	vld [tilespmem:s14+$0x0]  }
0x7d: {  	s20 =	simm.s32 $0x20D;
	s19 =	sor.u32 s26, s18;
	v8 =	vor.u32 s17, v0;
	v7 =	vld [tilespmem:s1+$0x0];
	[tilespmem:v2+s16+$0x0] =	vst.idx.msk $0xffff, v1  }
0x7e: {  	s22 =	simm.s32 $0x40D;
	s21 =	sor.u32 s25, s18;
	v2 =	vor.u32 s20, v0;
	[tilespmem:v4+s16+$0x0] =	vst.idx.msk $0xffff, v3;
	v1 =	vld [tilespmem:s19+$0x0]  }
0x7f: {  	v4 =	vor.u32 s22, v0;
	v3 =	vld [tilespmem:s21+$0x0];
	_ =	sdelay $0x1  }
0x80: {  	s31 =	simm.s32 $0xD;
	s23 =	sor.u32 s29, s18;
	[tilespmem:v6+s16+$0x0] =	vst.idx.msk $0xffff, v5  }
0x81: {  	s4 =	sor.u32 $0x1300, s24;
	s2 =	sor.u32 s28, s18;
	s3 =	simm.s32 $0x60D;
	[tilespmem:v8+s16+$0x0] =	vst.idx.msk $0xffff, v7;
	v6 =	vor.u32 s31, v0;
	v5 =	vld [tilespmem:s23+$0x0]  }
0x82: {  	s6 =	simm.s32 $0x20E;
	s5 =	sor.u32 s26, s4;
	v8 =	vor.u32 s3, v0;
	v7 =	vld [tilespmem:s2+$0x0];
	[tilespmem:v2+s16+$0x0] =	vst.idx.msk $0xffff, v1  }
0x83: {  	s8 =	simm.s32 $0x40E;
	s7 =	sor.u32 s25, s4;
	v2 =	vor.u32 s6, v0;
	[tilespmem:v4+s16+$0x0] =	vst.idx.msk $0xffff, v3;
	v1 =	vld [tilespmem:s5+$0x0]  }
0x84: {  	v4 =	vor.u32 s8, v0;
	v3 =	vld [tilespmem:s7+$0x0];
	_ =	sdelay $0x1  }
0x85: {  	s10 =	simm.s32 $0xE;
	s9 =	sor.u32 s29, s4;
	[tilespmem:v6+s16+$0x0] =	vst.idx.msk $0xffff, v5  }
0x86: {  	s12 =	sor.u32 $0x1380, s24;
	s1 =	sor.u32 s28, s4;
	s11 =	simm.s32 $0x60E;
	[tilespmem:v8+s16+$0x0] =	vst.idx.msk $0xffff, v7;
	v6 =	vor.u32 s10, v0;
	v5 =	vld [tilespmem:s9+$0x0]  }
0x87: {  	s15 =	simm.s32 $0x20F;
	s14 =	sor.u32 s26, s12;
	v8 =	vor.u32 s11, v0;
	v7 =	vld [tilespmem:s1+$0x0];
	[tilespmem:v2+s16+$0x0] =	vst.idx.msk $0xffff, v1  }
0x88: {  	s18 =	simm.s32 $0x40F;
	s17 =	sor.u32 s25, s12;
	v2 =	vor.u32 s15, v0;
	[tilespmem:v4+s16+$0x0] =	vst.idx.msk $0xffff, v3;
	v1 =	vld [tilespmem:s14+$0x0]  }
0x89: {  	v4 =	vor.u32 s18, v0;
	v3 =	vld [tilespmem:s17+$0x0];
	_ =	sdelay $0x1  }
0x8a: {  	s20 =	simm.s32 $0xF;
	s19 =	sor.u32 s29, s12;
	[tilespmem:v6+s16+$0x0] =	vst.idx.msk $0xffff, v5  }
0x8b: {  	s22 =	sor.u32 $0x2000, s24;
	s2 =	sor.u32 s28, s12;
	s21 =	simm.s32 $0x60F;
	[tilespmem:v8+s16+$0x0] =	vst.idx.msk $0xffff, v7;
	v6 =	vor.u32 s20, v0;
	v5 =	vld [tilespmem:s19+$0x0]  }
0x8c: {  	s31 =	simm.s32 $0x210;
	s23 =	sor.u32 s26, s22;
	v8 =	vor.u32 s21, v0;
	v7 =	vld [tilespmem:s2+$0x0];
	[tilespmem:v2+s16+$0x0] =	vst.idx.msk $0xffff, v1  }
0x8d: {  	s4 =	simm.s32 $0x410;
	s3 =	sor.u32 s25, s22;
	v2 =	vor.u32 s31, v0;
	[tilespmem:v4+s16+$0x0] =	vst.idx.msk $0xffff, v3;
	v1 =	vld [tilespmem:s23+$0x0]  }
0x8e: {  	v4 =	vor.u32 s4, v0;
	v3 =	vld [tilespmem:s3+$0x0];
	_ =	sdelay $0x1  }
0x8f: {  	s6 =	simm.s32 $0x10;
	s5 =	sor.u32 s29, s22;
	[tilespmem:v6+s16+$0x0] =	vst.idx.msk $0xffff, v5  }
0x90: {  	s8 =	sor.u32 $0x2080, s24;
	s1 =	sor.u32 s28, s22;
	s7 =	simm.s32 $0x610;
	[tilespmem:v8+s16+$0x0] =	vst.idx.msk $0xffff, v7;
	v6 =	vor.u32 s6, v0;
	v5 =	vld [tilespmem:s5+$0x0]  }
0x91: {  	s10 =	sor.u32 s26, s8;
	s9 =	simm.s32 $0x211;
	v8 =	vor.u32 s7, v0;
	v7 =	vld [tilespmem:s1+$0x0];
	[tilespmem:v2+s16+$0x0] =	vst.idx.msk $0xffff, v1  }
0x92: {  	s12 =	simm.s32 $0x411;
	s11 =	sor.u32 s25, s8;
	v2 =	vor.u32 s9, v0;
	[tilespmem:v4+s16+$0x0] =	vst.idx.msk $0xffff, v3;
	v1 =	vld [tilespmem:s10+$0x0]  }
0x93: {  	v4 =	vor.u32 s12, v0;
	v3 =	vld [tilespmem:s11+$0x0];
	_ =	sdelay $0x1  }
0x94: {  	s15 =	simm.s32 $0x11;
	s14 =	sor.u32 s29, s8;
	[tilespmem:v6+s16+$0x0] =	vst.idx.msk $0xffff, v5  }
0x95: {  	s18 =	sor.u32 $0x2100, s24;
	s2 =	sor.u32 s28, s8;
	s17 =	simm.s32 $0x611;
	[tilespmem:v8+s16+$0x0] =	vst.idx.msk $0xffff, v7;
	v6 =	vor.u32 s15, v0;
	v5 =	vld [tilespmem:s14+$0x0]  }
0x96: {  	s20 =	simm.s32 $0x212;
	s19 =	sor.u32 s26, s18;
	v8 =	vor.u32 s17, v0;
	v7 =	vld [tilespmem:s2+$0x0];
	[tilespmem:v2+s16+$0x0] =	vst.idx.msk $0xffff, v1  }
0x97: {  	s22 =	simm.s32 $0x412;
	s21 =	sor.u32 s25, s18;
	v2 =	vor.u32 s20, v0;
	[tilespmem:v4+s16+$0x0] =	vst.idx.msk $0xffff, v3;
	v1 =	vld [tilespmem:s19+$0x0]  }
0x98: {  	v4 =	vor.u32 s22, v0;
	v3 =	vld [tilespmem:s21+$0x0];
	_ =	sdelay $0x1  }
0x99: {  	s31 =	simm.s32 $0x12;
	s23 =	sor.u32 s29, s18;
	[tilespmem:v6+s16+$0x0] =	vst.idx.msk $0xffff, v5  }
0x9a: {  	s1 =	sor.u32 s28, s18;
	s3 =	sor.u32 $0x2180, s24;
	s2 =	simm.s32 $0x612;
	[tilespmem:v8+s16+$0x0] =	vst.idx.msk $0xffff, v7;
	v6 =	vor.u32 s31, v0;
	v5 =	vld [tilespmem:s23+$0x0]  }
0x9b: {  	s4 =	sor.u32 s26, s3;
	s5 =	simm.s32 $0x213;
	v8 =	vor.u32 s2, v0;
	v7 =	vld [tilespmem:s1+$0x0];
	[tilespmem:v2+s16+$0x0] =	vst.idx.msk $0xffff, v1  }
0x9c: {  	s7 =	simm.s32 $0x413;
	s6 =	sor.u32 s25, s3;
	v2 =	vor.u32 s5, v0;
	[tilespmem:v4+s16+$0x0] =	vst.idx.msk $0xffff, v3;
	v1 =	vld [tilespmem:s4+$0x0]  }
0x9d: {  	s8 =	sshll.u32 s13, $0x1;
	v4 =	vor.u32 s7, v0;
	v3 =	vld [tilespmem:s6+$0x0];
	[smem:$0x7F4] =	sst s13  }
0x9e: {  	[smem:$0x7F5] =	sst s8  }
0x9f: {  	s9 =	sor.u32 s29, s3;
	s10 =	simm.s32 $0x13;
	[tilespmem:v6+s16+$0x0] =	vst.idx.msk $0xffff, v5  }
0xa0: {  	s12 =	sor.u32 $0x2200, s24;
	s11 =	simm.s32 $0x613;
	s2 =	sor.u32 s28, s3;
	v6 =	vor.u32 s10, v0;
	[tilespmem:v8+s16+$0x0] =	vst.idx.msk $0xffff, v7;
	v5 =	vld [tilespmem:s9+$0x0]  }
0xa1: {  	s30 =	simm.s32 $0x61F;
	s15 =	simm.s32 $0x214;
	s13 =	sor.u32 s26, s12;
	v8 =	vor.u32 s11, v0;
	v7 =	vld [tilespmem:s2+$0x0];
	[tilespmem:v2+s16+$0x0] =	vst.idx.msk $0xffff, v1  }
0xa2: {  	s0 =	sor.u32 $0x2300, s24;
	s18 =	simm.s32 $0x414;
	s17 =	sor.u32 s25, s12;
	v10 =	vor.u32 s15, v0;
	[tilespmem:v4+s16+$0x0] =	vst.idx.msk $0xffff, v3;
	v9 =	vld [tilespmem:s13+$0x0]  }
0xa3: {  	v12 =	vor.u32 s18, v0;
	s18 =	simm.s32 $0x4;
	s14 =	simm.s32 $0x0;
	s20 =	simm.s32 $0x14;
	v11 =	vld [tilespmem:s17+$0x0]  }
0xa4: {  	s22 =	simm.s32 $0x614;
	s3 =	simm.s32 $0x2;
	s19 =	sor.u32 s29, s12  }
0xa5: {  	s1 =	sor.u32 s28, s12;
	s21 =	sor.u32 $0x2280, s24;
	s31 =	simm.s32 $0x215;
	[tilespmem:v6+s16+$0x0] =	vst.idx.msk $0xffff, v5  }
0xa6: {  	s23 =	sor.u32 s26, s21;
	s6 =	simm.s32 $0x16;
	s8 =	simm.s32 $0x15;
	[tilespmem:v8+s16+$0x0] =	vst.idx.msk $0xffff, v7;
	v1 =	vld [tilespmem:s19+$0x0]  }
0xa7: {  	s12 =	simm.s32 $0x70;
	s10 =	sor.u32 s28, s21;
	s2 =	simm.s32 $0x615;
	v4 =	vor.u32 s31, v0;
	v2 =	vld [tilespmem:s1+$0x0];
	[tilespmem:v10+s16+$0x0] =	vst.idx.msk $0xffff, v9  }
0xa8: {  	s9 =	sor.u32 s29, s21;
	s13 =	simm.s32 $0x200;
	v5 =	vor.u32 s20, v0;
	v6 =	vor.u32 s22, v0;
	s1 =	simm.s32 $0xE1F;
	[tilespmem:v12+s16+$0x0] =	vst.idx.msk $0xffff, v11;
	v3 =	vld [tilespmem:s23+$0x0]  }
.LBB2_3:
0xa9: {  	_ = 	snop  }
0xaa: {  	[dreg:$0x8] =	wrdreg s18  }
0xab: {  	[dreg:$0x7] =	wrdreg s3;
	s11 =	sadd.s32 $0xFFFFFFD0, s12  }
0xac: {  	s4 =	sand.u32 $0xC00, s13;
	s15 =	sadd.s32 $0xFFFFFFE0, s12;
	s19 =	sadd.s32 $0xFFFFFFE1, s1  }
0xad: {  	s23 =	sadd.s32 $0xFFFFFFF0, s12;
	s3 =	rddreg [dreg:$0x7];
	s7 =	sand.u32 $0x50, s15;
	[tilespmem:v5+s16+$0x0] =	vst.idx.msk $0xffff, v1  }
0xae: {  	s22 =	sand.u32 $0x7, s18;
	s3 =	sand.u32 $0x3, s3;
	s17 =	sor.u32 s7, s4;
	v5 =	vor.u32 s8, v0;
	[tilespmem:v6+s16+$0x0] =	vst.idx.msk $0xffff, v2;
	v1 =	vld [tilespmem:s9+$0x0]  }
0xaf: {  	s5 =	sshll.u32 s3, $0x5;
	s3 =	sadd.s32 $0xFFFFFBE1, s1;
	[tilespmem:v4+s16+$0x0] =	vst.idx.msk $0xffff, v3;
	v3 =	vor.u32 s2, v0;
	s9 =	sand.u32 $0x70, s12;
	v2 =	vld [tilespmem:s10+$0x0]  }
0xb0: {  	s31 =	sand.u32 $0x40, s11;
	v6 =	vor.u32 s3, v0;
	v4 =	vld [tilespmem:s17+$0x0];
	s10 =	sand.u32 $0x60, s23;
	s20 =	sor.u32 s9, s4  }
0xb1: {  	s18 =	sor.u32 s15, s13;
	v9 =	vor.u32 s19, v0;
	s8 =	sadd.s32 $0xFFFFFDE1, s1;
	s15 =	sor.u32 s10, s4;
	v8 =	vld [tilespmem:s20+$0x0]  }
0xb2: {  	[smem:$0x7F1] =	sst s18;
	s19 =	sor.u32 s31, s4;
	s3 =	sadd.s32 $0xFFFFF9E1, s1;
	v7 =	vor.u32 s8, v0;
	v10 =	vld [tilespmem:s15+$0x0]  }
0xb3: {  	s18 =	sor.u32 s29, s0;
	v11 =	vld [tilespmem:s19+$0x0];
	v12 =	vor.u32 s3, v0;
	s8 =	sor.u32 s11, s13;
	s11 =	sadd.s32 $0xFFFFFFE2, s1;
	[tilespmem:v5+s16+$0x0] =	vst.idx.msk $0xffff, v1  }
0xb4: {  	v13 =	vor.u32 s6, v0;
	s6 =	sor.u32 s28, s0;
	s14 =	sadd.s32 $0x4, s14;
	v1 =	vor.u32 s11, v0;
	[tilespmem:v3+s16+$0x0] =	vst.idx.msk $0xffff, v2;
	s11 =	sadd.s32 $0xFFFFFFF7, s30;
	v5 =	vld [tilespmem:s18+$0x0]  }
0xb5: {  	[dreg:$0x5] =	wrdreg s14;
	p3 =	slt.u32 s14, $0x1C;
	[tilespmem:v6+s16+$0x0] =	vst.idx.msk $0xffff, v4;
	s18 =	sadd.s32 $0xFFFFFBE2, s1;
	v2 =	vld [tilespmem:s6+$0x0];
	v3 =	vor.u32 s11, v0  }
0xb6: {  	s14 =	sadd.s32 $0xFFFFF9E2, s1;
	s3 =	sor.u32 s25, s0;
	[smem:$0x7F2] =	sst s8;
	v4 =	vld [tilespmem:s17+$0x80];
	v6 =	vor.u32 s18, v0;
	[tilespmem:v9+s16+$0x0] =	vst.idx.msk $0xffff, v8  }
0xb7: {  	[dreg:$0xa] =	wrdreg s3;
	s3 =	sor.u32 s25, s21;
	s11 =	sadd.s32 $0xFFFFFDE2, s1;
	[tilespmem:v7+s16+$0x0] =	vst.idx.msk $0xffff, v10;
	v8 =	vld [tilespmem:s20+$0x80]  }
0xb8: {  	s8 =	sor.u32 s26, s0;
	[dreg:$0x1f] =	wrdreg s3;
	[tilespmem:v12+s16+$0x0] =	vst.idx.msk $0xffff, v11;
	v7 =	vor.u32 s11, v0;
	s18 =	sor.u32 $0x2380, s24;
	v18 =	vld [tilespmem:s15+$0x80]  }
0xb9: {  	v20 =	vor.u32 s14, v0;
	s3 =	sadd.s32 $0xFFFFF9F8, s30;
	v19 =	vld [tilespmem:s19+$0x80];
	s0 =	sor.u32 s29, s18;
	s21 =	sor.u32 s26, s18;
	[tilespmem:v13+s16+$0x0] =	vst.idx.msk $0xffff, v5  }
0xba: {  	v21 =	vor.u32 s3, v0;
	s14 =	sor.u32 s25, s18;
	s18 =	sor.u32 s28, s18;
	[tilespmem:v3+s16+$0x0] =	vst.idx.msk $0xffff, v2;
	v5 =	vld [tilespmem:s0+$0x0];
	s0 =	sadd.s32 $0xFFFFFFF8, s30  }
0xbb: {  	s3 =	sadd.s32 $0xFFFFFBE3, s1;
	[tilespmem:v6+s16+$0x0] =	vst.idx.msk $0xffff, v4;
	v2 =	vld [tilespmem:s18+$0x0];
	v3 =	vor.u32 s0, v0  }
0xbc: {  	s11 =	sadd.s32 $0xFFFFFFE3, s1;
	v6 =	vor.u32 s3, v0;
	v4 =	vld [tilespmem:s17+$0x100];
	[tilespmem:v1+s16+$0x0] =	vst.idx.msk $0xffff, v8  }
0xbd: {  	p2 =	por !p2, !p2;
	s22 =	sshll.u32 s22, $0x4;
	s6 =	sadd.s32 $0xFFFFFDE3, s1;
	[tilespmem:v7+s16+$0x0] =	vst.idx.msk $0xffff, v18;
	v8 =	vor.u32 s11, v0;
	v7 =	vld [tilespmem:s20+$0x100]  }
0xbe: {  	s2 =	sor.u32 $0x3000, s24;
	[dreg:$0xc] =	wrdreg s14;
	s14 =	sadd.s32 $0xFFFFF9E3, s1;
	[tilespmem:v20+s16+$0x0] =	vst.idx.msk $0xffff, v19;
	v1 =	vor.u32 s6, v0;
	v9 =	vld [tilespmem:s15+$0x100]  }
0xbf: {  	s5 =	sadd.s32 s13, s5;
	v22 =	vor.u32 s14, v0;
	s14 =	sadd.s32 $0xFFFFF9F9, s30;
	v10 =	vld [tilespmem:s19+$0x100];
	s11 =	sor.u32 s29, s2;
	[tilespmem:v21+s16+$0x0] =	vst.idx.msk $0xffff, v5  }
0xc0: {  	v23 =	vor.u32 s14, v0;
	s14 =	sadd.s32 $0xFFFFFFF9, s30;
	s18 =	sor.u32 s26, s2;
	v5 =	vld [tilespmem:s11+$0x0];
	[tilespmem:v3+s16+$0x0] =	vst.idx.msk $0xffff, v2;
	s11 =	sor.u32 s28, s2  }
0xc1: {  	s3 =	sadd.s32 $0xFFFFF9E4, s1;
	[smem:$0x7F3] =	sst s18;
	s18 =	sadd.s32 $0xFFFFFBE4, s1;
	[tilespmem:v6+s16+$0x0] =	vst.idx.msk $0xffff, v4;
	v4 =	vor.u32 s14, v0;
	v3 =	vld [tilespmem:s11+$0x0]  }
0xc2: {  	s6 =	sadd.s32 $0xFFFFFFFA, s30;
	s0 =	sor.u32 $0x3080, s24;
	v24 =	vor.u32 s18, v0;
	s18 =	sadd.s32 $0xFFFFFFE4, s1;
	v6 =	vld [tilespmem:s17+$0x180];
	[tilespmem:v8+s16+$0x0] =	vst.idx.msk $0xffff, v7  }
0xc3: {  	v2 =	vor.u32 s3, v0;
	s3 =	sadd.s32 $0xFFFFF9FA, s30;
	s14 =	sadd.s32 $0xFFFFFDE4, s1;
	s17 =	simm.s32 $0x1;
	[tilespmem:v1+s16+$0x0] =	vst.idx.msk $0xffff, v9;
	v8 =	vor.u32 s18, v0;
	v7 =	vld [tilespmem:s20+$0x180]  }
0xc4: {  	[tilespmem:v22+s16+$0x0] =	vst.idx.msk $0xffff, v10;
	v1 =	vor.u32 s14, v0;
	s11 =	sor.u32 s29, s0;
	s14 =	sor.u32 s28, s0;
	s18 =	sadd.s32 s13, s22;
	v9 =	vld [tilespmem:s15+$0x180]  }
0xc5: {  	v10 =	vld [tilespmem:s19+$0x180];
	s19 =	sadd.s32 $0xFFFFF9E5, s1;
	s17 =	simm.s32 @!p2 $0x0;
	s22 =	sadd.s32 $0x10, s18;
	[tilespmem:v23+s16+$0x0] =	vst.idx.msk $0xffff, v5  }
0xc6: {  	v25 =	vor.u32 s3, v0;
	s20 =	sadd.s32 $0xFFFFFFE5, s1;
	s17 =	sshll.u32 s17, $0x6;
	s3 =	sor.u32 $0x200, s22;
	v5 =	vld [tilespmem:s11+$0x0];
	[tilespmem:v4+s16+$0x0] =	vst.idx.msk $0xffff, v3  }
0xc7: {  	s15 =	sadd.s32 s17, s13;
	s17 =	sadd.s32 $0x30, s18;
	v3 =	vor.u32 s19, v0;
	[tilespmem:v24+s16+$0x0] =	vst.idx.msk $0xffff, v6;
	s19 =	sadd.s32 $0xFFFFFBE5, s1;
	v6 =	vor.u32 s6, v0;
	v4 =	vld [tilespmem:s14+$0x0]  }
0xc8: {  	s11 =	sadd.s32 $0x20, s5;
	s6 =	sadd.s32 $0xFFFFFDE5, s1;
	v26 =	vld [tilespmem:s3+$0x0];
	v27 =	vor.u32 s19, v0;
	[tilespmem:v8+s16+$0x0] =	vst.idx.msk $0xffff, v7;
	s14 =	sor.u32 $0x200, s17  }
0xc9: {  	s5 =	sor.u32 $0x200, s11;
	[tilespmem:v1+s16+$0x0] =	vst.idx.msk $0xffff, v9;
	v1 =	vor.u32 s6, v0;
	v8 =	vor.u32 s20, v0;
	s6 =	sor.u32 s26, s0;
	s0 =	sor.u32 s25, s0;
	v7 =	vld [tilespmem:s14+$0x0]  }
0xca: {  	s18 =	sor.u32 $0x200, s15;
	[tilespmem:v2+s16+$0x0] =	vst.idx.msk $0xffff, v10;
	[dreg:$0x1c] =	wrdreg s0;
	v2 =	vld [tilespmem:s5+$0x0];
	s0 =	sor.u32 $0x3100, s24  }
0xcb: {  	v28 =	vld [tilespmem:s18+$0x0];
	s19 =	sor.u32 s29, s0;
	[tilespmem:v25+s16+$0x0] =	vst.idx.msk $0xffff, v5  }
0xcc: {  	s18 =	sadd.s32 $0xFFFFFFE6, s1;
	s20 =	sadd.s32 $0xFFFFF9FB, s30;
	s5 =	sor.u32 s28, s0;
	v10 =	vld [tilespmem:s19+$0x0];
	[tilespmem:v6+s16+$0x0] =	vst.idx.msk $0xffff, v4  }
0xcd: {  	v29 =	vor.u32 s20, v0;
	s14 =	sadd.s32 $0xFFFFFFFB, s30;
	s20 =	sadd.s32 $0xFFFFFBE6, s1;
	v5 =	vor.u32 s18, v0;
	s18 =	sor.u32 $0x280, s22;
	[tilespmem:v27+s16+$0x0] =	vst.idx.msk $0xffff, v26;
	v4 =	vld [tilespmem:s5+$0x0]  }
0xce: {  	v30 =	vor.u32 s20, v0;
	s19 =	sor.u32 s26, s0;
	s0 =	sor.u32 s25, s0;
	v6 =	vor.u32 s14, v0;
	s14 =	sor.u32 $0x280, s17;
	v12 =	vld [tilespmem:s18+$0x0];
	[tilespmem:v8+s16+$0x0] =	vst.idx.msk $0xffff, v7  }
0xcf: {  	[dreg:$0x17] =	wrdreg s0;
	s0 =	sor.u32 $0x280, s11;
	[tilespmem:v1+s16+$0x0] =	vst.idx.msk $0xffff, v2;
	v2 =	vld [tilespmem:s14+$0x0]  }
0xd0: {  	[tilespmem:v3+s16+$0x0] =	vst.idx.msk $0xffff, v28;
	s5 =	sadd.s32 $0xFFFFFDE6, s1;
	s18 =	sor.u32 $0x280, s15;
	v3 =	vld [tilespmem:s0+$0x0]  }
0xd1: {  	s20 =	sadd.s32 $0xFFFFF9E6, s1;
	v1 =	vor.u32 s5, v0;
	s0 =	sor.u32 $0x3180, s24;
	v7 =	vld [tilespmem:s18+$0x0];
	s18 =	sadd.s32 $0xFFFFF9FC, s30  }
0xd2: {  	v8 =	vor.u32 s20, v0;
	s14 =	sor.u32 $0x300, s22;
	s22 =	sor.u32 $0x300, s11;
	s5 =	sor.u32 s29, s0;
	[tilespmem:v29+s16+$0x0] =	vst.idx.msk $0xffff, v10  }
0xd3: {  	s20 =	sor.u32 s28, s0;
	v31 =	vor.u32 s18, v0;
	s18 =	sadd.s32 $0xFFFFFBE7, s1;
	v9 =	vld [tilespmem:s5+$0x0];
	s5 =	sadd.s32 $0xFFFFFBF7, s30;
	[tilespmem:v30+s16+$0x0] =	vst.idx.msk $0xffff, v12  }
0xd4: {  	[dreg:$0x1b] =	wrdreg s20;
	s20 =	sor.u32 s26, s0;
	s0 =	sor.u32 s25, s0;
	[tilespmem:v6+s16+$0x0] =	vst.idx.msk $0xffff, v4;
	v4 =	vld [tilespmem:s8+$0x0];
	v6 =	vor.u32 s5, v0  }
0xd5: {  	s11 =	sadd.s32 $0xFFFFFDE7, s1;
	v33 =	vor.u32 s18, v0;
	[dreg:$0x14] =	wrdreg s0;
	v32 =	vld [tilespmem:s14+$0x0];
	[tilespmem:v5+s16+$0x0] =	vst.idx.msk $0xffff, v2;
	s5 =	sor.u32 $0x300, s17  }
0xd6: {  	s8 =	sadd.s32 $0xFFFFFFE7, s1;
	[tilespmem:v1+s16+$0x0] =	vst.idx.msk $0xffff, v3;
	s14 =	sor.u32 $0x300, s15;
	s17 =	sor.u32 $0x3200, s24;
	v1 =	vld [tilespmem:s5+$0x0]  }
0xd7: {  	[tilespmem:v8+s16+$0x0] =	vst.idx.msk $0xffff, v7;
	s15 =	sadd.s32 $0xFFFFF9E7, s1;
	v2 =	vor.u32 s8, v0;
	v3 =	vld [tilespmem:s22+$0x0];
	s18 =	sor.u32 s29, s17;
	s0 =	sor.u32 s26, s17  }
0xd8: {  	v5 =	vor.u32 s11, v0;
	v7 =	vld [tilespmem:s14+$0x0];
	v8 =	vor.u32 s15, v0;
	s14 =	sor.u32 s25, s17;
	s15 =	sor.u32 s28, s17;
	s17 =	sld [smem:$0x7F1];
	[tilespmem:v31+s16+$0x0] =	vst.idx.msk $0xffff, v9  }
0xd9: {  	s22 =	sadd.s32 $0xFFFFF9FD, s30;
	[tilespmem:v6+s16+$0x0] =	vst.idx.msk $0xffff, v4  }
0xda: {  	s3 =	sor.u32 s25, s2;
	s11 =	sadd.s32 $0xFFFFFBF8, s30;
	v34 =	vor.u32 s22, v0;
	v9 =	vld [tilespmem:s18+$0x0];
	s18 =	sadd.s32 $0xFFFFFBE8, s1;
	[tilespmem:v33+s16+$0x0] =	vst.idx.msk $0xffff, v32  }
0xdb: {  	s22 =	sor.u32 s12, s13;
	s5 =	sor.u32 $0x380, s17;
	v6 =	vor.u32 s11, v0;
	v35 =	vor.u32 s18, v0;
	s18 =	sld [smem:$0x7F2];
	v4 =	vld [tilespmem:s21+$0x0]  }
0xdc: {  	s8 =	sor.u32 s23, s13;
	[dreg:$0x18] =	wrdreg s14;
	s14 =	sor.u32 $0x380, s22;
	[tilespmem:v2+s16+$0x0] =	vst.idx.msk $0xffff, v1;
	v11 =	vld [tilespmem:s5+$0x0]  }
0xdd: {  	[dreg:$0x1d] =	wrdreg s15;
	s15 =	sadd.s32 $0xFFFFFFE8, s1;
	s2 =	sor.u32 $0x380, s8;
	[tilespmem:v5+s16+$0x0] =	vst.idx.msk $0xffff, v3;
	v1 =	vld [tilespmem:s14+$0x0]  }
0xde: {  	s23 =	sadd.s32 $0xFFFFF9FE, s30;
	s17 =	sadd.s32 $0xFFFFFDE8, s1;
	v2 =	vor.u32 s15, v0;
	[tilespmem:v8+s16+$0x0] =	vst.idx.msk $0xffff, v7;
	v3 =	vld [tilespmem:s2+$0x0];
	s5 =	sor.u32 $0x380, s18  }
0xdf: {  	v36 =	vor.u32 s23, v0;
	s23 =	sld [smem:$0x7F3];
	v5 =	vor.u32 s17, v0;
	s21 =	sadd.s32 $0xFFFFF9E8, s1;
	s2 =	sor.u32 $0x3280, s24;
	v7 =	vld [tilespmem:s5+$0x0];
	[tilespmem:v34+s16+$0x0] =	vst.idx.msk $0xffff, v9  }
0xe0: {  	v8 =	vor.u32 s21, v0;
	s22 =	sor.u32 s29, s2;
	[tilespmem:v6+s16+$0x0] =	vst.idx.msk $0xffff, v4  }
0xe1: {  	s11 =	sor.u32 $0x1000, s4;
	s14 =	sadd.s32 $0xFFFFFBF9, s30;
	v9 =	vld [tilespmem:s22+$0x0];
	[tilespmem:v35+s16+$0x0] =	vst.idx.msk $0xffff, v11  }
0xe2: {  	s15 =	sor.u32 s7, s11;
	s22 =	sadd.s32 $0xFFFFFBE9, s1;
	v6 =	vor.u32 s14, v0;
	v4 =	vld [tilespmem:s23+$0x0]  }
0xe3: {  	v37 =	vor.u32 s22, v0;
	[tilespmem:v2+s16+$0x0] =	vst.idx.msk $0xffff, v1;
	s14 =	sor.u32 s9, s11;
	v11 =	vld [tilespmem:s15+$0x0]  }
0xe4: {  	s8 =	sor.u32 s31, s11;
	s18 =	sadd.s32 $0xFFFFFFE9, s1;
	[tilespmem:v5+s16+$0x0] =	vst.idx.msk $0xffff, v3;
	s22 =	sor.u32 s10, s11;
	v1 =	vld [tilespmem:s14+$0x0]  }
0xe5: {  	s21 =	sor.u32 s28, s2;
	s17 =	sor.u32 s25, s2;
	v2 =	vor.u32 s18, v0;
	v3 =	vld [tilespmem:s22+$0x0];
	s23 =	sadd.s32 $0xFFFFFDE9, s1;
	[tilespmem:v8+s16+$0x0] =	vst.idx.msk $0xffff, v7  }
0xe6: {  	s18 =	sadd.s32 $0xFFFFF9E9, s1;
	s15 =	sor.u32 s26, s2;
	s2 =	sor.u32 $0x3300, s24;
	v5 =	vor.u32 s23, v0;
	v7 =	vld [tilespmem:s8+$0x0];
	[tilespmem:v36+s16+$0x0] =	vst.idx.msk $0xffff, v9  }
0xe7: {  	v8 =	vor.u32 s18, v0;
	s22 =	sor.u32 s29, s2;
	s23 =	sadd.s32 $0xFFFFF9FF, s30;
	[tilespmem:v6+s16+$0x0] =	vst.idx.msk $0xffff, v4  }
0xe8: {  	s5 =	sadd.s32 $0xFFFFFBFA, s30;
	s14 =	sor.u32 $0x1080, s4;
	v38 =	vor.u32 s23, v0;
	v9 =	vld [tilespmem:s22+$0x0];
	[tilespmem:v37+s16+$0x0] =	vst.idx.msk $0xffff, v11  }
0xe9: {  	s18 =	sadd.s32 $0xFFFFFBEA, s1;
	s22 =	sor.u32 s7, s14;
	v6 =	vor.u32 s5, v0;
	v4 =	vld [tilespmem:s6+$0x0]  }
0xea: {  	s11 =	sor.u32 s31, s14;
	s23 =	sor.u32 s9, s14;
	v39 =	vor.u32 s18, v0;
	[tilespmem:v2+s16+$0x0] =	vst.idx.msk $0xffff, v1;
	v11 =	vld [tilespmem:s22+$0x0]  }
0xeb: {  	s8 =	sor.u32 s26, s2;
	s14 =	sor.u32 s10, s14;
	v1 =	vld [tilespmem:s23+$0x0];
	[tilespmem:v5+s16+$0x0] =	vst.idx.msk $0xffff, v3;
	s22 =	sadd.s32 $0xFFFFFDEA, s1  }
0xec: {  	s18 =	sor.u32 s25, s2;
	s5 =	sor.u32 s28, s2;
	s6 =	sadd.s32 $0xFFFFFFEA, s1;
	[tilespmem:v8+s16+$0x0] =	vst.idx.msk $0xffff, v7;
	v3 =	vld [tilespmem:s14+$0x0];
	v5 =	vor.u32 s22, v0  }
0xed: {  	s23 =	sadd.s32 $0xFFFFF9EA, s1;
	s2 =	sor.u32 $0x3380, s24;
	s24 =	smov.u32 s4;
	v2 =	vor.u32 s6, v0;
	v7 =	vld [tilespmem:s11+$0x0];
	[tilespmem:v38+s16+$0x0] =	vst.idx.msk $0xffff, v9  }
0xee: {  	s4 =	sor.u32 s26, s2;
	s26 =	sadd.s32 $0xFFFFFBEB, s1;
	s22 =	sor.u32 s29, s2;
	[tilespmem:v6+s16+$0x0] =	vst.idx.msk $0xffff, v4  }
0xef: {  	v8 =	vor.u32 s23, v0;
	s23 =	sadd.s32 $0xFFFFFA00, s30;
	s14 =	sor.u32 $0x1100, s24;
	s11 =	sadd.s32 $0xFFFFFBFB, s30;
	v9 =	vld [tilespmem:s22+$0x0];
	[tilespmem:v39+s16+$0x0] =	vst.idx.msk $0xffff, v11  }
0xf0: {  	v41 =	vor.u32 s26, v0;
	s26 =	rddreg [dreg:$0x1f];
	s6 =	sor.u32 s28, s2;
	v40 =	vor.u32 s23, v0;
	s23 =	sor.u32 s7, s14;
	v6 =	vor.u32 s11, v0;
	v4 =	vld [tilespmem:s19+$0x0]  }
0xf1: {  	s22 =	sor.u32 s31, s14;
	s11 =	sor.u32 s9, s14;
	[tilespmem:v5+s16+$0x0] =	vst.idx.msk $0xffff, v3;
	v11 =	vld [tilespmem:s23+$0x0];
	s23 =	sadd.s32 $0xFFFFFDF6, s30  }
0xf2: {  	[tilespmem:v2+s16+$0x0] =	vst.idx.msk $0xffff, v1;
	s19 =	sor.u32 s25, s2;
	s2 =	sor.u32 s10, s14;
	s14 =	sadd.s32 $0xFFFFFDEB, s1;
	v1 =	vld [tilespmem:s26+$0x0];
	v2 =	vor.u32 s23, v0  }
0xf3: {  	v3 =	vld [tilespmem:s2+$0x0];
	v5 =	vor.u32 s14, v0  }
0xf4: {  	s29 =	smov.u32 s31;
	s31 =	sadd.s32 $0xFFFFF9EB, s1;
	[tilespmem:v8+s16+$0x0] =	vst.idx.msk $0xffff, v7  }
0xf5: {  	s28 =	smov.u32 s9;
	s9 =	sadd.s32 $0xFFFFFFEB, s1;
	v8 =	vor.u32 s31, v0;
	v7 =	vld [tilespmem:s22+$0x0];
	[tilespmem:v6+s16+$0x0] =	vst.idx.msk $0xffff, v4  }
0xf6: {  	v43 =	vor.u32 s9, v0;
	s26 =	smov.u32 s7;
	s7 =	sor.u32 $0x1180, s24;
	v42 =	vld [tilespmem:s11+$0x0];
	s22 =	sadd.s32 $0xFFFFFBFC, s30;
	[tilespmem:v41+s16+$0x0] =	vst.idx.msk $0xffff, v11  }
0xf7: {  	s31 =	sadd.s32 $0xFFFFFBEC, s1;
	s25 =	smov.u32 s10;
	s23 =	sor.u32 s26, s7;
	v6 =	vor.u32 s22, v0;
	[tilespmem:v2+s16+$0x0] =	vst.idx.msk $0xffff, v1;
	v4 =	vld [tilespmem:s20+$0x0]  }
0xf8: {  	v44 =	vor.u32 s31, v0;
	s11 =	sadd.s32 $0xFFFFFDF7, s30;
	s9 =	sor.u32 s29, s7;
	v11 =	vld [tilespmem:s23+$0x0];
	[tilespmem:v5+s16+$0x0] =	vst.idx.msk $0xffff, v3;
	s23 =	rddreg [dreg:$0xa]  }
0xf9: {  	[tilespmem:v40+s16+$0x0] =	vst.idx.msk $0xffff, v9;
	s2 =	sor.u32 s28, s7;
	s7 =	sor.u32 s25, s7;
	s22 =	sadd.s32 $0xFFFFFDEC, s1;
	v2 =	vor.u32 s11, v0;
	v1 =	vld [tilespmem:s23+$0x0]  }
0xfa: {  	[tilespmem:v8+s16+$0x0] =	vst.idx.msk $0xffff, v7;
	v5 =	vor.u32 s22, v0;
	v3 =	vld [tilespmem:s7+$0x0]  }
0xfb: {  	s31 =	sadd.s32 $0xFFFFF9EC, s1;
	[tilespmem:v43+s16+$0x0] =	vst.idx.msk $0xffff, v42  }
0xfc: {  	v8 =	vor.u32 s31, v0;
	v7 =	vld [tilespmem:s9+$0x0];
	s11 =	sadd.s32 $0xFFFFFFEC, s1;
	[tilespmem:v6+s16+$0x0] =	vst.idx.msk $0xffff, v4  }
0xfd: {  	v9 =	vld [tilespmem:s2+$0x0];
	s20 =	sor.u32 $0x1200, s24;
	v45 =	vor.u32 s11, v0;
	s22 =	sadd.s32 $0xFFFFFBFD, s30;
	[tilespmem:v44+s16+$0x0] =	vst.idx.msk $0xffff, v11  }
0xfe: {  	s31 =	sadd.s32 $0xFFFFFBED, s1;
	s23 =	sor.u32 s26, s20;
	v6 =	vor.u32 s22, v0;
	[tilespmem:v2+s16+$0x0] =	vst.idx.msk $0xffff, v1;
	v4 =	vld [tilespmem:s0+$0x0]  }
0xff: {  	v46 =	vor.u32 s31, v0;
	s11 =	sor.u32 s28, s20;
	s7 =	sadd.s32 $0xFFFFFDF8, s30;
	v11 =	vld [tilespmem:s23+$0x0];
	[tilespmem:v5+s16+$0x0] =	vst.idx.msk $0xffff, v3;
	s23 =	rddreg [dreg:$0xc]  }
0x100: {  	s22 =	sadd.s32 $0xFFFFFDED, s1;
	v2 =	vor.u32 s7, v0;
	s0 =	sor.u32 s29, s20;
	s20 =	sor.u32 s25, s20;
	v1 =	vld [tilespmem:s23+$0x0]  }
0x101: {  	[tilespmem:v8+s16+$0x0] =	vst.idx.msk $0xffff, v7;
	v5 =	vor.u32 s22, v0;
	v3 =	vld [tilespmem:s20+$0x0]  }
0x102: {  	s10 =	sadd.s32 $0xFFFFFFED, s1;
	[tilespmem:v45+s16+$0x0] =	vst.idx.msk $0xffff, v9  }
0x103: {  	v47 =	vor.u32 s10, v0;
	s31 =	sadd.s32 $0xFFFFF9ED, s1;
	v9 =	vld [tilespmem:s11+$0x0];
	[tilespmem:v6+s16+$0x0] =	vst.idx.msk $0xffff, v4  }
0x104: {  	v8 =	vor.u32 s31, v0;
	s22 =	sadd.s32 $0xFFFFFBFE, s30;
	v7 =	vld [tilespmem:s0+$0x0];
	s20 =	sor.u32 $0x1280, s24;
	[tilespmem:v46+s16+$0x0] =	vst.idx.msk $0xffff, v11  }
0x105: {  	s31 =	sadd.s32 $0xFFFFFBEE, s1;
	s23 =	sor.u32 s26, s20;
	v6 =	vor.u32 s22, v0;
	[tilespmem:v2+s16+$0x0] =	vst.idx.msk $0xffff, v1;
	v4 =	vld [tilespmem:s15+$0x0]  }
0x106: {  	v48 =	vor.u32 s31, v0;
	s7 =	sor.u32 s29, s20;
	v11 =	vld [tilespmem:s23+$0x0];
	s15 =	sadd.s32 $0xFFFFFDF9, s30;
	[tilespmem:v5+s16+$0x0] =	vst.idx.msk $0xffff, v3  }
0x107: {  	s11 =	sor.u32 s28, s20;
	s2 =	sor.u32 s25, s20;
	s20 =	sadd.s32 $0xFFFFFDEE, s1;
	v1 =	vld [tilespmem:s3+$0x0];
	v2 =	vor.u32 s15, v0  }
0x108: {  	[tilespmem:v47+s16+$0x0] =	vst.idx.msk $0xffff, v9;
	v5 =	vor.u32 s20, v0;
	v3 =	vld [tilespmem:s2+$0x0]  }
0x109: {  	s22 =	sadd.s32 $0xFFFFF9EE, s1;
	[tilespmem:v8+s16+$0x0] =	vst.idx.msk $0xffff, v7  }
0x10a: {  	s31 =	sor.u32 $0x1300, s24;
	v8 =	vor.u32 s22, v0;
	v7 =	vld [tilespmem:s7+$0x0];
	s23 =	sadd.s32 $0xFFFFFFEE, s1;
	[tilespmem:v6+s16+$0x0] =	vst.idx.msk $0xffff, v4  }
0x10b: {  	s9 =	sadd.s32 $0xFFFFFBFF, s30;
	s10 =	sor.u32 s29, s31;
	v9 =	vld [tilespmem:s11+$0x0];
	v49 =	vor.u32 s23, v0;
	[tilespmem:v48+s16+$0x0] =	vst.idx.msk $0xffff, v11  }
0x10c: {  	s11 =	sor.u32 s26, s31;
	s22 =	sadd.s32 $0xFFFFFDFA, s30;
	s15 =	sadd.s32 $0xFFFFFBEF, s1;
	v6 =	vor.u32 s9, v0;
	[tilespmem:v2+s16+$0x0] =	vst.idx.msk $0xffff, v1;
	v4 =	vld [tilespmem:s8+$0x0]  }
0x10d: {  	s20 =	sor.u32 s28, s31;
	s3 =	sor.u32 s25, s31;
	s31 =	rddreg [dreg:$0x1c];
	v50 =	vor.u32 s15, v0;
	v11 =	vld [tilespmem:s11+$0x0];
	[tilespmem:v5+s16+$0x0] =	vst.idx.msk $0xffff, v3  }
0x10e: {  	s23 =	sadd.s32 $0xFFFFFDEF, s1;
	v2 =	vor.u32 s22, v0;
	v1 =	vld [tilespmem:s31+$0x0]  }
0x10f: {  	[tilespmem:v8+s16+$0x0] =	vst.idx.msk $0xffff, v7;
	v5 =	vor.u32 s23, v0;
	v3 =	vld [tilespmem:s3+$0x0]  }
0x110: {  	s9 =	sadd.s32 $0xFFFFF9EF, s1;
	[tilespmem:v49+s16+$0x0] =	vst.idx.msk $0xffff, v9  }
0x111: {  	v7 =	vld [tilespmem:s10+$0x0];
	v8 =	vor.u32 s9, v0;
	s10 =	sadd.s32 $0xFFFFFFEF, s1;
	[tilespmem:v6+s16+$0x0] =	vst.idx.msk $0xffff, v4  }
0x112: {  	s15 =	sadd.s32 $0xFFFFFC00, s30;
	s11 =	sor.u32 $0x1380, s24;
	v9 =	vld [tilespmem:s20+$0x0];
	v51 =	vor.u32 s10, v0;
	[tilespmem:v50+s16+$0x0] =	vst.idx.msk $0xffff, v11  }
0x113: {  	s22 =	sadd.s32 $0xFFFFFBF0, s1;
	s20 =	sor.u32 s26, s11;
	v6 =	vor.u32 s15, v0;
	[tilespmem:v2+s16+$0x0] =	vst.idx.msk $0xffff, v1;
	v4 =	vld [tilespmem:s4+$0x0]  }
0x114: {  	v52 =	vor.u32 s22, v0;
	s10 =	rddreg [dreg:$0x17];
	v11 =	vld [tilespmem:s20+$0x0];
	s4 =	sadd.s32 $0xFFFFFDFB, s30;
	[tilespmem:v5+s16+$0x0] =	vst.idx.msk $0xffff, v3  }
0x115: {  	s9 =	sadd.s32 $0xFFFFFDF0, s1;
	s3 =	sor.u32 s25, s11;
	v1 =	vld [tilespmem:s10+$0x0];
	v2 =	vor.u32 s4, v0  }
0x116: {  	[tilespmem:v8+s16+$0x0] =	vst.idx.msk $0xffff, v7;
	v5 =	vor.u32 s9, v0;
	v3 =	vld [tilespmem:s3+$0x0]  }
0x117: {  	s23 =	sor.u32 s28, s11;
	s31 =	sor.u32 s29, s11;
	s11 =	sadd.s32 $0xFFFFF9F0, s1;
	[tilespmem:v51+s16+$0x0] =	vst.idx.msk $0xffff, v9  }
0x118: {  	s22 =	sadd.s32 $0xFFFFFFFC, s30;
	v8 =	vor.u32 s11, v0;
	v7 =	vld [tilespmem:s31+$0x0];
	s15 =	sadd.s32 $0xFFFFFFF0, s1;
	[tilespmem:v6+s16+$0x0] =	vst.idx.msk $0xffff, v4  }
0x119: {  	s11 =	sadd.s32 $0xFFFFFDFC, s30;
	v9 =	vld [tilespmem:s23+$0x0];
	v53 =	vor.u32 s15, v0;
	s20 =	sor.u32 $0x2000, s24;
	s9 =	rddreg [dreg:$0x1b];
	[tilespmem:v52+s16+$0x0] =	vst.idx.msk $0xffff, v11  }
0x11a: {  	s31 =	sadd.s32 $0xFFFFFBF1, s1;
	s23 =	sor.u32 s26, s20;
	s7 =	sor.u32 s28, s20;
	v4 =	vld [tilespmem:s9+$0x0];
	v6 =	vor.u32 s22, v0;
	[tilespmem:v2+s16+$0x0] =	vst.idx.msk $0xffff, v1  }
0x11b: {  	v54 =	vor.u32 s31, v0;
	s10 =	sor.u32 s29, s20;
	s2 =	sor.u32 s25, s20;
	s20 =	rddreg [dreg:$0x14];
	v11 =	vld [tilespmem:s23+$0x0];
	[tilespmem:v5+s16+$0x0] =	vst.idx.msk $0xffff, v3  }
0x11c: {  	s15 =	sadd.s32 $0xFFFFFDF1, s1;
	v2 =	vor.u32 s11, v0;
	v1 =	vld [tilespmem:s20+$0x0]  }
0x11d: {  	[tilespmem:v8+s16+$0x0] =	vst.idx.msk $0xffff, v7;
	v5 =	vor.u32 s15, v0;
	v3 =	vld [tilespmem:s2+$0x0]  }
0x11e: {  	v7 =	vld [tilespmem:s10+$0x0];
	s22 =	sadd.s32 $0xFFFFF9F1, s1;
	[tilespmem:v53+s16+$0x0] =	vst.idx.msk $0xffff, v9  }
0x11f: {  	v8 =	vor.u32 s22, v0;
	v9 =	vld [tilespmem:s7+$0x0];
	s23 =	sadd.s32 $0xFFFFFFF1, s1;
	[tilespmem:v6+s16+$0x0] =	vst.idx.msk $0xffff, v4  }
0x120: {  	s31 =	sor.u32 $0x2080, s24;
	s7 =	sadd.s32 $0xFFFFFFFD, s30;
	s15 =	rddreg [dreg:$0x1d];
	v55 =	vor.u32 s23, v0;
	[tilespmem:v54+s16+$0x0] =	vst.idx.msk $0xffff, v11  }
0x121: {  	s4 =	sadd.s32 $0xFFFFFBF2, s1;
	s10 =	sor.u32 s26, s31;
	v6 =	vor.u32 s7, v0;
	v4 =	vld [tilespmem:s15+$0x0];
	[tilespmem:v2+s16+$0x0] =	vst.idx.msk $0xffff, v1  }
0x122: {  	v56 =	vor.u32 s4, v0;
	s20 =	sadd.s32 $0xFFFFFDFD, s30;
	s23 =	rddreg [dreg:$0x18];
	v11 =	vld [tilespmem:s10+$0x0];
	[tilespmem:v5+s16+$0x0] =	vst.idx.msk $0xffff, v3  }
0x123: {  	s22 =	sadd.s32 $0xFFFFFDF2, s1;
	s2 =	sor.u32 s25, s31;
	v2 =	vor.u32 s20, v0;
	v1 =	vld [tilespmem:s23+$0x0]  }
0x124: {  	s8 =	sor.u32 s29, s31;
	[tilespmem:v8+s16+$0x0] =	vst.idx.msk $0xffff, v7;
	v5 =	vor.u32 s22, v0;
	v3 =	vld [tilespmem:s2+$0x0]  }
0x125: {  	s11 =	sor.u32 s28, s31;
	s31 =	sadd.s32 $0xFFFFF9F2, s1;
	v7 =	vld [tilespmem:s8+$0x0];
	[tilespmem:v55+s16+$0x0] =	vst.idx.msk $0xffff, v9  }
0x126: {  	s7 =	sadd.s32 $0xFFFFFFF2, s1;
	v8 =	vor.u32 s31, v0;
	v9 =	vld [tilespmem:s11+$0x0];
	[tilespmem:v6+s16+$0x0] =	vst.idx.msk $0xffff, v4  }
0x127: {  	s9 =	sor.u32 $0x2100, s24;
	v57 =	vor.u32 s7, v0;
	s10 =	sadd.s32 $0xFFFFFFFE, s30;
	[tilespmem:v56+s16+$0x0] =	vst.idx.msk $0xffff, v11  }
0x128: {  	s15 =	sor.u32 s26, s9;
	s20 =	sadd.s32 $0xFFFFFBF3, s1;
	v6 =	vor.u32 s10, v0;
	v4 =	vld [tilespmem:s21+$0x0];
	[tilespmem:v2+s16+$0x0] =	vst.idx.msk $0xffff, v1  }
0x129: {  	v58 =	vor.u32 s20, v0;
	s23 =	sadd.s32 $0xFFFFFDFE, s30;
	v11 =	vld [tilespmem:s15+$0x0];
	[tilespmem:v5+s16+$0x0] =	vst.idx.msk $0xffff, v3  }
0x12a: {  	s31 =	sadd.s32 $0xFFFFFDF3, s1;
	s2 =	sor.u32 s25, s9;
	v2 =	vor.u32 s23, v0;
	v1 =	vld [tilespmem:s17+$0x0]  }
0x12b: {  	s11 =	sor.u32 s29, s9;
	[tilespmem:v8+s16+$0x0] =	vst.idx.msk $0xffff, v7;
	v5 =	vor.u32 s31, v0;
	v3 =	vld [tilespmem:s2+$0x0]  }
0x12c: {  	s8 =	sadd.s32 $0xFFFFF9F3, s1;
	s22 =	sor.u32 s28, s9;
	v7 =	vld [tilespmem:s11+$0x0];
	[tilespmem:v57+s16+$0x0] =	vst.idx.msk $0xffff, v9  }
0x12d: {  	s9 =	sadd.s32 $0xFFFFFFF3, s1;
	v8 =	vor.u32 s8, v0;
	v9 =	vld [tilespmem:s22+$0x0];
	[tilespmem:v6+s16+$0x0] =	vst.idx.msk $0xffff, v4  }
0x12e: {  	s10 =	sor.u32 $0x2180, s24;
	v59 =	vor.u32 s9, v0;
	s11 =	sadd.s32 $0xFFFFFFFF, s30;
	[tilespmem:v58+s16+$0x0] =	vst.idx.msk $0xffff, v11  }
0x12f: {  	s20 =	sadd.s32 $0xFFFFFBF4, s1;
	s17 =	sor.u32 s26, s10;
	v6 =	vor.u32 s11, v0;
	v4 =	vld [tilespmem:s5+$0x0];
	[tilespmem:v2+s16+$0x0] =	vst.idx.msk $0xffff, v1  }
0x130: {  	v60 =	vor.u32 s20, v0;
	s22 =	sadd.s32 $0xFFFFFDFF, s30;
	v11 =	vld [tilespmem:s17+$0x0];
	[tilespmem:v5+s16+$0x0] =	vst.idx.msk $0xffff, v3  }
0x131: {  	s3 =	sor.u32 s25, s10;
	s23 =	sadd.s32 $0xFFFFFDF4, s1;
	v2 =	vor.u32 s22, v0;
	v1 =	vld [tilespmem:s18+$0x0]  }
0x132: {  	s15 =	sor.u32 s29, s10;
	[tilespmem:v8+s16+$0x0] =	vst.idx.msk $0xffff, v7;
	v5 =	vor.u32 s23, v0;
	v3 =	vld [tilespmem:s3+$0x0]  }
0x133: {  	s21 =	sor.u32 s28, s10;
	s31 =	sadd.s32 $0xFFFFF9F4, s1;
	v7 =	vld [tilespmem:s15+$0x0];
	[tilespmem:v59+s16+$0x0] =	vst.idx.msk $0xffff, v9  }
0x134: {  	v8 =	vor.u32 s31, v0;
	s5 =	sadd.s32 $0xFFFFFFF4, s1;
	v9 =	vld [tilespmem:s21+$0x0];
	[tilespmem:v6+s16+$0x0] =	vst.idx.msk $0xffff, v4  }
0x135: {  	s12 =	sadd.s32 $0x40, s12;
	s7 =	sor.u32 $0x2200, s24;
	v61 =	vor.u32 s5, v0;
	[tilespmem:v60+s16+$0x0] =	vst.idx.msk $0xffff, v11  }
0x136: {  	s13 =	sadd.s32 $0x200, s13;
	s9 =	sor.u32 s26, s7;
	s10 =	sadd.s32 $0xFFFFFBF5, s1;
	v6 =	vor.u32 s30, v0;
	v4 =	vld [tilespmem:s6+$0x0];
	[tilespmem:v2+s16+$0x0] =	vst.idx.msk $0xffff, v1  }
0x137: {  	s14 =	rddreg [dreg:$0x5];
	s0 =	sor.u32 $0x2300, s24;
	v62 =	vor.u32 s10, v0;
	s15 =	sadd.s32 $0xFFFFFE00, s30;
	v11 =	vld [tilespmem:s9+$0x0];
	[tilespmem:v5+s16+$0x0] =	vst.idx.msk $0xffff, v3  }
0x138: {  	s20 =	sadd.s32 $0xFFFFFFF5, s1;
	s17 =	sadd.s32 $0xFFFFFDF5, s1;
	v14 =	vor.u32 s15, v0;
	s3 =	sor.u32 s25, s7;
	v63 =	vld [tilespmem:s19+$0x0]  }
0x139: {  	s8 =	sor.u32 s29, s7;
	s11 =	sor.u32 s28, s7;
	s2 =	sadd.s32 $0xFFFFFFF6, s1;
	[tilespmem:v8+s16+$0x0] =	vst.idx.msk $0xffff, v7;
	v8 =	vor.u32 s17, v0;
	v7 =	vld [tilespmem:s3+$0x0]  }
.Ltmp4:
0x13a: {  	s31 =	rddreg [dreg:$0x7];
	s21 =	sor.u32 $0x2280, s24;
	[tilespmem:v61+s16+$0x0] =	vst.idx.msk $0xffff, v9;
	(pc) =	sbr.rel @p3 .LBB2_3-.Ltmp4, $4  }
0x13b: {  	s22 =	sor.u32 s26, s21;
	s10 =	sor.u32 s28, s21;
	s30 =	smov.u32 s1;
	v2 =	vld [tilespmem:s11+$0x0];
	[tilespmem:v6+s16+$0x0] =	vst.idx.msk $0xffff, v4  }
0x13c: {  	s23 =	sadd.s32 $0xFFFFFBF6, s1;
	s18 =	rddreg [dreg:$0x8];
	s6 =	sadd.s32 $0xFFFFF9F7, s1;
	[tilespmem:v62+s16+$0x0] =	vst.idx.msk $0xffff, v11  }
0x13d: {  	s18 =	sadd.s32 $0x4, s18;
	s9 =	sor.u32 s29, s21;
	v1 =	vld [tilespmem:s8+$0x0];
	v6 =	vor.u32 s20, v0;
	s19 =	sadd.s32 $0xFFFFF9F5, s1;
	[tilespmem:v14+s16+$0x0] =	vst.idx.msk $0xffff, v63  }
0x13e: {  	s8 =	sadd.s32 $0xFFFFF9F6, s1;
	v4 =	vor.u32 s23, v0;
	s1 =	sadd.s32 $0x800, s1;
	s3 =	sadd.s32 $0x2, s31;
	v5 =	vor.u32 s19, v0;
	v3 =	vld [tilespmem:s22+$0x0];
	[tilespmem:v8+s16+$0x0] =	vst.idx.msk $0xffff, v7  }
0x13f: {  	_ =	sdelay $0x3  }
0x140: {  	[tilespmem:v6+s16+$0x0] =	vst.idx.msk $0xffff, v2  }
0x141: {  	v32 =	vor.u32 s2, v0;
	v2 =	vld [tilespmem:s10+$0x0];
	[tilespmem:v5+s16+$0x0] =	vst.idx.msk $0xffff, v1  }
0x142: {  	v31 =	vor.u32 s8, v0;
	s1 =	sor.u32 s25, s21;
	s12 =	sadd.s32 $0xFFFFFDF6, s30;
	v1 =	vld [tilespmem:s9+$0x0]  }
0x143: {  	v7 =	vld [tilespmem:s1+$0x0];
	v8 =	vor.u32 s12, v0;
	_ =	sdelay $0x1  }
0x144: {  	s14 =	sor.u32 s26, s0;
	s15 =	sadd.s32 $0xFFFFFBF7, s30;
	[tilespmem:v4+s16+$0x0] =	vst.idx.msk $0xffff, v3  }
0x145: {  	s17 =	sor.u32 s28, s0;
	s18 =	sadd.s32 $0xFFFFFFF7, s30;
	v33 =	vor.u32 s15, v0;
	[tilespmem:v32+s16+$0x0] =	vst.idx.msk $0xffff, v2;
	v2 =	vld [tilespmem:s14+$0x0]  }
0x146: {  	s13 =	sor.u32 s29, s0;
	v35 =	vor.u32 s18, v0;
	v34 =	vld [tilespmem:s17+$0x0];
	[tilespmem:v31+s16+$0x0] =	vst.idx.msk $0xffff, v1  }
0x147: {  	s19 =	sor.u32 s25, s0;
	s20 =	sadd.s32 $0xFFFFFDF7, s30;
	v3 =	vor.u32 s6, v0;
	[tilespmem:v8+s16+$0x0] =	vst.idx.msk $0xffff, v7;
	v1 =	vld [tilespmem:s13+$0x0]  }
0x148: {  	v36 =	vor.u32 s20, v0;
	v7 =	vld [tilespmem:s19+$0x0]  }
0x149: {  	s21 =	sor.u32 $0x2380, s24  }
0x14a: {  	s3 =	sadd.s32 $0xFFFFFBF8, s30;
	s31 =	sor.u32 s26, s21;
	[tilespmem:v33+s16+$0x0] =	vst.idx.msk $0xffff, v2  }
0x14b: {  	s5 =	sadd.s32 $0xFFFFFFF8, s30;
	s4 =	sor.u32 s28, s21;
	v37 =	vor.u32 s3, v0;
	[tilespmem:v35+s16+$0x0] =	vst.idx.msk $0xffff, v34;
	v2 =	vld [tilespmem:s31+$0x0]  }
0x14c: {  	s23 =	sadd.s32 $0xFFFFF9F8, s30;
	s22 =	sor.u32 s29, s21;
	v38 =	vor.u32 s5, v0;
	v5 =	vld [tilespmem:s4+$0x0];
	[tilespmem:v3+s16+$0x0] =	vst.idx.msk $0xffff, v1  }
0x14d: {  	s0 =	sor.u32 s25, s21;
	s6 =	sadd.s32 $0xFFFFFDF8, s30;
	[tilespmem:v36+s16+$0x0] =	vst.idx.msk $0xffff, v7;
	v3 =	vor.u32 s23, v0;
	v1 =	vld [tilespmem:s22+$0x0]  }
0x14e: {  	v39 =	vor.u32 s6, v0;
	v7 =	vld [tilespmem:s0+$0x0]  }
0x14f: {  	s7 =	sor.u32 $0x3000, s24  }
0x150: {  	s11 =	sadd.s32 $0xFFFFFBF9, s30;
	s10 =	sor.u32 s26, s7;
	[tilespmem:v37+s16+$0x0] =	vst.idx.msk $0xffff, v2  }
0x151: {  	s12 =	sor.u32 s28, s7;
	v40 =	vor.u32 s11, v0;
	s13 =	sadd.s32 $0xFFFFFFF9, s30;
	[tilespmem:v38+s16+$0x0] =	vst.idx.msk $0xffff, v5;
	v2 =	vld [tilespmem:s10+$0x0]  }
0x152: {  	s8 =	sor.u32 s29, s7;
	s9 =	sadd.s32 $0xFFFFF9F9, s30;
	v41 =	vor.u32 s13, v0;
	v5 =	vld [tilespmem:s12+$0x0];
	[tilespmem:v3+s16+$0x0] =	vst.idx.msk $0xffff, v1  }
0x153: {  	s14 =	sadd.s32 $0xFFFFFDF9, s30;
	s0 =	sor.u32 s25, s7;
	[tilespmem:v39+s16+$0x0] =	vst.idx.msk $0xffff, v7;
	v3 =	vor.u32 s9, v0;
	v1 =	vld [tilespmem:s8+$0x0]  }
0x154: {  	v42 =	vor.u32 s14, v0;
	v7 =	vld [tilespmem:s0+$0x0]  }
0x155: {  	s15 =	sor.u32 $0x3080, s24  }
0x156: {  	s20 =	sadd.s32 $0xFFFFFBFA, s30;
	s19 =	sor.u32 s26, s15;
	[tilespmem:v40+s16+$0x0] =	vst.idx.msk $0xffff, v2  }
0x157: {  	s21 =	sadd.s32 $0xFFFFFFFA, s30;
	v43 =	vor.u32 s20, v0;
	s22 =	sor.u32 s28, s15;
	v2 =	vld [tilespmem:s19+$0x0];
	[tilespmem:v41+s16+$0x0] =	vst.idx.msk $0xffff, v5  }
0x158: {  	s18 =	sor.u32 s29, s15;
	v44 =	vor.u32 s21, v0;
	s17 =	sadd.s32 $0xFFFFF9FA, s30;
	v5 =	vld [tilespmem:s22+$0x0];
	[tilespmem:v3+s16+$0x0] =	vst.idx.msk $0xffff, v1  }
0x159: {  	s23 =	sadd.s32 $0xFFFFFDFA, s30;
	s0 =	sor.u32 s25, s15;
	[tilespmem:v42+s16+$0x0] =	vst.idx.msk $0xffff, v7;
	v3 =	vor.u32 s17, v0;
	v1 =	vld [tilespmem:s18+$0x0]  }
0x15a: {  	v45 =	vor.u32 s23, v0;
	v7 =	vld [tilespmem:s0+$0x0]  }
0x15b: {  	s31 =	sor.u32 $0x3100, s24  }
0x15c: {  	s5 =	sadd.s32 $0xFFFFFBFB, s30;
	s4 =	sor.u32 s26, s31;
	[tilespmem:v43+s16+$0x0] =	vst.idx.msk $0xffff, v2  }
0x15d: {  	v46 =	vor.u32 s5, v0;
	s7 =	sadd.s32 $0xFFFFFFFB, s30;
	s6 =	sor.u32 s28, s31;
	[tilespmem:v44+s16+$0x0] =	vst.idx.msk $0xffff, v5;
	v2 =	vld [tilespmem:s4+$0x0]  }
0x15e: {  	s3 =	sadd.s32 $0xFFFFF9FB, s30;
	s2 =	sor.u32 s29, s31;
	v47 =	vor.u32 s7, v0;
	v5 =	vld [tilespmem:s6+$0x0];
	[tilespmem:v3+s16+$0x0] =	vst.idx.msk $0xffff, v1  }
0x15f: {  	s8 =	sadd.s32 $0xFFFFFDFB, s30;
	s0 =	sor.u32 s25, s31;
	[tilespmem:v45+s16+$0x0] =	vst.idx.msk $0xffff, v7;
	v3 =	vor.u32 s3, v0;
	v1 =	vld [tilespmem:s2+$0x0]  }
0x160: {  	v48 =	vor.u32 s8, v0;
	v7 =	vld [tilespmem:s0+$0x0]  }
0x161: {  	s9 =	sor.u32 $0x3180, s24  }
0x162: {  	s13 =	sadd.s32 $0xFFFFFBFC, s30;
	s12 =	sor.u32 s26, s9;
	[tilespmem:v46+s16+$0x0] =	vst.idx.msk $0xffff, v2  }
0x163: {  	v49 =	vor.u32 s13, v0;
	s15 =	sadd.s32 $0xFFFFFFFC, s30;
	s14 =	sor.u32 s28, s9;
	v2 =	vld [tilespmem:s12+$0x0];
	[tilespmem:v47+s16+$0x0] =	vst.idx.msk $0xffff, v5  }
0x164: {  	s11 =	sadd.s32 $0xFFFFF9FC, s30;
	v50 =	vor.u32 s15, v0;
	s10 =	sor.u32 s29, s9;
	v5 =	vld [tilespmem:s14+$0x0];
	[tilespmem:v3+s16+$0x0] =	vst.idx.msk $0xffff, v1  }
0x165: {  	s17 =	sadd.s32 $0xFFFFFDFC, s30;
	s0 =	sor.u32 s25, s9;
	[tilespmem:v48+s16+$0x0] =	vst.idx.msk $0xffff, v7;
	v3 =	vor.u32 s11, v0;
	v1 =	vld [tilespmem:s10+$0x0]  }
0x166: {  	v51 =	vor.u32 s17, v0;
	v7 =	vld [tilespmem:s0+$0x0]  }
0x167: {  	s18 =	sor.u32 $0x3200, s24  }
0x168: {  	s22 =	sadd.s32 $0xFFFFFBFD, s30;
	s21 =	sor.u32 s26, s18;
	[tilespmem:v49+s16+$0x0] =	vst.idx.msk $0xffff, v2  }
0x169: {  	s31 =	sadd.s32 $0xFFFFFFFD, s30;
	v52 =	vor.u32 s22, v0;
	s23 =	sor.u32 s28, s18;
	v2 =	vld [tilespmem:s21+$0x0];
	[tilespmem:v50+s16+$0x0] =	vst.idx.msk $0xffff, v5  }
0x16a: {  	s20 =	sadd.s32 $0xFFFFF9FD, s30;
	v53 =	vor.u32 s31, v0;
	s19 =	sor.u32 s29, s18;
	v5 =	vld [tilespmem:s23+$0x0];
	[tilespmem:v3+s16+$0x0] =	vst.idx.msk $0xffff, v1  }
0x16b: {  	s3 =	sadd.s32 $0xFFFFFDFD, s30;
	s0 =	sor.u32 s25, s18;
	[tilespmem:v51+s16+$0x0] =	vst.idx.msk $0xffff, v7;
	v3 =	vor.u32 s20, v0;
	v1 =	vld [tilespmem:s19+$0x0]  }
0x16c: {  	v54 =	vor.u32 s3, v0;
	v7 =	vld [tilespmem:s0+$0x0]  }
0x16d: {  	s4 =	sor.u32 $0x3280, s24  }
0x16e: {  	s8 =	sadd.s32 $0xFFFFFBFE, s30;
	s7 =	sor.u32 s26, s4;
	[tilespmem:v52+s16+$0x0] =	vst.idx.msk $0xffff, v2  }
0x16f: {  	v55 =	vor.u32 s8, v0;
	s9 =	sor.u32 s28, s4;
	s10 =	sadd.s32 $0xFFFFFFFE, s30;
	v2 =	vld [tilespmem:s7+$0x0];
	[tilespmem:v53+s16+$0x0] =	vst.idx.msk $0xffff, v5  }
0x170: {  	s5 =	sor.u32 s29, s4;
	s6 =	sadd.s32 $0xFFFFF9FE, s30;
	v56 =	vor.u32 s10, v0;
	v5 =	vld [tilespmem:s9+$0x0];
	[tilespmem:v3+s16+$0x0] =	vst.idx.msk $0xffff, v1  }
0x171: {  	s11 =	sadd.s32 $0xFFFFFDFE, s30;
	s0 =	sor.u32 s25, s4;
	[tilespmem:v54+s16+$0x0] =	vst.idx.msk $0xffff, v7;
	v3 =	vor.u32 s6, v0;
	v1 =	vld [tilespmem:s5+$0x0]  }
0x172: {  	v57 =	vor.u32 s11, v0;
	v7 =	vld [tilespmem:s0+$0x0]  }
0x173: {  	s12 =	sor.u32 $0x3300, s24  }
0x174: {  	s17 =	sadd.s32 $0xFFFFFBFF, s30;
	s15 =	sor.u32 s26, s12;
	[tilespmem:v55+s16+$0x0] =	vst.idx.msk $0xffff, v2  }
0x175: {  	v58 =	vor.u32 s17, v0;
	s18 =	sor.u32 s28, s12;
	s19 =	sadd.s32 $0xFFFFFFFF, s30;
	v2 =	vld [tilespmem:s15+$0x0];
	[tilespmem:v56+s16+$0x0] =	vst.idx.msk $0xffff, v5  }
0x176: {  	s13 =	sor.u32 s29, s12;
	s14 =	sadd.s32 $0xFFFFF9FF, s30;
	v59 =	vor.u32 s19, v0;
	v5 =	vld [tilespmem:s18+$0x0];
	[tilespmem:v3+s16+$0x0] =	vst.idx.msk $0xffff, v1  }
0x177: {  	s20 =	sadd.s32 $0xFFFFFDFF, s30;
	s0 =	sor.u32 s25, s12;
	[tilespmem:v57+s16+$0x0] =	vst.idx.msk $0xffff, v7;
	v3 =	vor.u32 s14, v0;
	v1 =	vld [tilespmem:s13+$0x0]  }
0x178: {  	v60 =	vor.u32 s20, v0;
	v7 =	vld [tilespmem:s0+$0x0]  }
0x179: {  	s21 =	sor.u32 $0x3380, s24  }
0x17a: {  	s24 =	sor.u32 s26, s21;
	s26 =	sadd.s32 $0xFFFFFC00, s30;
	[tilespmem:v58+s16+$0x0] =	vst.idx.msk $0xffff, v2  }
0x17b: {  	s28 =	sor.u32 s28, s21;
	v61 =	vor.u32 s26, v0;
	v2 =	vld [tilespmem:s24+$0x0];
	[tilespmem:v59+s16+$0x0] =	vst.idx.msk $0xffff, v5  }
0x17c: {  	v62 =	vor.u32 s30, v0;
	s22 =	sor.u32 s29, s21;
	s23 =	sadd.s32 $0xFFFFFA00, s30;
	v5 =	vld [tilespmem:s28+$0x0];
	[tilespmem:v3+s16+$0x0] =	vst.idx.msk $0xffff, v1  }
0x17d: {  	s29 =	sadd.s32 $0xFFFFFE00, s30;
	s0 =	sor.u32 s25, s21;
	[tilespmem:v60+s16+$0x0] =	vst.idx.msk $0xffff, v7;
	v3 =	vor.u32 s23, v0;
	v1 =	vld [tilespmem:s22+$0x0]  }
0x17e: {  	v63 =	vor.u32 s29, v0;
	v7 =	vld [tilespmem:s0+$0x0];
	_ =	sdelay $0x1  }
0x17f: {  	[tilespmem:v61+s16+$0x0] =	vst.idx.msk $0xffff, v2  }
0x180: {  	[tilespmem:v62+s16+$0x0] =	vst.idx.msk $0xffff, v5  }
0x181: {  	[tilespmem:v3+s16+$0x0] =	vst.idx.msk $0xffff, v1  }
0x182: {  	s13 =	sld [smem:$0x7F4];
	[tilespmem:v63+s16+$0x0] =	vst.idx.msk $0xffff, v7  }
0x183: {  	s30 =	sld [smem:$0x7FA];
	_ =	sdelay $0x1  }
0x184: {  	s5 =	sld [smem:$0x7F5];
	s6 =	sshll.u32 s13, $0x11  }
0x185: {  	s31 =	simm.s32 $0x0;
	s4 =	sld [smem:$0x7F7];
	s0 =	sadd.s32 s6, s30  }
0x186: {  	[hbm4b:s0+s31] =	stream.linear.scatter [tilespmem:s16], [sflag:$0x3], $0x4000, $0x38;
	[tilespmem:$0x10000] =	vst v63  }
0x187: {  	s1 =	sld [smem:$0x7F8];
	s0 =	sadd.s32 $0x2, s5  }
0x188: {  	p2 =	sgt.u32 s0, s4  }
0x189: {  	s0 =	sshll.u32 @!p2 s0, $0xE;
	s2 =	simm.s32 @!p2 $0x7A1400  }
0x18a: {  	s3 =	simm.s32 @!p2 $0x0;
	s0 =	sadd.s32 @!p2 s0, s1;
	s1 =	simm.s32 @!p2 $0x1000  }
0x18b: {  	[tilespmem:s3], [sflag:$0x1] =	stream.strided.gather @!p2 [hbm4b:s0+s1], $0x4000, s2, s1, $0x38;
	[tilespmem:$0x10000] =	vst v63  }
0x18c: {  	p2 =	sge.u32 s5, s4  }
.Ltmp5:
0x18d: {  	_ = 	snop;
	(pc) =	sbr.rel @p2 .LBB2_8-.Ltmp5, $1  }
0x18e: {  	_ =	sdelay $0x3  }
0x18f: {  	[smem:$0x7F0] =	sst s6;
	s0 =	simm.s32 $0x2  }
0x190: {  	_ =	swait.ge [sflag:s0], $0x4000  }
0x191: {  	s3 =	simm.s32 $0x0;
	s6 =	simm.s32 $0x0;
	[sflag:s0] =	ssyncset.done $0x0  }
0x192: {  	s7 =	simm.s32 $0x10;
	[sflag:s0] =	ssyncadd.s32 $0xFFFFC000;
	s0 =	simm.s32 @!p1 $0x4  }
0x193: {  	s22 =	simm.s32 $0x0;
	s13 =	sand.u32 $0xC00, s3;
	_ =	swait.ge @!p1 [sflag:s0], $0x4000  }
0x194: {  	s12 =	sand.u32 $0x40, s6;
	s8 =	sor.u32 $0x4000, s13;
	[sflag:s0] =	ssyncset.done @!p1 $0x0  }
0x195: {  	s2 =	sand.u32 $0x50, s7;
	s10 =	sor.u32 s12, s8;
	[sflag:s0] =	ssyncadd.s32 @!p1 $0xFFFFC000  }
0x196: {  	s23 =	simm.s32 $0x200;
	v2 =	vor.u32 s22, v0;
	s11 =	sor.u32 s2, s8;
	v1 =	vld [tilespmem:s10+$0x0]  }
0x197: {  	v3 =	vor.u32 s23, v0;
	v4 =	vld [tilespmem:s11+$0x0];
	_ =	sdelay $0x2  }
0x198: {  	s31 =	simm.s32 $0xC000  }
0x199: {  	s24 =	simm.s32 $0x1;
	s5 =	simm.s32 $0x20;
	[tilespmem:v2+s31+$0x0] =	vst.idx.msk $0xffff, v1  }
0x19a: {  	s1 =	simm.s32 $0x201;
	s0 =	sand.u32 $0x60, s5;
	v2 =	vor.u32 s24, v0;
	[tilespmem:v3+s31+$0x0] =	vst.idx.msk $0xffff, v4;
	v1 =	vld [tilespmem:s10+$0x80]  }
0x19b: {  	s4 =	simm.s32 $0x400;
	s9 =	sor.u32 s0, s8;
	v3 =	vor.u32 s1, v0;
	v4 =	vld [tilespmem:s11+$0x80]  }
0x19c: {  	v5 =	vor.u32 s4, v0;
	s4 =	simm.s32 $0x30;
	v6 =	vld [tilespmem:s9+$0x0]  }
0x19d: {  	s1 =	sand.u32 $0x70, s4  }
0x19e: {  	s15 =	simm.s32 $0x600;
	s8 =	sor.u32 s1, s8  }
0x19f: {  	s14 =	simm.s32 $0x2;
	v7 =	vor.u32 s15, v0;
	v8 =	vld [tilespmem:s8+$0x0];
	[tilespmem:v2+s31+$0x0] =	vst.idx.msk $0xffff, v1  }
0x1a0: {  	s25 =	simm.s32 $0x202;
	v1 =	vor.u32 s14, v0;
	[tilespmem:v3+s31+$0x0] =	vst.idx.msk $0xffff, v4;
	v2 =	vld [tilespmem:s10+$0x100]  }
0x1a1: {  	s26 =	simm.s32 $0x401;
	[tilespmem:v5+s31+$0x0] =	vst.idx.msk $0xffff, v6;
	v3 =	vor.u32 s25, v0;
	v4 =	vld [tilespmem:s11+$0x100]  }
0x1a2: {  	v6 =	vor.u32 s26, v0;
	v5 =	vld [tilespmem:s9+$0x80];
	_ =	sdelay $0x1  }
0x1a3: {  	s17 =	simm.s32 $0x601;
	[tilespmem:v7+s31+$0x0] =	vst.idx.msk $0xffff, v8  }
0x1a4: {  	s15 =	simm.s32 $0x3;
	v7 =	vor.u32 s17, v0;
	v8 =	vld [tilespmem:s8+$0x80];
	[tilespmem:v1+s31+$0x0] =	vst.idx.msk $0xffff, v2  }
0x1a5: {  	s18 =	simm.s32 $0x203;
	v2 =	vor.u32 s15, v0;
	[tilespmem:v3+s31+$0x0] =	vst.idx.msk $0xffff, v4;
	v1 =	vld [tilespmem:s10+$0x180]  }
0x1a6: {  	s19 =	simm.s32 $0x402;
	p1 =	por $0x0, $0x0;
	s14 =	simm.s32 $0x1;
	[tilespmem:v6+s31+$0x0] =	vst.idx.msk $0xffff, v5;
	v3 =	vor.u32 s18, v0;
	v4 =	vld [tilespmem:s11+$0x180]  }
0x1a7: {  	s20 =	sand.u32 $0x7, s3;
	s14 =	simm.s32 @!p1 $0x0;
	v6 =	vor.u32 s19, v0;
	v5 =	vld [tilespmem:s9+$0x100]  }
0x1a8: {  	s21 =	sshll.u32 s14, $0x6;
	s10 =	sshll.u32 s20, $0x4  }
0x1a9: {  	s18 =	simm.s32 $0x602;
	s11 =	sadd.s32 $0x0, s21;
	[tilespmem:v7+s31+$0x0] =	vst.idx.msk $0xffff, v8;
	s10 =	sadd.s32 $0x0, s10  }
0x1aa: {  	s22 =	simm.s32 $0x4;
	v8 =	vor.u32 s18, v0;
	s23 =	sor.u32 $0x200, s11;
	v7 =	vld [tilespmem:s8+$0x100];
	s17 =	sadd.s32 $0x10, s10;
	[tilespmem:v2+s31+$0x0] =	vst.idx.msk $0xffff, v1  }
0x1ab: {  	s25 =	simm.s32 $0x204;
	s24 =	sor.u32 $0x200, s17;
	v1 =	vor.u32 s22, v0;
	[tilespmem:v3+s31+$0x0] =	vst.idx.msk $0xffff, v4;
	v2 =	vld [tilespmem:s23+$0x4000]  }
0x1ac: {  	s26 =	simm.s32 $0x403;
	[tilespmem:v6+s31+$0x0] =	vst.idx.msk $0xffff, v5;
	v3 =	vor.u32 s25, v0;
	v4 =	vld [tilespmem:s24+$0x4000]  }
0x1ad: {  	v6 =	vor.u32 s26, v0;
	v5 =	vld [tilespmem:s9+$0x180]  }
0x1ae: {  	s19 =	sand.u32 $0x3, s3  }
0x1af: {  	s9 =	sshll.u32 s19, $0x5;
	s22 =	simm.s32 $0x603;
	[tilespmem:v8+s31+$0x0] =	vst.idx.msk $0xffff, v7  }
0x1b0: {  	s21 =	simm.s32 $0x5;
	s20 =	sor.u32 $0x280, s11;
	s9 =	sadd.s32 $0x0, s9;
	v8 =	vor.u32 s22, v0;
	v7 =	vld [tilespmem:s8+$0x180];
	[tilespmem:v1+s31+$0x0] =	vst.idx.msk $0xffff, v2  }
0x1b1: {  	s9 =	sadd.s32 $0x20, s9;
	s23 =	simm.s32 $0x205;
	s24 =	sor.u32 $0x280, s17;
	v2 =	vor.u32 s21, v0;
	[tilespmem:v3+s31+$0x0] =	vst.idx.msk $0xffff, v4;
	v1 =	vld [tilespmem:s20+$0x4000]  }
0x1b2: {  	s26 =	simm.s32 $0x404;
	s25 =	sor.u32 $0x200, s9;
	[tilespmem:v6+s31+$0x0] =	vst.idx.msk $0xffff, v5;
	v3 =	vor.u32 s23, v0;
	v4 =	vld [tilespmem:s24+$0x4000]  }
0x1b3: {  	v6 =	vor.u32 s26, v0;
	v5 =	vld [tilespmem:s25+$0x4000]  }
0x1b4: {  	s8 =	sadd.s32 $0x30, s10  }
0x1b5: {  	s22 =	sor.u32 $0x200, s8;
	s21 =	simm.s32 $0x604;
	[tilespmem:v8+s31+$0x0] =	vst.idx.msk $0xffff, v7  }
0x1b6: {  	s19 =	sor.u32 $0x300, s11;
	s20 =	simm.s32 $0x6;
	v7 =	vor.u32 s21, v0;
	v8 =	vld [tilespmem:s22+$0x4000];
	[tilespmem:v2+s31+$0x0] =	vst.idx.msk $0xffff, v1  }
0x1b7: {  	s23 =	sor.u32 $0x300, s17;
	s24 =	simm.s32 $0x206;
	v2 =	vor.u32 s20, v0;
	[tilespmem:v3+s31+$0x0] =	vst.idx.msk $0xffff, v4;
	v1 =	vld [tilespmem:s19+$0x4000]  }
0x1b8: {  	s26 =	simm.s32 $0x405;
	s25 =	sor.u32 $0x280, s9;
	[tilespmem:v6+s31+$0x0] =	vst.idx.msk $0xffff, v5;
	v4 =	vor.u32 s24, v0;
	v3 =	vld [tilespmem:s23+$0x4000]  }
0x1b9: {  	v6 =	vor.u32 s26, v0;
	v5 =	vld [tilespmem:s25+$0x4000];
	_ =	sdelay $0x1  }
0x1ba: {  	s6 =	sor.u32 s6, s3;
	s15 =	sor.u32 $0x280, s8;
	s17 =	simm.s32 $0x605;
	[tilespmem:v7+s31+$0x0] =	vst.idx.msk $0xffff, v8  }
0x1bb: {  	s7 =	sor.u32 s7, s3;
	s6 =	sor.u32 $0x380, s6;
	s14 =	simm.s32 $0x7;
	v7 =	vor.u32 s17, v0;
	v8 =	vld [tilespmem:s15+$0x4000];
	[tilespmem:v2+s31+$0x0] =	vst.idx.msk $0xffff, v1  }
0x1bc: {  	s18 =	sor.u32 $0x380, s7;
	s19 =	simm.s32 $0x207;
	v2 =	vor.u32 s14, v0;
	[tilespmem:v4+s31+$0x0] =	vst.idx.msk $0xffff, v3;
	v1 =	vld [tilespmem:s6+$0x4000]  }
0x1bd: {  	s9 =	sor.u32 $0x300, s9;
	s20 =	simm.s32 $0x406;
	[tilespmem:v6+s31+$0x0] =	vst.idx.msk $0xffff, v5;
	v4 =	vor.u32 s19, v0;
	v3 =	vld [tilespmem:s18+$0x4000]  }
0x1be: {  	v6 =	vor.u32 s20, v0;
	v5 =	vld [tilespmem:s9+$0x4000];
	_ =	sdelay $0x1  }
0x1bf: {  	s8 =	sor.u32 $0x300, s8;
	s23 =	simm.s32 $0x606;
	s6 =	sor.u32 $0x5000, s13;
	[tilespmem:v7+s31+$0x0] =	vst.idx.msk $0xffff, v8  }
0x1c0: {  	s22 =	simm.s32 $0x8;
	v8 =	vor.u32 s23, v0;
	s21 =	sor.u32 s12, s6;
	v7 =	vld [tilespmem:s8+$0x4000];
	[tilespmem:v2+s31+$0x0] =	vst.idx.msk $0xffff, v1  }
0x1c1: {  	s5 =	sor.u32 s5, s3;
	s25 =	simm.s32 $0x208;
	s24 =	sor.u32 s2, s6;
	v2 =	vor.u32 s22, v0;
	[tilespmem:v4+s31+$0x0] =	vst.idx.msk $0xffff, v3;
	v1 =	vld [tilespmem:s21+$0x0]  }
0x1c2: {  	s5 =	sor.u32 $0x380, s5;
	s26 =	simm.s32 $0x407;
	[tilespmem:v6+s31+$0x0] =	vst.idx.msk $0xffff, v5;
	v4 =	vor.u32 s25, v0;
	v3 =	vld [tilespmem:s24+$0x0]  }
0x1c3: {  	v6 =	vor.u32 s26, v0;
	v5 =	vld [tilespmem:s5+$0x4000]  }
0x1c4: {  	s3 =	sor.u32 s4, s3  }
0x1c5: {  	s3 =	sor.u32 $0x380, s3;
	s14 =	simm.s32 $0x607;
	s5 =	sor.u32 $0x5080, s13;
	[tilespmem:v8+s31+$0x0] =	vst.idx.msk $0xffff, v7  }
0x1c6: {  	s11 =	simm.s32 $0x9;
	s10 =	sor.u32 s12, s5;
	v8 =	vor.u32 s14, v0;
	v7 =	vld [tilespmem:s3+$0x4000];
	[tilespmem:v2+s31+$0x0] =	vst.idx.msk $0xffff, v1  }
0x1c7: {  	s17 =	simm.s32 $0x209;
	s15 =	sor.u32 s2, s5;
	v2 =	vor.u32 s11, v0;
	[tilespmem:v4+s31+$0x0] =	vst.idx.msk $0xffff, v3;
	v1 =	vld [tilespmem:s10+$0x0]  }
0x1c8: {  	s19 =	simm.s32 $0x408;
	s18 =	sor.u32 s0, s6;
	[tilespmem:v6+s31+$0x0] =	vst.idx.msk $0xffff, v5;
	v4 =	vor.u32 s17, v0;
	v3 =	vld [tilespmem:s15+$0x0]  }
0x1c9: {  	v6 =	vor.u32 s19, v0;
	v5 =	vld [tilespmem:s18+$0x0];
	_ =	sdelay $0x1  }
0x1ca: {  	s6 =	sor.u32 s1, s6;
	s22 =	simm.s32 $0x608;
	s3 =	sor.u32 $0x5100, s13;
	[tilespmem:v8+s31+$0x0] =	vst.idx.msk $0xffff, v7  }
0x1cb: {  	s21 =	simm.s32 $0xA;
	s20 =	sor.u32 s12, s3;
	v8 =	vor.u32 s22, v0;
	v7 =	vld [tilespmem:s6+$0x0];
	[tilespmem:v2+s31+$0x0] =	vst.idx.msk $0xffff, v1  }
0x1cc: {  	s24 =	simm.s32 $0x20A;
	s23 =	sor.u32 s2, s3;
	v2 =	vor.u32 s21, v0;
	[tilespmem:v4+s31+$0x0] =	vst.idx.msk $0xffff, v3;
	v1 =	vld [tilespmem:s20+$0x0]  }
0x1cd: {  	s26 =	simm.s32 $0x409;
	s25 =	sor.u32 s0, s5;
	[tilespmem:v6+s31+$0x0] =	vst.idx.msk $0xffff, v5;
	v4 =	vor.u32 s24, v0;
	v3 =	vld [tilespmem:s23+$0x0]  }
0x1ce: {  	v6 =	vor.u32 s26, v0;
	v5 =	vld [tilespmem:s25+$0x0];
	_ =	sdelay $0x1  }
0x1cf: {  	s4 =	sor.u32 $0x5180, s13;
	s5 =	sor.u32 s1, s5;
	s11 =	simm.s32 $0x609;
	[tilespmem:v8+s31+$0x0] =	vst.idx.msk $0xffff, v7  }
0x1d0: {  	s9 =	sor.u32 s12, s4;
	s10 =	simm.s32 $0xB;
	v8 =	vor.u32 s11, v0;
	v7 =	vld [tilespmem:s5+$0x0];
	[tilespmem:v2+s31+$0x0] =	vst.idx.msk $0xffff, v1  }
0x1d1: {  	s14 =	sor.u32 s2, s4;
	s15 =	simm.s32 $0x20B;
	v2 =	vor.u32 s10, v0;
	[tilespmem:v4+s31+$0x0] =	vst.idx.msk $0xffff, v3;
	v1 =	vld [tilespmem:s9+$0x0]  }
0x1d2: {  	s18 =	simm.s32 $0x40A;
	s17 =	sor.u32 s0, s3;
	[tilespmem:v6+s31+$0x0] =	vst.idx.msk $0xffff, v5;
	v4 =	vor.u32 s15, v0;
	v3 =	vld [tilespmem:s14+$0x0]  }
0x1d3: {  	v6 =	vor.u32 s18, v0;
	v5 =	vld [tilespmem:s17+$0x0];
	_ =	sdelay $0x1  }
0x1d4: {  	s3 =	sor.u32 s1, s3;
	s21 =	simm.s32 $0x60A;
	s5 =	sor.u32 $0x5200, s13;
	[tilespmem:v8+s31+$0x0] =	vst.idx.msk $0xffff, v7  }
0x1d5: {  	s20 =	simm.s32 $0xC;
	s19 =	sor.u32 s12, s5;
	v8 =	vor.u32 s21, v0;
	v7 =	vld [tilespmem:s3+$0x0];
	[tilespmem:v2+s31+$0x0] =	vst.idx.msk $0xffff, v1  }
0x1d6: {  	s23 =	simm.s32 $0x20C;
	s22 =	sor.u32 s2, s5;
	v2 =	vor.u32 s20, v0;
	[tilespmem:v4+s31+$0x0] =	vst.idx.msk $0xffff, v3;
	v1 =	vld [tilespmem:s19+$0x0]  }
0x1d7: {  	s25 =	simm.s32 $0x40B;
	s24 =	sor.u32 s0, s4;
	[tilespmem:v6+s31+$0x0] =	vst.idx.msk $0xffff, v5;
	v4 =	vor.u32 s23, v0;
	v3 =	vld [tilespmem:s22+$0x0]  }
0x1d8: {  	v6 =	vor.u32 s25, v0;
	v5 =	vld [tilespmem:s24+$0x0];
	_ =	sdelay $0x1  }
0x1d9: {  	s26 =	sor.u32 $0x5280, s13;
	s4 =	sor.u32 s1, s4;
	s9 =	simm.s32 $0x60B;
	[tilespmem:v8+s31+$0x0] =	vst.idx.msk $0xffff, v7  }
0x1da: {  	s8 =	simm.s32 $0xD;
	s7 =	sor.u32 s12, s26;
	v8 =	vor.u32 s9, v0;
	v7 =	vld [tilespmem:s4+$0x0];
	[tilespmem:v2+s31+$0x0] =	vst.idx.msk $0xffff, v1  }
0x1db: {  	s11 =	simm.s32 $0x20D;
	s10 =	sor.u32 s2, s26;
	v2 =	vor.u32 s8, v0;
	[tilespmem:v4+s31+$0x0] =	vst.idx.msk $0xffff, v3;
	v1 =	vld [tilespmem:s7+$0x0]  }
0x1dc: {  	s15 =	simm.s32 $0x40C;
	s14 =	sor.u32 s0, s5;
	[tilespmem:v6+s31+$0x0] =	vst.idx.msk $0xffff, v5;
	v4 =	vor.u32 s11, v0;
	v3 =	vld [tilespmem:s10+$0x0]  }
0x1dd: {  	v6 =	vor.u32 s15, v0;
	v5 =	vld [tilespmem:s14+$0x0];
	_ =	sdelay $0x1  }
0x1de: {  	s5 =	sor.u32 s1, s5;
	s19 =	simm.s32 $0x60C;
	s4 =	sor.u32 $0x5300, s13;
	[tilespmem:v8+s31+$0x0] =	vst.idx.msk $0xffff, v7  }
0x1df: {  	s18 =	simm.s32 $0xE;
	s17 =	sor.u32 s12, s4;
	v8 =	vor.u32 s19, v0;
	v7 =	vld [tilespmem:s5+$0x0];
	[tilespmem:v2+s31+$0x0] =	vst.idx.msk $0xffff, v1  }
0x1e0: {  	s21 =	simm.s32 $0x20E;
	s20 =	sor.u32 s2, s4;
	v2 =	vor.u32 s18, v0;
	[tilespmem:v4+s31+$0x0] =	vst.idx.msk $0xffff, v3;
	v1 =	vld [tilespmem:s17+$0x0]  }
0x1e1: {  	s23 =	simm.s32 $0x40D;
	s22 =	sor.u32 s0, s26;
	[tilespmem:v6+s31+$0x0] =	vst.idx.msk $0xffff, v5;
	v4 =	vor.u32 s21, v0;
	v3 =	vld [tilespmem:s20+$0x0]  }
0x1e2: {  	v6 =	vor.u32 s23, v0;
	v5 =	vld [tilespmem:s22+$0x0];
	_ =	sdelay $0x1  }
0x1e3: {  	s3 =	sor.u32 s1, s26;
	s26 =	simm.s32 $0x60D;
	s5 =	sor.u32 $0x5380, s13;
	[tilespmem:v8+s31+$0x0] =	vst.idx.msk $0xffff, v7  }
0x1e4: {  	s25 =	simm.s32 $0xF;
	s24 =	sor.u32 s12, s5;
	v8 =	vor.u32 s26, v0;
	v7 =	vld [tilespmem:s3+$0x0];
	[tilespmem:v2+s31+$0x0] =	vst.idx.msk $0xffff, v1  }
0x1e5: {  	s9 =	simm.s32 $0x20F;
	s8 =	sor.u32 s2, s5;
	v2 =	vor.u32 s25, v0;
	[tilespmem:v4+s31+$0x0] =	vst.idx.msk $0xffff, v3;
	v1 =	vld [tilespmem:s24+$0x0]  }
0x1e6: {  	s11 =	simm.s32 $0x40E;
	s10 =	sor.u32 s0, s4;
	[tilespmem:v6+s31+$0x0] =	vst.idx.msk $0xffff, v5;
	v4 =	vor.u32 s9, v0;
	v3 =	vld [tilespmem:s8+$0x0]  }
0x1e7: {  	v6 =	vor.u32 s11, v0;
	v5 =	vld [tilespmem:s10+$0x0];
	_ =	sdelay $0x1  }
0x1e8: {  	s14 =	sor.u32 $0x6000, s13;
	s4 =	sor.u32 s1, s4;
	s18 =	simm.s32 $0x60E;
	[tilespmem:v8+s31+$0x0] =	vst.idx.msk $0xffff, v7  }
0x1e9: {  	s15 =	sor.u32 s12, s14;
	s17 =	simm.s32 $0x10;
	v8 =	vor.u32 s18, v0;
	v7 =	vld [tilespmem:s4+$0x0];
	[tilespmem:v2+s31+$0x0] =	vst.idx.msk $0xffff, v1  }
0x1ea: {  	s19 =	sor.u32 s2, s14;
	s20 =	simm.s32 $0x210;
	v2 =	vor.u32 s17, v0;
	[tilespmem:v4+s31+$0x0] =	vst.idx.msk $0xffff, v3;
	v1 =	vld [tilespmem:s15+$0x0]  }
0x1eb: {  	s22 =	simm.s32 $0x40F;
	s21 =	sor.u32 s0, s5;
	[tilespmem:v6+s31+$0x0] =	vst.idx.msk $0xffff, v5;
	v4 =	vor.u32 s20, v0;
	v3 =	vld [tilespmem:s19+$0x0]  }
0x1ec: {  	v6 =	vor.u32 s22, v0;
	v5 =	vld [tilespmem:s21+$0x0];
	_ =	sdelay $0x1  }
0x1ed: {  	s23 =	sor.u32 $0x6080, s13;
	s5 =	sor.u32 s1, s5;
	s26 =	simm.s32 $0x60F;
	[tilespmem:v8+s31+$0x0] =	vst.idx.msk $0xffff, v7  }
0x1ee: {  	s25 =	simm.s32 $0x11;
	s24 =	sor.u32 s12, s23;
	v8 =	vor.u32 s26, v0;
	v7 =	vld [tilespmem:s5+$0x0];
	[tilespmem:v2+s31+$0x0] =	vst.idx.msk $0xffff, v1  }
0x1ef: {  	s7 =	simm.s32 $0x211;
	s6 =	sor.u32 s2, s23;
	v2 =	vor.u32 s25, v0;
	[tilespmem:v4+s31+$0x0] =	vst.idx.msk $0xffff, v3;
	v1 =	vld [tilespmem:s24+$0x0]  }
0x1f0: {  	s9 =	simm.s32 $0x410;
	s8 =	sor.u32 s0, s14;
	[tilespmem:v6+s31+$0x0] =	vst.idx.msk $0xffff, v5;
	v4 =	vor.u32 s7, v0;
	v3 =	vld [tilespmem:s6+$0x0]  }
0x1f1: {  	v6 =	vor.u32 s9, v0;
	v5 =	vld [tilespmem:s8+$0x0];
	_ =	sdelay $0x1  }
0x1f2: {  	s3 =	sor.u32 s1, s14;
	s14 =	simm.s32 $0x610;
	s5 =	sor.u32 $0x6100, s13;
	[tilespmem:v8+s31+$0x0] =	vst.idx.msk $0xffff, v7  }
0x1f3: {  	s11 =	simm.s32 $0x12;
	s10 =	sor.u32 s12, s5;
	v8 =	vor.u32 s14, v0;
	v7 =	vld [tilespmem:s3+$0x0];
	[tilespmem:v2+s31+$0x0] =	vst.idx.msk $0xffff, v1  }
0x1f4: {  	s17 =	simm.s32 $0x212;
	s15 =	sor.u32 s2, s5;
	v2 =	vor.u32 s11, v0;
	[tilespmem:v4+s31+$0x0] =	vst.idx.msk $0xffff, v3;
	v1 =	vld [tilespmem:s10+$0x0]  }
0x1f5: {  	s18 =	sor.u32 s0, s23;
	s19 =	simm.s32 $0x411;
	[tilespmem:v6+s31+$0x0] =	vst.idx.msk $0xffff, v5;
	v4 =	vor.u32 s17, v0;
	v3 =	vld [tilespmem:s15+$0x0]  }
0x1f6: {  	v6 =	vor.u32 s19, v0;
	v5 =	vld [tilespmem:s18+$0x0];
	_ =	sdelay $0x1  }
0x1f7: {  	s22 =	simm.s32 $0x611;
	s4 =	sor.u32 s1, s23;
	s6 =	sor.u32 $0x6180, s13;
	[tilespmem:v8+s31+$0x0] =	vst.idx.msk $0xffff, v7  }
0x1f8: {  	s21 =	simm.s32 $0x13;
	s20 =	sor.u32 s12, s6;
	v8 =	vor.u32 s22, v0;
	v7 =	vld [tilespmem:s4+$0x0];
	[tilespmem:v2+s31+$0x0] =	vst.idx.msk $0xffff, v1  }
0x1f9: {  	s24 =	simm.s32 $0x213;
	s23 =	sor.u32 s2, s6;
	v2 =	vor.u32 s21, v0;
	[tilespmem:v4+s31+$0x0] =	vst.idx.msk $0xffff, v3;
	v1 =	vld [tilespmem:s20+$0x0]  }
0x1fa: {  	s26 =	simm.s32 $0x412;
	s25 =	sor.u32 s0, s5;
	[tilespmem:v6+s31+$0x0] =	vst.idx.msk $0xffff, v5;
	v4 =	vor.u32 s24, v0;
	v3 =	vld [tilespmem:s23+$0x0]  }
0x1fb: {  	v6 =	vor.u32 s26, v0;
	v5 =	vld [tilespmem:s25+$0x0];
	_ =	sdelay $0x1  }
0x1fc: {  	s8 =	sor.u32 $0x6200, s13;
	s5 =	sor.u32 s1, s5;
	s11 =	simm.s32 $0x612;
	[tilespmem:v8+s31+$0x0] =	vst.idx.msk $0xffff, v7  }
0x1fd: {  	s9 =	sor.u32 s12, s8;
	s10 =	simm.s32 $0x14;
	v8 =	vor.u32 s11, v0;
	v7 =	vld [tilespmem:s5+$0x0];
	[tilespmem:v2+s31+$0x0] =	vst.idx.msk $0xffff, v1  }
0x1fe: {  	s14 =	sor.u32 s2, s8;
	s15 =	simm.s32 $0x214;
	v2 =	vor.u32 s10, v0;
	[tilespmem:v4+s31+$0x0] =	vst.idx.msk $0xffff, v3;
	v1 =	vld [tilespmem:s9+$0x0]  }
0x1ff: {  	s18 =	simm.s32 $0x413;
	s17 =	sor.u32 s0, s6;
	[tilespmem:v6+s31+$0x0] =	vst.idx.msk $0xffff, v5;
	v4 =	vor.u32 s15, v0;
	v3 =	vld [tilespmem:s14+$0x0]  }
0x200: {  	s4 =	sor.u32 $0x6280, s13;
	v6 =	vor.u32 s18, v0;
	v5 =	vld [tilespmem:s17+$0x0]  }
0x201: {  	s19 =	simm.s32 $0x215;
	s6 =	sor.u32 s1, s6;
	s22 =	sor.u32 s12, s4  }
0x202: {  	s21 =	simm.s32 $0x15;
	s24 =	sor.u32 s0, s8;
	s20 =	simm.s32 $0x613;
	[tilespmem:v8+s31+$0x0] =	vst.idx.msk $0xffff, v7  }
0x203: {  	s23 =	simm.s32 $0x414;
	s18 =	sor.u32 s2, s4;
	s15 =	simm.s32 $0x200;
	v8 =	vor.u32 s20, v0;
	v7 =	vld [tilespmem:s6+$0x0];
	[tilespmem:v2+s31+$0x0] =	vst.idx.msk $0xffff, v1  }
0x204: {  	s17 =	simm.s32 $0x50;
	s26 =	sand.u32 $0xC00, s15;
	s20 =	simm.s32 $0x60;
	v2 =	vor.u32 s21, v0;
	[tilespmem:v4+s31+$0x0] =	vst.idx.msk $0xffff, v3;
	v1 =	vld [tilespmem:s22+$0x0]  }
0x205: {  	s14 =	simm.s32 $0x40;
	[tilespmem:v6+s31+$0x0] =	vst.idx.msk $0xffff, v5;
	s7 =	sor.u32 $0x4000, s26;
	s25 =	sand.u32 $0x60, s20;
	v4 =	vor.u32 s19, v0;
	v3 =	vld [tilespmem:s18+$0x0]  }
0x206: {  	v6 =	vor.u32 s23, v0;
	v5 =	vld [tilespmem:s24+$0x0];
	s28 =	sand.u32 $0x40, s14;
	s6 =	sor.u32 s25, s7;
	s19 =	simm.s32 $0xC00  }
0x207: {  	s29 =	sand.u32 $0x50, s17;
	s10 =	sor.u32 s28, s7;
	v10 =	vld [tilespmem:s6+$0x0];
	s21 =	simm.s32 $0x800;
	v9 =	vor.u32 s19, v0  }
0x208: {  	s3 =	sor.u32 $0x6300, s13;
	s24 =	simm.s32 $0xA00;
	s9 =	sor.u32 s29, s7;
	v11 =	vld [tilespmem:s10+$0x0];
	v12 =	vor.u32 s21, v0;
	[tilespmem:v8+s31+$0x0] =	vst.idx.msk $0xffff, v7  }
0x209: {  	s23 =	sor.u32 s12, s3;
	s22 =	simm.s32 $0x16;
	s19 =	simm.s32 $0x70;
	v7 =	vor.u32 s24, v0;
	v8 =	vld [tilespmem:s9+$0x0];
	[tilespmem:v2+s31+$0x0] =	vst.idx.msk $0xffff, v1  }
0x20a: {  	s21 =	simm.s32 $0x216;
	s30 =	sand.u32 $0x70, s19;
	v2 =	vor.u32 s22, v0;
	[tilespmem:v4+s31+$0x0] =	vst.idx.msk $0xffff, v3;
	s22 =	sor.u32 s2, s3;
	v1 =	vld [tilespmem:s23+$0x0]  }
0x20b: {  	[tilespmem:v6+s31+$0x0] =	vst.idx.msk $0xffff, v5;
	s11 =	sor.u32 s30, s7;
	v4 =	vor.u32 s21, v0;
	s21 =	simm.s32 $0xE00;
	v3 =	vld [tilespmem:s22+$0x0]  }
0x20c: {  	s24 =	simm.s32 $0x415;
	[tilespmem:v9+s31+$0x0] =	vst.idx.msk $0xffff, v10;
	v10 =	vld [tilespmem:s11+$0x0];
	s23 =	sor.u32 s0, s4;
	v9 =	vor.u32 s21, v0  }
0x20d: {  	s18 =	simm.s32 $0xC01;
	v6 =	vor.u32 s24, v0;
	[tilespmem:v12+s31+$0x0] =	vst.idx.msk $0xffff, v11;
	v5 =	vld [tilespmem:s23+$0x0]  }
0x20e: {  	v46 =	vor.u32 s18, v0;
	s7 =	sor.u32 $0x6380, s13;
	[tilespmem:v7+s31+$0x0] =	vst.idx.msk $0xffff, v8;
	s21 =	simm.s32 $0x801;
	v11 =	vld [tilespmem:s6+$0x80]  }
0x20f: {  	s22 =	sor.u32 s12, s7;
	s23 =	simm.s32 $0x17;
	[tilespmem:v2+s31+$0x0] =	vst.idx.msk $0xffff, v1;
	v1 =	vld [tilespmem:s10+$0x80];
	v2 =	vor.u32 s21, v0  }
0x210: {  	s24 =	simm.s32 $0xA01;
	v8 =	vor.u32 s23, v0;
	[tilespmem:v4+s31+$0x0] =	vst.idx.msk $0xffff, v3;
	v7 =	vld [tilespmem:s22+$0x0]  }
0x211: {  	s23 =	simm.s32 $0x217;
	v3 =	vor.u32 s24, v0;
	v4 =	vld [tilespmem:s9+$0x80];
	[tilespmem:v9+s31+$0x0] =	vst.idx.msk $0xffff, v10;
	s22 =	sor.u32 s2, s7  }
0x212: {  	s24 =	simm.s32 $0xE01;
	[tilespmem:v6+s31+$0x0] =	vst.idx.msk $0xffff, v5;
	v6 =	vor.u32 s23, v0;
	v5 =	vld [tilespmem:s22+$0x0]  }
0x213: {  	s18 =	simm.s32 $0xC02;
	[tilespmem:v46+s31+$0x0] =	vst.idx.msk $0xffff, v11;
	v9 =	vor.u32 s24, v0;
	v10 =	vld [tilespmem:s11+$0x80]  }
0x214: {  	s5 =	sor.u32 $0x7000, s13;
	s21 =	simm.s32 $0x802;
	[tilespmem:v2+s31+$0x0] =	vst.idx.msk $0xffff, v1;
	v1 =	vld [tilespmem:s6+$0x100];
	v2 =	vor.u32 s18, v0  }
0x215: {  	v11 =	vor.u32 s21, v0;
	s23 =	simm.s32 $0x18;
	s22 =	sor.u32 s12, s5;
	v47 =	vld [tilespmem:s10+$0x100];
	[tilespmem:v8+s31+$0x0] =	vst.idx.msk $0xffff, v7  }
0x216: {  	p1 =	por !p1, !p1;
	[tilespmem:v3+s31+$0x0] =	vst.idx.msk $0xffff, v4;
	v8 =	vor.u32 s23, v0;
	v7 =	vld [tilespmem:s22+$0x0];
	s22 =	simm.s32 $0xA02  }
0x217: {  	s24 =	simm.s32 $0x4;
	v4 =	vld [tilespmem:s9+$0x100];
	s23 =	sor.u32 s2, s5;
	[tilespmem:v6+s31+$0x0] =	vst.idx.msk $0xffff, v5;
	v3 =	vor.u32 s22, v0;
	s22 =	simm.s32 $0x218  }
0x218: {  	s18 =	sand.u32 $0x7, s24;
	s24 =	simm.s32 $0x2;
	[tilespmem:v9+s31+$0x0] =	vst.idx.msk $0xffff, v10;
	v5 =	vld [tilespmem:s23+$0x0];
	s23 =	simm.s32 $0xE02;
	v6 =	vor.u32 s22, v0  }
0x219: {  	s18 =	sshll.u32 s18, $0x4;
	s21 =	sand.u32 $0x3, s24;
	s24 =	simm.s32 $0xC03;
	v9 =	vor.u32 s23, v0;
	[tilespmem:v2+s31+$0x0] =	vst.idx.msk $0xffff, v1;
	v1 =	vld [tilespmem:s11+$0x100]  }
0x21a: {  	s18 =	sadd.s32 $0x200, s18;
	v10 =	vor.u32 s24, v0;
	s23 =	simm.s32 $0x803;
	v2 =	vld [tilespmem:s6+$0x180];
	[tilespmem:v11+s31+$0x0] =	vst.idx.msk $0xffff, v47;
	s6 =	sor.u32 $0x7080, s13  }
0x21b: {  	s21 =	sshll.u32 s21, $0x5;
	v48 =	vor.u32 s23, v0;
	s23 =	simm.s32 $0x19;
	v11 =	vld [tilespmem:s10+$0x180];
	[tilespmem:v8+s31+$0x0] =	vst.idx.msk $0xffff, v7;
	s24 =	sor.u32 s12, s6  }
0x21c: {  	s21 =	sadd.s32 $0x200, s21;
	s10 =	simm.s32 $0x1;
	v8 =	vor.u32 s23, v0;
	v7 =	vld [tilespmem:s24+$0x0];
	[tilespmem:v3+s31+$0x0] =	vst.idx.msk $0xffff, v4;
	s24 =	simm.s32 $0xA03  }
0x21d: {  	s23 =	sor.u32 s2, s6;
	s10 =	simm.s32 @!p1 $0x0;
	v3 =	vor.u32 s24, v0;
	v4 =	vld [tilespmem:s9+$0x180];
	[tilespmem:v6+s31+$0x0] =	vst.idx.msk $0xffff, v5;
	s24 =	simm.s32 $0x219  }
0x21e: {  	s22 =	sadd.s32 $0x20, s21;
	s10 =	sshll.u32 s10, $0x6;
	v5 =	vld [tilespmem:s23+$0x0];
	[tilespmem:v9+s31+$0x0] =	vst.idx.msk $0xffff, v1;
	v1 =	vor.u32 s24, v0;
	s24 =	simm.s32 $0xE03  }
0x21f: {  	s21 =	sadd.s32 $0x200, s10;
	s23 =	simm.s32 $0xC04;
	[tilespmem:v10+s31+$0x0] =	vst.idx.msk $0xffff, v2;
	v2 =	vld [tilespmem:s11+$0x180];
	s11 =	sor.u32 $0x200, s22;
	v6 =	vor.u32 s24, v0  }
0x220: {  	s9 =	sor.u32 $0x7100, s13;
	s24 =	simm.s32 $0x804;
	v10 =	vor.u32 s23, v0;
	s23 =	sor.u32 $0x200, s21;
	v9 =	vld [tilespmem:s11+$0x4000];
	[tilespmem:v48+s31+$0x0] =	vst.idx.msk $0xffff, v11  }
0x221: {  	s10 =	simm.s32 $0x1A;
	v11 =	vor.u32 s24, v0;
	s24 =	sor.u32 s12, s9;
	v12 =	vld [tilespmem:s23+$0x4000];
	s23 =	sadd.s32 $0x10, s18;
	[tilespmem:v8+s31+$0x0] =	vst.idx.msk $0xffff, v7  }
0x222: {  	v8 =	vor.u32 s10, v0;
	v7 =	vld [tilespmem:s24+$0x0];
	[tilespmem:v3+s31+$0x0] =	vst.idx.msk $0xffff, v4;
	s10 =	sor.u32 $0x200, s23;
	s24 =	simm.s32 $0xA04  }
0x223: {  	s11 =	sor.u32 s2, s9;
	v3 =	vor.u32 s24, v0;
	v4 =	vld [tilespmem:s10+$0x4000];
	s24 =	sadd.s32 $0x30, s18;
	[tilespmem:v1+s31+$0x0] =	vst.idx.msk $0xffff, v5;
	s18 =	simm.s32 $0x21A  }
0x224: {  	v1 =	vld [tilespmem:s11+$0x0];
	v5 =	vor.u32 s18, v0;
	[tilespmem:v6+s31+$0x0] =	vst.idx.msk $0xffff, v2;
	s11 =	simm.s32 $0xE04;
	s18 =	sor.u32 $0x200, s24  }
0x225: {  	v2 =	vor.u32 s11, v0;
	v6 =	vld [tilespmem:s18+$0x4000];
	[tilespmem:v10+s31+$0x0] =	vst.idx.msk $0xffff, v9;
	s11 =	sor.u32 $0x280, s22;
	s18 =	simm.s32 $0xC05  }
0x226: {  	s10 =	sor.u32 $0x7180, s13;
	v9 =	vld [tilespmem:s11+$0x4000];
	v10 =	vor.u32 s18, v0;
	[tilespmem:v11+s31+$0x0] =	vst.idx.msk $0xffff, v12;
	s11 =	sor.u32 $0x280, s21;
	s18 =	simm.s32 $0x805  }
0x227: {  	v11 =	vld [tilespmem:s11+$0x4000];
	v49 =	vor.u32 s18, v0;
	[tilespmem:v8+s31+$0x0] =	vst.idx.msk $0xffff, v7;
	s11 =	sor.u32 s12, s10;
	s18 =	simm.s32 $0x1B  }
0x228: {  	v7 =	vld [tilespmem:s11+$0x0];
	v8 =	vor.u32 s18, v0;
	[tilespmem:v3+s31+$0x0] =	vst.idx.msk $0xffff, v4;
	s11 =	simm.s32 $0xA05;
	s18 =	sor.u32 $0x280, s23  }
0x229: {  	v3 =	vor.u32 s11, v0;
	v4 =	vld [tilespmem:s18+$0x4000];
	[tilespmem:v5+s31+$0x0] =	vst.idx.msk $0xffff, v1;
	s11 =	sor.u32 s2, s10;
	s18 =	simm.s32 $0x21B  }
0x22a: {  	v1 =	vld [tilespmem:s11+$0x0];
	v5 =	vor.u32 s18, v0;
	[tilespmem:v2+s31+$0x0] =	vst.idx.msk $0xffff, v6;
	s11 =	sor.u32 $0x280, s24;
	s18 =	simm.s32 $0xE05  }
0x22b: {  	v2 =	vor.u32 s18, v0;
	v6 =	vld [tilespmem:s11+$0x4000];
	[tilespmem:v10+s31+$0x0] =	vst.idx.msk $0xffff, v9;
	s18 =	sor.u32 $0x300, s22;
	s22 =	simm.s32 $0xC06  }
0x22c: {  	s21 =	sor.u32 $0x300, s21;
	s11 =	sor.u32 $0x7200, s13;
	v9 =	vld [tilespmem:s18+$0x4000];
	v10 =	vor.u32 s22, v0;
	[tilespmem:v49+s31+$0x0] =	vst.idx.msk $0xffff, v11;
	s22 =	simm.s32 $0x806  }
0x22d: {  	v11 =	vld [tilespmem:s21+$0x4000];
	v50 =	vor.u32 s22, v0;
	[tilespmem:v8+s31+$0x0] =	vst.idx.msk $0xffff, v7;
	s21 =	sor.u32 s12, s11;
	s22 =	simm.s32 $0x1C  }
0x22e: {  	v7 =	vld [tilespmem:s21+$0x0];
	v8 =	vor.u32 s22, v0;
	[tilespmem:v3+s31+$0x0] =	vst.idx.msk $0xffff, v4;
	s21 =	sor.u32 $0x300, s23;
	s22 =	simm.s32 $0xA06  }
0x22f: {  	s23 =	sor.u32 s2, s11;
	v3 =	vld [tilespmem:s21+$0x4000];
	v4 =	vor.u32 s22, v0;
	[tilespmem:v5+s31+$0x0] =	vst.idx.msk $0xffff, v1;
	s21 =	simm.s32 $0x21C  }
0x230: {  	s22 =	sor.u32 s20, s15;
	v1 =	vld [tilespmem:s23+$0x0];
	[tilespmem:v2+s31+$0x0] =	vst.idx.msk $0xffff, v6;
	s23 =	sor.u32 $0x300, s24;
	v2 =	vor.u32 s21, v0;
	s24 =	simm.s32 $0xE06  }
0x231: {  	s14 =	sor.u32 s14, s15;
	s18 =	sor.u32 $0x380, s22;
	s22 =	simm.s32 $0xC07;
	v5 =	vld [tilespmem:s23+$0x4000];
	[tilespmem:v10+s31+$0x0] =	vst.idx.msk $0xffff, v9;
	v6 =	vor.u32 s24, v0  }
0x232: {  	s23 =	sor.u32 $0x380, s14;
	s24 =	simm.s32 $0x807;
	v10 =	vor.u32 s22, v0;
	s14 =	sor.u32 $0x7280, s13;
	[tilespmem:v50+s31+$0x0] =	vst.idx.msk $0xffff, v11;
	v9 =	vld [tilespmem:s18+$0x4000]  }
0x233: {  	s17 =	sor.u32 s17, s15;
	s21 =	simm.s32 $0x1D;
	v51 =	vor.u32 s24, v0;
	s20 =	sor.u32 s12, s14;
	v11 =	vld [tilespmem:s23+$0x4000];
	[tilespmem:v8+s31+$0x0] =	vst.idx.msk $0xffff, v7  }
0x234: {  	s17 =	sor.u32 $0x380, s17;
	s22 =	simm.s32 $0xA07;
	v7 =	vld [tilespmem:s20+$0x0];
	[tilespmem:v4+s31+$0x0] =	vst.idx.msk $0xffff, v3;
	v3 =	vor.u32 s21, v0  }
0x235: {  	s15 =	sor.u32 s19, s15;
	s24 =	simm.s32 $0x21D;
	v8 =	vor.u32 s22, v0;
	s23 =	sor.u32 s2, s14;
	v4 =	vld [tilespmem:s17+$0x4000];
	[tilespmem:v2+s31+$0x0] =	vst.idx.msk $0xffff, v1  }
0x236: {  	s19 =	sor.u32 $0x5000, s26;
	s15 =	sor.u32 $0x380, s15;
	s20 =	simm.s32 $0xE07;
	v2 =	vor.u32 s24, v0;
	[tilespmem:v6+s31+$0x0] =	vst.idx.msk $0xffff, v5;
	v1 =	vld [tilespmem:s23+$0x0]  }
0x237: {  	s22 =	simm.s32 $0xC08;
	s21 =	sor.u32 s25, s19;
	v6 =	vor.u32 s20, v0;
	[tilespmem:v10+s31+$0x0] =	vst.idx.msk $0xffff, v9;
	v5 =	vld [tilespmem:s15+$0x4000]  }
0x238: {  	s24 =	simm.s32 $0x808;
	s23 =	sor.u32 s28, s19;
	v10 =	vor.u32 s22, v0;
	s15 =	sor.u32 $0x7300, s13;
	[tilespmem:v51+s31+$0x0] =	vst.idx.msk $0xffff, v11;
	v9 =	vld [tilespmem:s21+$0x0]  }
0x239: {  	v52 =	vor.u32 s24, v0;
	s20 =	simm.s32 $0x1E;
	s18 =	sor.u32 s12, s15;
	v11 =	vld [tilespmem:s23+$0x0];
	[tilespmem:v3+s31+$0x0] =	vst.idx.msk $0xffff, v7  }
0x23a: {  	s22 =	simm.s32 $0xA08;
	s21 =	sor.u32 s29, s19;
	v3 =	vld [tilespmem:s18+$0x0];
	[tilespmem:v8+s31+$0x0] =	vst.idx.msk $0xffff, v4;
	v4 =	vor.u32 s20, v0  }
0x23b: {  	s24 =	simm.s32 $0x21E;
	s23 =	sor.u32 s2, s15;
	v8 =	vor.u32 s22, v0;
	v7 =	vld [tilespmem:s21+$0x0];
	[tilespmem:v2+s31+$0x0] =	vst.idx.msk $0xffff, v1  }
0x23c: {  	s19 =	sor.u32 s30, s19;
	s20 =	simm.s32 $0xE08;
	v2 =	vor.u32 s24, v0;
	v1 =	vld [tilespmem:s23+$0x0];
	[tilespmem:v6+s31+$0x0] =	vst.idx.msk $0xffff, v5  }
0x23d: {  	s17 =	sor.u32 $0x5080, s26;
	s22 =	simm.s32 $0x614;
	s21 =	sor.u32 s1, s8;
	v6 =	vor.u32 s20, v0;
	v5 =	vld [tilespmem:s19+$0x0];
	[tilespmem:v10+s31+$0x0] =	vst.idx.msk $0xffff, v9  }
0x23e: {  	s8 =	sor.u32 $0x7380, s13;
	s24 =	simm.s32 $0x809;
	s23 =	sor.u32 s28, s17;
	v9 =	vld [tilespmem:s21+$0x0];
	v10 =	vor.u32 s22, v0;
	[tilespmem:v52+s31+$0x0] =	vst.idx.msk $0xffff, v11  }
0x23f: {  	v53 =	vor.u32 s24, v0;
	s12 =	sor.u32 s12, s8;
	s19 =	simm.s32 $0x1F;
	v11 =	vld [tilespmem:s23+$0x0];
	[tilespmem:v4+s31+$0x0] =	vst.idx.msk $0xffff, v3  }
0x240: {  	s20 =	sor.u32 s29, s17;
	s21 =	simm.s32 $0xA09;
	v4 =	vor.u32 s19, v0;
	[tilespmem:v8+s31+$0x0] =	vst.idx.msk $0xffff, v7;
	v3 =	vld [tilespmem:s12+$0x0]  }
0x241: {  	s2 =	sor.u32 s2, s8;
	s22 =	simm.s32 $0x21F;
	v8 =	vor.u32 s21, v0;
	v7 =	vld [tilespmem:s20+$0x0];
	[tilespmem:v2+s31+$0x0] =	vst.idx.msk $0xffff, v1  }
0x242: {  	s24 =	simm.s32 $0xE09;
	s23 =	sor.u32 s30, s17;
	v2 =	vor.u32 s22, v0;
	[tilespmem:v6+s31+$0x0] =	vst.idx.msk $0xffff, v5;
	v1 =	vld [tilespmem:s2+$0x0]  }
0x243: {  	s18 =	simm.s32 $0x615;
	s12 =	sor.u32 s1, s4;
	s4 =	sor.u32 $0x5100, s26;
	v6 =	vor.u32 s24, v0;
	[tilespmem:v10+s31+$0x0] =	vst.idx.msk $0xffff, v9;
	v5 =	vld [tilespmem:s23+$0x0]  }
0x244: {  	s19 =	sor.u32 s28, s4;
	s20 =	simm.s32 $0x80A;
	v10 =	vor.u32 s18, v0;
	v9 =	vld [tilespmem:s12+$0x0];
	[tilespmem:v53+s31+$0x0] =	vst.idx.msk $0xffff, v11  }
0x245: {  	s21 =	sor.u32 s25, s17;
	s22 =	simm.s32 $0xC09;
	v54 =	vor.u32 s20, v0;
	v11 =	vld [tilespmem:s19+$0x0];
	[tilespmem:v4+s31+$0x0] =	vst.idx.msk $0xffff, v3  }
0x246: {  	s24 =	simm.s32 $0xA0A;
	s23 =	sor.u32 s29, s4;
	v3 =	vld [tilespmem:s21+$0x0];
	v4 =	vor.u32 s22, v0;
	[tilespmem:v8+s31+$0x0] =	vst.idx.msk $0xffff, v7  }
0x247: {  	s18 =	simm.s32 $0x416;
	s12 =	sor.u32 s0, s3;
	v8 =	vor.u32 s24, v0;
	v7 =	vld [tilespmem:s23+$0x0];
	[tilespmem:v2+s31+$0x0] =	vst.idx.msk $0xffff, v1  }
0x248: {  	s20 =	simm.s32 $0xE0A;
	s19 =	sor.u32 s30, s4;
	v1 =	vld [tilespmem:s12+$0x0];
	v2 =	vor.u32 s18, v0;
	[tilespmem:v6+s31+$0x0] =	vst.idx.msk $0xffff, v5  }
0x249: {  	s21 =	sor.u32 s1, s3;
	s3 =	sor.u32 $0x5180, s26;
	s22 =	simm.s32 $0x616;
	v6 =	vor.u32 s20, v0;
	[tilespmem:v10+s31+$0x0] =	vst.idx.msk $0xffff, v9;
	v5 =	vld [tilespmem:s19+$0x0]  }
0x24a: {  	s24 =	simm.s32 $0x80B;
	s23 =	sor.u32 s28, s3;
	v10 =	vor.u32 s22, v0;
	v9 =	vld [tilespmem:s21+$0x0];
	[tilespmem:v54+s31+$0x0] =	vst.idx.msk $0xffff, v11  }
0x24b: {  	s12 =	sor.u32 s25, s4;
	v55 =	vor.u32 s24, v0;
	s18 =	simm.s32 $0xC0A;
	[tilespmem:v4+s31+$0x0] =	vst.idx.msk $0xffff, v3;
	v11 =	vld [tilespmem:s23+$0x0]  }
0x24c: {  	s20 =	simm.s32 $0xA0B;
	s19 =	sor.u32 s29, s3;
	v4 =	vor.u32 s18, v0;
	v3 =	vld [tilespmem:s12+$0x0];
	[tilespmem:v8+s31+$0x0] =	vst.idx.msk $0xffff, v7  }
0x24d: {  	s22 =	simm.s32 $0x417;
	s21 =	sor.u32 s0, s7;
	v8 =	vor.u32 s20, v0;
	[tilespmem:v2+s31+$0x0] =	vst.idx.msk $0xffff, v1;
	v7 =	vld [tilespmem:s19+$0x0]  }
0x24e: {  	s24 =	simm.s32 $0xE0B;
	s23 =	sor.u32 s30, s3;
	v2 =	vor.u32 s22, v0;
	v1 =	vld [tilespmem:s21+$0x0];
	[tilespmem:v6+s31+$0x0] =	vst.idx.msk $0xffff, v5  }
0x24f: {  	s17 =	sor.u32 s1, s7;
	s4 =	sor.u32 $0x5200, s26;
	s18 =	simm.s32 $0x617;
	v6 =	vor.u32 s24, v0;
	[tilespmem:v10+s31+$0x0] =	vst.idx.msk $0xffff, v9;
	v5 =	vld [tilespmem:s23+$0x0]  }
0x250: {  	s20 =	simm.s32 $0x80C;
	s19 =	sor.u32 s28, s4;
	v10 =	vor.u32 s18, v0;
	v9 =	vld [tilespmem:s17+$0x0];
	[tilespmem:v55+s31+$0x0] =	vst.idx.msk $0xffff, v11  }
0x251: {  	s22 =	simm.s32 $0xC0B;
	s21 =	sor.u32 s25, s3;
	v56 =	vor.u32 s20, v0;
	[tilespmem:v4+s31+$0x0] =	vst.idx.msk $0xffff, v3;
	v11 =	vld [tilespmem:s19+$0x0]  }
0x252: {  	s24 =	simm.s32 $0xA0C;
	s23 =	sor.u32 s29, s4;
	v4 =	vor.u32 s22, v0;
	v3 =	vld [tilespmem:s21+$0x0];
	[tilespmem:v8+s31+$0x0] =	vst.idx.msk $0xffff, v7  }
0x253: {  	s7 =	simm.s32 $0x418;
	s3 =	sor.u32 s0, s5;
	v8 =	vor.u32 s24, v0;
	[tilespmem:v2+s31+$0x0] =	vst.idx.msk $0xffff, v1;
	v7 =	vld [tilespmem:s23+$0x0]  }
0x254: {  	s13 =	simm.s32 $0xE0C;
	s12 =	sor.u32 s30, s4;
	v2 =	vor.u32 s7, v0;
	v1 =	vld [tilespmem:s3+$0x0];
	[tilespmem:v6+s31+$0x0] =	vst.idx.msk $0xffff, v5  }
0x255: {  	s18 =	simm.s32 $0x618;
	s17 =	sor.u32 s1, s5;
	s3 =	sor.u32 $0x5280, s26;
	v6 =	vor.u32 s13, v0;
	[tilespmem:v10+s31+$0x0] =	vst.idx.msk $0xffff, v9;
	v5 =	vld [tilespmem:s12+$0x0]  }
0x256: {  	s20 =	simm.s32 $0x80D;
	s19 =	sor.u32 s28, s3;
	v10 =	vor.u32 s18, v0;
	v9 =	vld [tilespmem:s17+$0x0];
	[tilespmem:v56+s31+$0x0] =	vst.idx.msk $0xffff, v11  }
0x257: {  	v57 =	vor.u32 s20, v0;
	s22 =	simm.s32 $0xC0C;
	s21 =	sor.u32 s25, s4;
	[tilespmem:v4+s31+$0x0] =	vst.idx.msk $0xffff, v3;
	v11 =	vld [tilespmem:s19+$0x0]  }
0x258: {  	s24 =	simm.s32 $0xA0D;
	s23 =	sor.u32 s29, s3;
	v4 =	vor.u32 s22, v0;
	v3 =	vld [tilespmem:s21+$0x0];
	[tilespmem:v8+s31+$0x0] =	vst.idx.msk $0xffff, v7  }
0x259: {  	s4 =	sor.u32 s0, s6;
	s7 =	simm.s32 $0x419;
	v8 =	vor.u32 s24, v0;
	[tilespmem:v2+s31+$0x0] =	vst.idx.msk $0xffff, v1;
	v7 =	vld [tilespmem:s23+$0x0]  }
0x25a: {  	s13 =	simm.s32 $0xE0D;
	s12 =	sor.u32 s30, s3;
	v2 =	vor.u32 s7, v0;
	v1 =	vld [tilespmem:s4+$0x0];
	[tilespmem:v6+s31+$0x0] =	vst.idx.msk $0xffff, v5  }
0x25b: {  	s18 =	simm.s32 $0x619;
	s17 =	sor.u32 s1, s6;
	s4 =	sor.u32 $0x5300, s26;
	v6 =	vor.u32 s13, v0;
	[tilespmem:v10+s31+$0x0] =	vst.idx.msk $0xffff, v9;
	v5 =	vld [tilespmem:s12+$0x0]  }
0x25c: {  	s20 =	simm.s32 $0x80E;
	s19 =	sor.u32 s28, s4;
	v10 =	vor.u32 s18, v0;
	v9 =	vld [tilespmem:s17+$0x0];
	[tilespmem:v57+s31+$0x0] =	vst.idx.msk $0xffff, v11  }
0x25d: {  	v58 =	vor.u32 s20, v0;
	s22 =	simm.s32 $0xC0D;
	s21 =	sor.u32 s25, s3;
	[tilespmem:v4+s31+$0x0] =	vst.idx.msk $0xffff, v3;
	v11 =	vld [tilespmem:s19+$0x0]  }
0x25e: {  	s24 =	simm.s32 $0xA0E;
	s23 =	sor.u32 s29, s4;
	v4 =	vor.u32 s22, v0;
	v3 =	vld [tilespmem:s21+$0x0];
	[tilespmem:v8+s31+$0x0] =	vst.idx.msk $0xffff, v7  }
0x25f: {  	s5 =	simm.s32 $0x41A;
	s3 =	sor.u32 s0, s9;
	v8 =	vor.u32 s24, v0;
	[tilespmem:v2+s31+$0x0] =	vst.idx.msk $0xffff, v1;
	v7 =	vld [tilespmem:s23+$0x0]  }
0x260: {  	s7 =	simm.s32 $0xE0E;
	s6 =	sor.u32 s30, s4;
	v2 =	vor.u32 s5, v0;
	v1 =	vld [tilespmem:s3+$0x0];
	[tilespmem:v6+s31+$0x0] =	vst.idx.msk $0xffff, v5  }
0x261: {  	s9 =	sor.u32 s1, s9;
	s12 =	simm.s32 $0x61A;
	s3 =	sor.u32 $0x5380, s26;
	v6 =	vor.u32 s7, v0;
	[tilespmem:v10+s31+$0x0] =	vst.idx.msk $0xffff, v9;
	v5 =	vld [tilespmem:s6+$0x0]  }
0x262: {  	s17 =	simm.s32 $0x80F;
	s13 =	sor.u32 s28, s3;
	v10 =	vor.u32 s12, v0;
	v9 =	vld [tilespmem:s9+$0x0];
	[tilespmem:v58+s31+$0x0] =	vst.idx.msk $0xffff, v11  }
0x263: {  	s18 =	sor.u32 s25, s4;
	v59 =	vor.u32 s17, v0;
	s19 =	simm.s32 $0xC0E;
	[tilespmem:v4+s31+$0x0] =	vst.idx.msk $0xffff, v3;
	v11 =	vld [tilespmem:s13+$0x0]  }
0x264: {  	s21 =	simm.s32 $0xA0F;
	s20 =	sor.u32 s29, s3;
	v4 =	vor.u32 s19, v0;
	v3 =	vld [tilespmem:s18+$0x0];
	[tilespmem:v8+s31+$0x0] =	vst.idx.msk $0xffff, v7  }
0x265: {  	s22 =	sor.u32 s0, s10;
	s23 =	simm.s32 $0x41B;
	s24 =	sor.u32 s30, s3;
	v8 =	vor.u32 s21, v0;
	[tilespmem:v2+s31+$0x0] =	vst.idx.msk $0xffff, v1;
	v7 =	vld [tilespmem:s20+$0x0]  }
0x266: {  	s7 =	sor.u32 s1, s10;
	s10 =	simm.s32 $0xC000;
	v2 =	vor.u32 s23, v0;
	v1 =	vld [tilespmem:s22+$0x0];
	[tilespmem:v6+s31+$0x0] =	vst.idx.msk $0xffff, v5;
	s31 =	simm.s32 $0xE0F  }
0x267: {  	s4 =	sor.u32 $0x6000, s26;
	s9 =	simm.s32 $0x61B;
	[tilespmem:v10+s10+$0x0] =	vst.idx.msk $0xffff, v9;
	v5 =	vld [tilespmem:s24+$0x0];
	v6 =	vor.u32 s31, v0  }
0x268: {  	s12 =	sor.u32 s28, s4;
	s13 =	simm.s32 $0x810;
	v10 =	vor.u32 s9, v0;
	v9 =	vld [tilespmem:s7+$0x0];
	[tilespmem:v59+s10+$0x0] =	vst.idx.msk $0xffff, v11  }
0x269: {  	s17 =	sor.u32 s25, s3;
	s18 =	simm.s32 $0xC0F;
	v60 =	vor.u32 s13, v0;
	[tilespmem:v4+s10+$0x0] =	vst.idx.msk $0xffff, v3;
	v11 =	vld [tilespmem:s12+$0x0]  }
0x26a: {  	s19 =	sor.u32 s29, s4;
	s20 =	simm.s32 $0xA10;
	v4 =	vor.u32 s18, v0;
	v3 =	vld [tilespmem:s17+$0x0];
	[tilespmem:v8+s10+$0x0] =	vst.idx.msk $0xffff, v7  }
0x26b: {  	s21 =	sor.u32 s0, s11;
	s22 =	simm.s32 $0x41C;
	v8 =	vor.u32 s20, v0;
	[tilespmem:v2+s10+$0x0] =	vst.idx.msk $0xffff, v1;
	v7 =	vld [tilespmem:s19+$0x0]  }
0x26c: {  	s23 =	sor.u32 s30, s4;
	s24 =	simm.s32 $0xE10;
	v2 =	vor.u32 s22, v0;
	v1 =	vld [tilespmem:s21+$0x0];
	[tilespmem:v6+s10+$0x0] =	vst.idx.msk $0xffff, v5  }
0x26d: {  	s3 =	sor.u32 $0x6080, s26;
	s6 =	simm.s32 $0x61C;
	s31 =	sor.u32 s1, s11;
	v6 =	vor.u32 s24, v0;
	[tilespmem:v10+s10+$0x0] =	vst.idx.msk $0xffff, v9;
	v5 =	vld [tilespmem:s23+$0x0]  }
0x26e: {  	s9 =	simm.s32 $0x811;
	s7 =	sor.u32 s28, s3;
	v10 =	vor.u32 s6, v0;
	v9 =	vld [tilespmem:s31+$0x0];
	[tilespmem:v60+s10+$0x0] =	vst.idx.msk $0xffff, v11  }
0x26f: {  	s11 =	sor.u32 s25, s4;
	v61 =	vor.u32 s9, v0;
	s12 =	simm.s32 $0xC10;
	[tilespmem:v4+s10+$0x0] =	vst.idx.msk $0xffff, v3;
	v11 =	vld [tilespmem:s7+$0x0]  }
0x270: {  	s13 =	sor.u32 s29, s3;
	s17 =	simm.s32 $0xA11;
	v4 =	vor.u32 s12, v0;
	v3 =	vld [tilespmem:s11+$0x0];
	[tilespmem:v8+s10+$0x0] =	vst.idx.msk $0xffff, v7  }
0x271: {  	s18 =	sor.u32 s0, s14;
	s19 =	simm.s32 $0x41D;
	v8 =	vor.u32 s17, v0;
	[tilespmem:v2+s10+$0x0] =	vst.idx.msk $0xffff, v1;
	v7 =	vld [tilespmem:s13+$0x0]  }
0x272: {  	v2 =	vor.u32 s19, v0;
	v1 =	vld [tilespmem:s18+$0x0];
	[tilespmem:v6+s10+$0x0] =	vst.idx.msk $0xffff, v5  }
0x273: {  	s20 =	sor.u32 s30, s3;
	s21 =	simm.s32 $0xE11;
	[tilespmem:v10+s10+$0x0] =	vst.idx.msk $0xffff, v9  }
0x274: {  	s22 =	sor.u32 s1, s14;
	s23 =	simm.s32 $0x61D;
	s7 =	sor.u32 $0x6100, s26;
	v6 =	vor.u32 s21, v0;
	v5 =	vld [tilespmem:s20+$0x0];
	[tilespmem:v61+s10+$0x0] =	vst.idx.msk $0xffff, v11  }
0x275: {  	s31 =	simm.s32 $0x812;
	s24 =	sor.u32 s28, s7;
	v10 =	vor.u32 s23, v0;
	v9 =	vld [tilespmem:s22+$0x0];
	[tilespmem:v4+s10+$0x0] =	vst.idx.msk $0xffff, v3  }
0x276: {  	s2 =	simm.s32 $0xA15;
	s9 =	simm.s32 $0xC11;
	s3 =	sor.u32 s25, s3;
	v62 =	vor.u32 s31, v0;
	v11 =	vld [tilespmem:s24+$0x0];
	[tilespmem:v8+s10+$0x0] =	vst.idx.msk $0xffff, v7  }
0x277: {  	s12 =	simm.s32 $0xA12;
	s11 =	sor.u32 s29, s7;
	s17 =	simm.s32 $0x4;
	v4 =	vor.u32 s9, v0;
	v3 =	vld [tilespmem:s3+$0x0];
	[tilespmem:v2+s10+$0x0] =	vst.idx.msk $0xffff, v1  }
0x278: {  	s14 =	simm.s32 $0x41E;
	s13 =	sor.u32 s0, s15;
	v8 =	vor.u32 s12, v0;
	v7 =	vld [tilespmem:s11+$0x0];
	[dreg:$0x4] =	wrdreg s17  }
0x279: {  	s5 =	simm.s32 $0xA16;
	s19 =	simm.s32 $0xE12;
	s18 =	sor.u32 s30, s7;
	v2 =	vor.u32 s14, v0;
	[tilespmem:v6+s10+$0x0] =	vst.idx.msk $0xffff, v5;
	v1 =	vld [tilespmem:s13+$0x0]  }
0x27a: {  	s23 =	simm.s32 $0x61E;
	s20 =	sor.u32 s1, s15;
	s22 =	sor.u32 $0x6180, s26;
	v6 =	vor.u32 s19, v0;
	[tilespmem:v10+s10+$0x0] =	vst.idx.msk $0xffff, v9;
	v5 =	vld [tilespmem:s18+$0x0]  }
0x27b: {  	s31 =	simm.s32 $0x813;
	s0 =	sor.u32 s0, s8;
	s24 =	sor.u32 s28, s22;
	v10 =	vor.u32 s23, v0;
	v9 =	vld [tilespmem:s20+$0x0];
	[tilespmem:v62+s10+$0x0] =	vst.idx.msk $0xffff, v11  }
0x27c: {  	v63 =	vor.u32 s31, v0;
	s1 =	sor.u32 s1, s8;
	s8 =	sor.u32 s25, s7;
	s11 =	simm.s32 $0xC12;
	[tilespmem:v4+s10+$0x0] =	vst.idx.msk $0xffff, v3;
	v11 =	vld [tilespmem:s24+$0x0]  }
0x27d: {  	s4 =	simm.s32 $0x61F;
	s14 =	simm.s32 $0xA13;
	s13 =	sor.u32 s29, s22;
	v4 =	vor.u32 s11, v0;
	v3 =	vld [tilespmem:s8+$0x0];
	[tilespmem:v8+s10+$0x0] =	vst.idx.msk $0xffff, v7  }
0x27e: {  	s6 =	sor.u32 $0x6200, s26;
	s31 =	simm.s32 $0xA14;
	s15 =	simm.s32 $0x41F;
	v8 =	vor.u32 s14, v0;
	v7 =	vld [tilespmem:s13+$0x0];
	[tilespmem:v2+s10+$0x0] =	vst.idx.msk $0xffff, v1  }
0x27f: {  	s21 =	simm.s32 $0xE1F;
	s17 =	sor.u32 s30, s22;
	s18 =	simm.s32 $0xE13;
	[tilespmem:v6+s10+$0x0] =	vst.idx.msk $0xffff, v5;
	v5 =	vld [tilespmem:s0+$0x0];
	v6 =	vor.u32 s15, v0  }
0x280: {  	s7 =	sor.u32 s25, s6;
	s9 =	simm.s32 $0xB0;
	s3 =	sor.u32 $0x6300, s26;
	v14 =	vor.u32 s18, v0;
	[tilespmem:v10+s10+$0x0] =	vst.idx.msk $0xffff, v9;
	v13 =	vld [tilespmem:s17+$0x0]  }
0x281: {  	s12 =	sor.u32 s25, s22;
	s19 =	sor.u32 s28, s6;
	s23 =	simm.s32 $0xC13;
	[tilespmem:v63+s10+$0x0] =	vst.idx.msk $0xffff, v11  }
0x282: {  	s22 =	simm.s32 $0x4;
	s20 =	simm.s32 $0x814;
	s11 =	simm.s32 $0x815;
	v1 =	vld [tilespmem:s1+$0x0];
	[tilespmem:v4+s10+$0x0] =	vst.idx.msk $0xffff, v3  }
0x283: {  	s8 =	simm.s32 $0x816;
	s24 =	sor.u32 s29, s6;
	s14 =	simm.s32 $0x400;
	v3 =	vld [tilespmem:s19+$0x0];
	[tilespmem:v8+s10+$0x0] =	vst.idx.msk $0xffff, v7  }
0x284: {  	v2 =	vor.u32 s4, v0;
	s4 =	sor.u32 $0x6280, s26;
	s15 =	simm.s32 $0xC14;
	s0 =	simm.s32 $0x8;
	v4 =	vor.u32 s20, v0;
	v7 =	vld [tilespmem:s12+$0x0];
	[tilespmem:v6+s10+$0x0] =	vst.idx.msk $0xffff, v5  }
0x285: {  	s1 =	simm.s32 $0x161F;
	s17 =	sor.u32 s29, s4;
	s19 =	sor.u32 s28, s4;
	v8 =	vor.u32 s23, v0;
	v5 =	vld [tilespmem:s24+$0x0];
	v6 =	vor.u32 s31, v0;
	[tilespmem:v14+s10+$0x0] =	vst.idx.msk $0xffff, v13  }
.LBB2_6:
0x286: {  	[smem:$0x7EF] =	sst s9  }
0x287: {  	[dreg:$0x6] =	wrdreg s0  }
0x288: {  	s13 =	sld [smem:$0x7EF]  }
0x289: {  	s18 =	sand.u32 $0x7, s0;
	s23 =	sadd.s32 $0xFFFFFFD0, s9;
	s20 =	sld [smem:$0x7EF]  }
0x28a: {  	s9 =	sand.u32 $0xC00, s14;
	[dreg:$0x9] =	wrdreg s22;
	s18 =	sshll.u32 s18, $0x4  }
0x28b: {  	s22 =	sand.u32 $0x3, s22;
	s0 =	sadd.s32 $0xFFFFFBE1, s1;
	s12 =	sadd.s32 s14, s18;
	[tilespmem:v4+s10+$0x0] =	vst.idx.msk $0xffff, v3  }
0x28c: {  	s18 =	sor.u32 $0x4000, s9;
	[tilespmem:v2+s10+$0x0] =	vst.idx.msk $0xffff, v1;
	v2 =	vor.u32 s11, v0;
	s24 =	sadd.s32 $0xFFFFFFE0, s13;
	s31 =	sadd.s32 $0xFFFFFFF0, s20;
	v1 =	vld [tilespmem:s19+$0x0]  }
0x28d: {  	[tilespmem:v8+s10+$0x0] =	vst.idx.msk $0xffff, v7;
	s13 =	simm.s32 $0xC000;
	v4 =	vor.u32 s15, v0;
	s15 =	sshll.u32 s22, $0x5;
	s22 =	sadd.s32 $0xFFFFFDE1, s1  }
0x28e: {  	s10 =	sadd.s32 $0xFFFFF9E1, s1;
	s20 =	sand.u32 $0x60, s31;
	[tilespmem:v6+s13+$0x0] =	vst.idx.msk $0xffff, v5;
	v3 =	vld [tilespmem:s7+$0x0];
	s19 =	sand.u32 $0x40, s23  }
0x28f: {  	v7 =	vor.u32 s2, v0;
	v5 =	vor.u32 s0, v0;
	s0 =	sand.u32 $0x50, s24;
	s23 =	sor.u32 s23, s14;
	v6 =	vld [tilespmem:s17+$0x0];
	s17 =	sor.u32 s20, s18  }
0x290: {  	v8 =	vor.u32 s22, v0;
	s7 =	sadd.s32 $0xFFFFFFE1, s1;
	s2 =	sor.u32 s19, s18;
	[smem:$0x7ED] =	sst s23;
	v9 =	vld [tilespmem:s17+$0x0]  }
0x291: {  	s23 =	sor.u32 s24, s14;
	s24 =	sor.u32 s31, s14;
	s31 =	sor.u32 s28, s3;
	v11 =	vld [tilespmem:s2+$0x0];
	[tilespmem:v2+s13+$0x0] =	vst.idx.msk $0xffff, v1  }
0x292: {  	v12 =	vor.u32 s10, v0;
	s10 =	sadd.s32 $0xFFFFF9E2, s1;
	s22 =	sor.u32 s29, s3;
	v1 =	vld [tilespmem:s31+$0x0];
	s31 =	sld [smem:$0x7EF]  }
0x293: {  	v10 =	vor.u32 s7, v0;
	s7 =	sadd.s32 $0xFFFFFDE2, s1;
	[smem:$0x7EE] =	sst s23;
	s23 =	sor.u32 s0, s18;
	v2 =	vor.u32 s8, v0;
	[tilespmem:v4+s13+$0x0] =	vst.idx.msk $0xffff, v3  }
0x294: {  	[smem:$0x7EC] =	sst s24;
	s24 =	smov.u32 s0;
	s0 =	sor.u32 s25, s4;
	v3 =	vld [tilespmem:s23+$0x0];
	[tilespmem:v7+s13+$0x0] =	vst.idx.msk $0xffff, v6  }
0x295: {  	s8 =	sadd.s32 $0xFFFFFBE2, s1;
	v7 =	vor.u32 s5, v0;
	s5 =	sadd.s32 $0xFFFFFDF6, s21;
	v6 =	vld [tilespmem:s22+$0x0];
	[tilespmem:v8+s13+$0x0] =	vst.idx.msk $0xffff, v9;
	s31 =	sand.u32 $0x70, s31  }
0x296: {  	v14 =	vor.u32 s7, v0;
	s7 =	smov.u32 s21;
	v4 =	vor.u32 s8, v0;
	s8 =	sor.u32 s30, s4;
	v9 =	vor.u32 s5, v0;
	v8 =	vld [tilespmem:s0+$0x0];
	s4 =	sor.u32 s31, s18  }
0x297: {  	s21 =	sadd.s32 $0xFFFFF9F8, s7;
	[dreg:$0x1e] =	wrdreg s8;
	s22 =	sadd.s32 $0xFFFFFFE2, s1;
	[tilespmem:v12+s13+$0x0] =	vst.idx.msk $0xffff, v11;
	v11 =	vld [tilespmem:s4+$0x0]  }
0x298: {  	s5 =	sor.u32 s30, s3;
	s8 =	rddreg [dreg:$0x4];
	v13 =	vld [tilespmem:s17+$0x80];
	s0 =	sor.u32 $0x6380, s26;
	[tilespmem:v2+s13+$0x0] =	vst.idx.msk $0xffff, v1  }
0x299: {  	[dreg:$0x10] =	wrdreg s5;
	s5 =	sadd.s32 $0x4, s8;
	[tilespmem:v5+s13+$0x0] =	vst.idx.msk $0xffff, v3;
	s18 =	sor.u32 s28, s0;
	v2 =	vor.u32 s10, v0;
	v1 =	vld [tilespmem:s2+$0x80]  }
0x29a: {  	v15 =	vor.u32 s21, v0;
	s21 =	sadd.s32 $0xFFFFFBF8, s7;
	[dreg:$0x4] =	wrdreg s5;
	s10 =	sadd.s32 $0xFFFFF9E3, s1;
	v5 =	vld [tilespmem:s18+$0x0];
	[tilespmem:v7+s13+$0x0] =	vst.idx.msk $0xffff, v6  }
0x29b: {  	v3 =	vor.u32 s10, v0;
	s10 =	sor.u32 s25, s0;
	s18 =	sor.u32 s30, s0;
	s0 =	sor.u32 s29, s0;
	v6 =	vld [tilespmem:s23+$0x80];
	[tilespmem:v9+s13+$0x0] =	vst.idx.msk $0xffff, v8  }
0x29c: {  	p1 =	por !p1, !p1;
	v41 =	vor.u32 s22, v0;
	s22 =	sadd.s32 $0xFFFFFBE3, s1;
	[dreg:$0x13] =	wrdreg s10;
	v8 =	vld [tilespmem:s0+$0x0];
	v9 =	vor.u32 s21, v0;
	[tilespmem:v10+s13+$0x0] =	vst.idx.msk $0xffff, v11  }
0x29d: {  	v7 =	vor.u32 s22, v0;
	s22 =	smov.u32 s1;
	[dreg:$0xe] =	wrdreg s18;
	s10 =	sadd.s32 $0xFFFFFDE3, s1;
	[tilespmem:v14+s13+$0x0] =	vst.idx.msk $0xffff, v13;
	v10 =	vld [tilespmem:s4+$0x80]  }
0x29e: {  	s11 =	sadd.s32 $0x10, s12;
	[dreg:$0xd] =	wrdreg s22;
	s0 =	sor.u32 $0x7000, s26;
	[tilespmem:v2+s13+$0x0] =	vst.idx.msk $0xffff, v1;
	v1 =	vld [tilespmem:s17+$0x100];
	v2 =	vor.u32 s10, v0  }
0x29f: {  	s21 =	sadd.s32 $0xFFFFF9F9, s7;
	s18 =	sor.u32 s28, s0;
	s22 =	sor.u32 s30, s0;
	v11 =	vld [tilespmem:s2+$0x100];
	[tilespmem:v15+s13+$0x0] =	vst.idx.msk $0xffff, v5  }
0x2a0: {  	p2 =	slt.u32 s5, $0x1C;
	s5 =	sadd.s32 $0xFFFFFBE4, s1;
	[dreg:$0xb] =	wrdreg s22;
	[tilespmem:v4+s13+$0x0] =	vst.idx.msk $0xffff, v6;
	v5 =	vor.u32 s21, v0;
	v4 =	vld [tilespmem:s18+$0x0]  }
0x2a1: {  	s22 =	sadd.s32 $0xFFFFFBF9, s7;
	s21 =	sor.u32 s25, s0;
	s0 =	sor.u32 s29, s0;
	v6 =	vld [tilespmem:s23+$0x100];
	[tilespmem:v9+s13+$0x0] =	vst.idx.msk $0xffff, v8  }
0x2a2: {  	s8 =	sor.u32 s25, s3;
	v42 =	vor.u32 s5, v0;
	s5 =	sadd.s32 $0xFFFFFFE3, s1;
	s10 =	simm.s32 $0x1;
	v9 =	vor.u32 s22, v0;
	v8 =	vld [tilespmem:s0+$0x0];
	[tilespmem:v41+s13+$0x0] =	vst.idx.msk $0xffff, v10  }
0x2a3: {  	s10 =	simm.s32 @!p1 $0x0;
	[dreg:$0x11] =	wrdreg s21;
	s22 =	sadd.s32 $0xFFFFFDE4, s1;
	[tilespmem:v2+s13+$0x0] =	vst.idx.msk $0xffff, v1;
	v2 =	vor.u32 s5, v0;
	v1 =	vld [tilespmem:s4+$0x100]  }
0x2a4: {  	s21 =	sshll.u32 s10, $0x6;
	s0 =	sor.u32 $0x7080, s26;
	s5 =	sadd.s32 $0xFFFFF9E4, s1;
	v10 =	vor.u32 s22, v0;
	[tilespmem:v3+s13+$0x0] =	vst.idx.msk $0xffff, v11;
	v3 =	vld [tilespmem:s17+$0x180]  }
0x2a5: {  	s3 =	sadd.s32 s21, s14;
	s21 =	sadd.s32 $0xFFFFF9FA, s7;
	v43 =	vor.u32 s5, v0;
	s17 =	sor.u32 s28, s0;
	v11 =	vld [tilespmem:s2+$0x180];
	[tilespmem:v5+s13+$0x0] =	vst.idx.msk $0xffff, v4  }
0x2a6: {  	s10 =	sadd.s32 $0xFFFFF9E5, s1;
	s18 =	sor.u32 $0x200, s11;
	s22 =	sadd.s32 $0xFFFFFBE5, s1;
	[tilespmem:v7+s13+$0x0] =	vst.idx.msk $0xffff, v6;
	v6 =	vor.u32 s21, v0;
	v5 =	vld [tilespmem:s17+$0x0]  }
0x2a7: {  	v44 =	vor.u32 s22, v0;
	s22 =	sadd.s32 $0xFFFFFBFA, s7;
	s21 =	sor.u32 s29, s0;
	s17 =	sadd.s32 s14, s15;
	v7 =	vld [tilespmem:s23+$0x180];
	[tilespmem:v9+s13+$0x0] =	vst.idx.msk $0xffff, v8  }
0x2a8: {  	s5 =	sadd.s32 $0xFFFFFFE5, s1;
	s23 =	sadd.s32 $0xFFFFFFE4, s1;
	s2 =	sadd.s32 $0x20, s17;
	[tilespmem:v2+s13+$0x0] =	vst.idx.msk $0xffff, v1;
	v1 =	vld [tilespmem:s21+$0x0];
	v2 =	vor.u32 s22, v0  }
0x2a9: {  	v4 =	vor.u32 s10, v0;
	s10 =	sor.u32 s30, s0;
	v8 =	vor.u32 s23, v0;
	s17 =	sor.u32 $0x200, s2;
	[tilespmem:v10+s13+$0x0] =	vst.idx.msk $0xffff, v3;
	s22 =	sadd.s32 $0xFFFFFDE5, s1;
	v3 =	vld [tilespmem:s4+$0x180]  }
0x2aa: {  	[dreg:$0xf] =	wrdreg s10;
	s10 =	sor.u32 $0x7100, s26;
	s21 =	sor.u32 $0x200, s3;
	[tilespmem:v43+s13+$0x0] =	vst.idx.msk $0xffff, v11;
	v10 =	vld [tilespmem:s17+$0x4000];
	v11 =	vor.u32 s22, v0  }
0x2ab: {  	v9 =	vor.u32 s5, v0;
	s5 =	sor.u32 s25, s0;
	s0 =	sor.u32 s28, s10;
	s22 =	sadd.s32 $0xFFFFF9FB, s7;
	v12 =	vld [tilespmem:s21+$0x4000];
	[tilespmem:v6+s13+$0x0] =	vst.idx.msk $0xffff, v5  }
0x2ac: {  	s15 =	sor.u32 s25, s10;
	s4 =	sadd.s32 $0x30, s12;
	[tilespmem:v42+s13+$0x0] =	vst.idx.msk $0xffff, v7;
	s21 =	sadd.s32 $0xFFFFFBE6, s1;
	v6 =	vor.u32 s22, v0;
	v5 =	vld [tilespmem:s0+$0x0]  }
0x2ad: {  	s22 =	sor.u32 s30, s10;
	s10 =	sor.u32 s29, s10;
	v7 =	vld [tilespmem:s18+$0x4000];
	v45 =	vor.u32 s21, v0;
	s21 =	sadd.s32 $0xFFFFFBFB, s7;
	[tilespmem:v2+s13+$0x0] =	vst.idx.msk $0xffff, v1  }
0x2ae: {  	s18 =	sor.u32 $0x200, s4;
	v2 =	vor.u32 s21, v0;
	[tilespmem:v8+s13+$0x0] =	vst.idx.msk $0xffff, v3;
	v1 =	vld [tilespmem:s10+$0x0]  }
0x2af: {  	s21 =	sadd.s32 $0xFFFFFDE6, s1;
	[tilespmem:v11+s13+$0x0] =	vst.idx.msk $0xffff, v10;
	s10 =	sor.u32 $0x280, s2;
	v3 =	vld [tilespmem:s18+$0x4000]  }
0x2b0: {  	s23 =	sadd.s32 $0xFFFFF9E6, s1;
	s17 =	sor.u32 $0x280, s3;
	v10 =	vor.u32 s21, v0;
	[tilespmem:v4+s13+$0x0] =	vst.idx.msk $0xffff, v12;
	v4 =	vld [tilespmem:s10+$0x4000];
	s10 =	sor.u32 $0x7180, s26  }
0x2b1: {  	v46 =	vor.u32 s23, v0;
	s18 =	sadd.s32 $0xFFFFF9FC, s7;
	v11 =	vld [tilespmem:s17+$0x4000];
	[tilespmem:v6+s13+$0x0] =	vst.idx.msk $0xffff, v5;
	s17 =	sor.u32 s28, s10  }
0x2b2: {  	s23 =	sor.u32 $0x280, s11;
	[tilespmem:v44+s13+$0x0] =	vst.idx.msk $0xffff, v7;
	v6 =	vor.u32 s18, v0;
	v5 =	vld [tilespmem:s17+$0x0]  }
0x2b3: {  	s21 =	sor.u32 s25, s10;
	s17 =	sor.u32 s30, s10;
	v7 =	vld [tilespmem:s23+$0x4000];
	s10 =	sor.u32 s29, s10;
	[tilespmem:v2+s13+$0x0] =	vst.idx.msk $0xffff, v1  }
0x2b4: {  	[dreg:$0x12] =	wrdreg s22;
	s22 =	sor.u32 $0x280, s4;
	[tilespmem:v9+s13+$0x0] =	vst.idx.msk $0xffff, v3;
	v1 =	vld [tilespmem:s10+$0x0]  }
0x2b5: {  	s2 =	sor.u32 $0x300, s2;
	s18 =	sadd.s32 $0xFFFFFBFC, s7;
	[tilespmem:v10+s13+$0x0] =	vst.idx.msk $0xffff, v4;
	v3 =	vld [tilespmem:s22+$0x4000]  }
0x2b6: {  	s3 =	sor.u32 $0x300, s3;
	s23 =	sadd.s32 $0xFFFFFDE7, s1;
	v2 =	vor.u32 s18, v0;
	[tilespmem:v46+s13+$0x0] =	vst.idx.msk $0xffff, v11;
	v4 =	vld [tilespmem:s2+$0x4000];
	s2 =	sor.u32 $0x7200, s26  }
0x2b7: {  	s12 =	sadd.s32 $0xFFFFFFE6, s1;
	[dreg:$0x15] =	wrdreg s17;
	v9 =	vor.u32 s23, v0;
	v10 =	vld [tilespmem:s3+$0x4000];
	[tilespmem:v6+s13+$0x0] =	vst.idx.msk $0xffff, v5;
	s17 =	sor.u32 s28, s2  }
0x2b8: {  	s11 =	sor.u32 $0x300, s11;
	s0 =	sadd.s32 $0xFFFFF9E7, s1;
	v8 =	vor.u32 s12, v0;
	[tilespmem:v45+s13+$0x0] =	vst.idx.msk $0xffff, v7;
	v5 =	vld [tilespmem:s17+$0x0]  }
0x2b9: {  	s18 =	sadd.s32 $0xFFFFF9FD, s7;
	s17 =	sor.u32 s30, s2;
	v7 =	vld [tilespmem:s11+$0x4000];
	s11 =	sld [smem:$0x7EC]  }
0x2ba: {  	v11 =	vor.u32 s0, v0;
	v6 =	vor.u32 s18, v0;
	s18 =	sadd.s32 $0xFFFFFBFD, s7;
	[dreg:$0x16] =	wrdreg s17  }
0x2bb: {  	s22 =	sadd.s32 $0xFFFFFBE7, s1;
	s17 =	sadd.s32 $0xFFFFFDE8, s1;
	[tilespmem:v2+s13+$0x0] =	vst.idx.msk $0xffff, v1;
	v2 =	vor.u32 s18, v0;
	s18 =	sld [smem:$0x7ED]  }
0x2bc: {  	s23 =	sor.u32 s25, s2;
	v47 =	vor.u32 s22, v0;
	s2 =	sor.u32 s29, s2;
	[tilespmem:v9+s13+$0x0] =	vst.idx.msk $0xffff, v4;
	v9 =	vor.u32 s17, v0;
	s17 =	sld [smem:$0x7EE]  }
0x2bd: {  	s4 =	sor.u32 $0x300, s4;
	s22 =	sadd.s32 $0xFFFFFFE7, s1;
	[tilespmem:v8+s13+$0x0] =	vst.idx.msk $0xffff, v3;
	v1 =	vld [tilespmem:s2+$0x0]  }
0x2be: {  	s0 =	sadd.s32 $0xFFFFF9E8, s1;
	s12 =	sor.u32 $0x380, s11;
	v4 =	vor.u32 s22, v0;
	s2 =	sor.u32 $0x7280, s26;
	v3 =	vld [tilespmem:s4+$0x4000]  }
0x2bf: {  	[tilespmem:v11+s13+$0x0] =	vst.idx.msk $0xffff, v10;
	v8 =	vld [tilespmem:s12+$0x4000];
	s22 =	sor.u32 $0x380, s18;
	s18 =	sor.u32 $0x380, s17;
	s17 =	sld [smem:$0x7EF]  }
0x2c0: {  	s6 =	sor.u32 s30, s6;
	v11 =	vor.u32 s0, v0;
	s10 =	sor.u32 s28, s2;
	s12 =	sadd.s32 $0xFFFFF9FE, s7;
	v10 =	vld [tilespmem:s22+$0x4000];
	[tilespmem:v6+s13+$0x0] =	vst.idx.msk $0xffff, v5  }
0x2c1: {  	s11 =	sor.u32 s25, s2;
	s4 =	sor.u32 s30, s2;
	[tilespmem:v47+s13+$0x0] =	vst.idx.msk $0xffff, v7;
	s22 =	sadd.s32 $0xFFFFFBE8, s1;
	v6 =	vor.u32 s12, v0;
	v5 =	vld [tilespmem:s10+$0x0]  }
0x2c2: {  	s2 =	sor.u32 s29, s2;
	v7 =	vld [tilespmem:s18+$0x4000];
	v48 =	vor.u32 s22, v0;
	s22 =	sadd.s32 $0xFFFFFBFE, s7;
	[tilespmem:v2+s13+$0x0] =	vst.idx.msk $0xffff, v1;
	s18 =	sor.u32 s17, s14  }
0x2c3: {  	s0 =	sadd.s32 $0xFFFFFFE8, s1;
	s10 =	sor.u32 $0x5000, s9;
	v2 =	vor.u32 s22, v0;
	[tilespmem:v4+s13+$0x0] =	vst.idx.msk $0xffff, v3;
	v1 =	vld [tilespmem:s2+$0x0];
	s3 =	sor.u32 $0x380, s18  }
0x2c4: {  	[dreg:$0x19] =	wrdreg s4;
	[tilespmem:v9+s13+$0x0] =	vst.idx.msk $0xffff, v8;
	s17 =	sor.u32 s20, s10;
	v4 =	vor.u32 s0, v0;
	s18 =	sadd.s32 $0xFFFFFDE9, s1;
	v3 =	vld [tilespmem:s3+$0x4000]  }
0x2c5: {  	s22 =	sor.u32 s19, s10;
	s0 =	sadd.s32 $0xFFFFF9E9, s1;
	v8 =	vld [tilespmem:s17+$0x0];
	s17 =	sor.u32 $0x7300, s26;
	[tilespmem:v11+s13+$0x0] =	vst.idx.msk $0xffff, v10;
	v9 =	vor.u32 s18, v0  }
0x2c6: {  	s4 =	sor.u32 s24, s10;
	v11 =	vor.u32 s0, v0;
	s12 =	sor.u32 s28, s17;
	s18 =	sadd.s32 $0xFFFFF9FF, s7;
	v10 =	vld [tilespmem:s22+$0x0];
	[tilespmem:v6+s13+$0x0] =	vst.idx.msk $0xffff, v5  }
0x2c7: {  	s10 =	sor.u32 s31, s10;
	s0 =	sadd.s32 $0xFFFFFBE9, s1;
	s2 =	sor.u32 s25, s17;
	[tilespmem:v48+s13+$0x0] =	vst.idx.msk $0xffff, v7;
	v6 =	vor.u32 s18, v0;
	v5 =	vld [tilespmem:s12+$0x0]  }
0x2c8: {  	s22 =	sor.u32 s30, s17;
	v49 =	vor.u32 s0, v0;
	v7 =	vld [tilespmem:s4+$0x0];
	s12 =	sor.u32 s29, s17;
	s17 =	sadd.s32 $0xFFFFFBFF, s7;
	[tilespmem:v2+s13+$0x0] =	vst.idx.msk $0xffff, v1  }
0x2c9: {  	s3 =	sor.u32 $0x5080, s9;
	s18 =	sadd.s32 $0xFFFFFFE9, s1;
	s0 =	sadd.s32 $0xFFFFF9EA, s1;
	v2 =	vor.u32 s17, v0;
	v1 =	vld [tilespmem:s12+$0x0];
	[tilespmem:v4+s13+$0x0] =	vst.idx.msk $0xffff, v3  }
0x2ca: {  	[dreg:$0x1a] =	wrdreg s22;
	s22 =	sadd.s32 $0xFFFFFFF5, s7;
	[tilespmem:v9+s13+$0x0] =	vst.idx.msk $0xffff, v8;
	v4 =	vor.u32 s18, v0;
	s18 =	sor.u32 s20, s3;
	v3 =	vld [tilespmem:s10+$0x0]  }
0x2cb: {  	v9 =	vor.u32 s22, v0;
	s22 =	sadd.s32 $0xFFFFFA00, s7;
	s10 =	sor.u32 $0x7380, s26;
	[tilespmem:v11+s13+$0x0] =	vst.idx.msk $0xffff, v10;
	s26 =	sor.u32 s19, s3;
	v8 =	vld [tilespmem:s6+$0x0]  }
0x2cc: {  	v11 =	vor.u32 s0, v0;
	s0 =	sadd.s32 $0xFFFFFBEA, s1;
	v10 =	vld [tilespmem:s26+$0x0];
	[tilespmem:v6+s13+$0x0] =	vst.idx.msk $0xffff, v5;
	s17 =	sor.u32 s28, s10;
	s6 =	sor.u32 s25, s10  }
0x2cd: {  	[tilespmem:v49+s13+$0x0] =	vst.idx.msk $0xffff, v7;
	s26 =	sor.u32 s24, s3;
	v6 =	vor.u32 s22, v0;
	s4 =	sor.u32 s30, s10;
	s10 =	sor.u32 s29, s10;
	v5 =	vld [tilespmem:s17+$0x0]  }
0x2ce: {  	v50 =	vor.u32 s0, v0;
	s25 =	sadd.s32 $0xFFFFFC00, s7;
	s3 =	sor.u32 s31, s3;
	s0 =	sadd.s32 $0xFFFFFFEA, s1;
	v7 =	vld [tilespmem:s26+$0x0];
	[tilespmem:v2+s13+$0x0] =	vst.idx.msk $0xffff, v1  }
0x2cf: {  	s28 =	smov.u32 s19;
	s26 =	smov.u32 s9;
	s9 =	sadd.s32 $0xFFFFFFF6, s7;
	v2 =	vor.u32 s25, v0;
	v1 =	vld [tilespmem:s10+$0x0];
	[tilespmem:v4+s13+$0x0] =	vst.idx.msk $0xffff, v3  }
0x2d0: {  	s25 =	smov.u32 s20;
	s20 =	rddreg [dreg:$0x1e];
	s10 =	sor.u32 $0x5100, s26;
	v4 =	vor.u32 s0, v0;
	v3 =	vld [tilespmem:s3+$0x0];
	[tilespmem:v9+s13+$0x0] =	vst.idx.msk $0xffff, v8  }
0x2d1: {  	s19 =	sadd.s32 $0xFFFFF9EB, s1;
	s12 =	sor.u32 s28, s10;
	[tilespmem:v11+s13+$0x0] =	vst.idx.msk $0xffff, v10;
	v9 =	vor.u32 s9, v0;
	v8 =	vld [tilespmem:s20+$0x0]  }
0x2d2: {  	s22 =	sadd.s32 $0xFFFFFDEA, s1;
	s29 =	smov.u32 s24;
	v11 =	vor.u32 s19, v0;
	v10 =	vld [tilespmem:s12+$0x0];
	[tilespmem:v6+s13+$0x0] =	vst.idx.msk $0xffff, v5  }
0x2d3: {  	s30 =	smov.u32 s31;
	s31 =	sor.u32 s29, s10;
	s0 =	sadd.s32 $0xFFFFFBEB, s1;
	[tilespmem:v50+s13+$0x0] =	vst.idx.msk $0xffff, v7;
	v5 =	vld [tilespmem:s18+$0x0];
	v6 =	vor.u32 s22, v0  }
0x2d4: {  	v51 =	vor.u32 s0, v0;
	s9 =	sadd.s32 $0xFFFFFDF7, s7;
	v7 =	vld [tilespmem:s31+$0x0];
	[tilespmem:v2+s13+$0x0] =	vst.idx.msk $0xffff, v1  }
0x2d5: {  	s17 =	sor.u32 s25, s10;
	s10 =	sor.u32 s30, s10;
	s12 =	sadd.s32 $0xFFFFFFEB, s1;
	v1 =	vld [tilespmem:s8+$0x0];
	v2 =	vor.u32 s9, v0;
	[tilespmem:v4+s13+$0x0] =	vst.idx.msk $0xffff, v3  }
0x2d6: {  	s3 =	sor.u32 $0x5180, s26;
	s18 =	sadd.s32 $0xFFFFFFF7, s7;
	s22 =	rddreg [dreg:$0x10];
	v4 =	vor.u32 s12, v0;
	v3 =	vld [tilespmem:s10+$0x0];
	[tilespmem:v9+s13+$0x0] =	vst.idx.msk $0xffff, v8  }
0x2d7: {  	s19 =	sor.u32 s28, s3;
	s20 =	sadd.s32 $0xFFFFF9EC, s1;
	[tilespmem:v11+s13+$0x0] =	vst.idx.msk $0xffff, v10;
	v9 =	vor.u32 s18, v0;
	v8 =	vld [tilespmem:s22+$0x0]  }
0x2d8: {  	s24 =	sadd.s32 $0xFFFFFDEB, s1;
	v11 =	vor.u32 s20, v0;
	[tilespmem:v6+s13+$0x0] =	vst.idx.msk $0xffff, v5;
	v10 =	vld [tilespmem:s19+$0x0]  }
0x2d9: {  	s0 =	sadd.s32 $0xFFFFFBEC, s1;
	s31 =	sor.u32 s29, s3;
	v6 =	vor.u32 s24, v0;
	[tilespmem:v51+s13+$0x0] =	vst.idx.msk $0xffff, v7;
	v5 =	vld [tilespmem:s17+$0x0]  }
0x2da: {  	v52 =	vor.u32 s0, v0;
	s17 =	sadd.s32 $0xFFFFFDF8, s7;
	s19 =	rddreg [dreg:$0x13];
	v7 =	vld [tilespmem:s31+$0x0];
	[tilespmem:v2+s13+$0x0] =	vst.idx.msk $0xffff, v1  }
0x2db: {  	s12 =	sor.u32 s25, s3;
	s3 =	sor.u32 s30, s3;
	s18 =	sadd.s32 $0xFFFFFFEC, s1;
	v2 =	vor.u32 s17, v0;
	v1 =	vld [tilespmem:s19+$0x0];
	[tilespmem:v4+s13+$0x0] =	vst.idx.msk $0xffff, v3  }
0x2dc: {  	s8 =	sor.u32 $0x5200, s26;
	s20 =	sadd.s32 $0xFFFFFFF8, s7;
	s31 =	rddreg [dreg:$0xe];
	v4 =	vor.u32 s18, v0;
	v3 =	vld [tilespmem:s3+$0x0];
	[tilespmem:v9+s13+$0x0] =	vst.idx.msk $0xffff, v8  }
0x2dd: {  	s24 =	sadd.s32 $0xFFFFF9ED, s1;
	s22 =	sor.u32 s28, s8;
	[tilespmem:v11+s13+$0x0] =	vst.idx.msk $0xffff, v10;
	v9 =	vor.u32 s20, v0;
	v8 =	vld [tilespmem:s31+$0x0]  }
0x2de: {  	s18 =	sadd.s32 $0xFFFFFDEC, s1;
	v11 =	vor.u32 s24, v0;
	[tilespmem:v6+s13+$0x0] =	vst.idx.msk $0xffff, v5;
	v10 =	vld [tilespmem:s22+$0x0]  }
0x2df: {  	s19 =	sor.u32 s29, s8;
	s20 =	sadd.s32 $0xFFFFFBED, s1;
	v6 =	vor.u32 s18, v0;
	[tilespmem:v52+s13+$0x0] =	vst.idx.msk $0xffff, v7;
	v5 =	vld [tilespmem:s12+$0x0]  }
0x2e0: {  	v53 =	vor.u32 s20, v0;
	s22 =	sadd.s32 $0xFFFFFDF9, s7;
	s31 =	rddreg [dreg:$0x11];
	v7 =	vld [tilespmem:s19+$0x0];
	[tilespmem:v2+s13+$0x0] =	vst.idx.msk $0xffff, v1  }
0x2e1: {  	s17 =	sor.u32 s25, s8;
	s8 =	sor.u32 s30, s8;
	s24 =	sadd.s32 $0xFFFFFFED, s1;
	v2 =	vor.u32 s22, v0;
	v1 =	vld [tilespmem:s31+$0x0];
	[tilespmem:v4+s13+$0x0] =	vst.idx.msk $0xffff, v3  }
0x2e2: {  	s10 =	sadd.s32 $0xFFFFFFF9, s7;
	s3 =	sor.u32 $0x5280, s26;
	s22 =	rddreg [dreg:$0xb];
	v4 =	vor.u32 s24, v0;
	v3 =	vld [tilespmem:s8+$0x0];
	[tilespmem:v9+s13+$0x0] =	vst.idx.msk $0xffff, v8  }
0x2e3: {  	s20 =	sadd.s32 $0xFFFFF9EE, s1;
	s19 =	sor.u32 s28, s3;
	[tilespmem:v11+s13+$0x0] =	vst.idx.msk $0xffff, v10;
	v9 =	vor.u32 s10, v0;
	v8 =	vld [tilespmem:s22+$0x0]  }
0x2e4: {  	s24 =	sadd.s32 $0xFFFFFDED, s1;
	v11 =	vor.u32 s20, v0;
	[tilespmem:v6+s13+$0x0] =	vst.idx.msk $0xffff, v5;
	v10 =	vld [tilespmem:s19+$0x0]  }
0x2e5: {  	s0 =	sadd.s32 $0xFFFFFBEE, s1;
	s31 =	sor.u32 s29, s3;
	v6 =	vor.u32 s24, v0;
	[tilespmem:v53+s13+$0x0] =	vst.idx.msk $0xffff, v7;
	v5 =	vld [tilespmem:s17+$0x0]  }
0x2e6: {  	v54 =	vor.u32 s0, v0;
	s10 =	sadd.s32 $0xFFFFFDFA, s7;
	v7 =	vld [tilespmem:s31+$0x0];
	[tilespmem:v2+s13+$0x0] =	vst.idx.msk $0xffff, v1  }
0x2e7: {  	s12 =	sor.u32 s25, s3;
	s3 =	sor.u32 s30, s3;
	s17 =	sadd.s32 $0xFFFFFFEE, s1;
	v2 =	vor.u32 s10, v0;
	v1 =	vld [tilespmem:s5+$0x0];
	[tilespmem:v4+s13+$0x0] =	vst.idx.msk $0xffff, v3  }
0x2e8: {  	s18 =	sadd.s32 $0xFFFFFFFA, s7;
	s22 =	rddreg [dreg:$0xf];
	s5 =	sor.u32 $0x5300, s26;
	v4 =	vor.u32 s17, v0;
	v3 =	vld [tilespmem:s3+$0x0];
	[tilespmem:v9+s13+$0x0] =	vst.idx.msk $0xffff, v8  }
0x2e9: {  	s20 =	sadd.s32 $0xFFFFF9EF, s1;
	s19 =	sor.u32 s28, s5;
	[tilespmem:v11+s13+$0x0] =	vst.idx.msk $0xffff, v10;
	v9 =	vor.u32 s18, v0;
	v8 =	vld [tilespmem:s22+$0x0]  }
0x2ea: {  	s24 =	sadd.s32 $0xFFFFFDEE, s1;
	v11 =	vor.u32 s20, v0;
	[tilespmem:v6+s13+$0x0] =	vst.idx.msk $0xffff, v5;
	v10 =	vld [tilespmem:s19+$0x0]  }
0x2eb: {  	s0 =	sadd.s32 $0xFFFFFBEF, s1;
	s31 =	sor.u32 s29, s5;
	v6 =	vor.u32 s24, v0;
	[tilespmem:v54+s13+$0x0] =	vst.idx.msk $0xffff, v7;
	v5 =	vld [tilespmem:s12+$0x0]  }
0x2ec: {  	v55 =	vor.u32 s0, v0;
	s17 =	sadd.s32 $0xFFFFFDFB, s7;
	v7 =	vld [tilespmem:s31+$0x0];
	[tilespmem:v2+s13+$0x0] =	vst.idx.msk $0xffff, v1  }
0x2ed: {  	s10 =	sor.u32 s25, s5;
	s5 =	sor.u32 s30, s5;
	s18 =	sadd.s32 $0xFFFFFFEF, s1;
	v2 =	vor.u32 s17, v0;
	v1 =	vld [tilespmem:s15+$0x0];
	[tilespmem:v4+s13+$0x0] =	vst.idx.msk $0xffff, v3  }
0x2ee: {  	s20 =	sadd.s32 $0xFFFFFFFB, s7;
	s19 =	sor.u32 $0x5380, s26;
	s31 =	rddreg [dreg:$0x12];
	v4 =	vor.u32 s18, v0;
	v3 =	vld [tilespmem:s5+$0x0];
	[tilespmem:v9+s13+$0x0] =	vst.idx.msk $0xffff, v8  }
0x2ef: {  	s24 =	sadd.s32 $0xFFFFF9F0, s1;
	s22 =	sor.u32 s28, s19;
	[tilespmem:v11+s13+$0x0] =	vst.idx.msk $0xffff, v10;
	v9 =	vor.u32 s20, v0;
	v8 =	vld [tilespmem:s31+$0x0]  }
0x2f0: {  	s9 =	sadd.s32 $0xFFFFFDEF, s1;
	v11 =	vor.u32 s24, v0;
	[tilespmem:v6+s13+$0x0] =	vst.idx.msk $0xffff, v5;
	v10 =	vld [tilespmem:s22+$0x0]  }
0x2f1: {  	s17 =	sadd.s32 $0xFFFFFBF0, s1;
	s15 =	sor.u32 s29, s19;
	v6 =	vor.u32 s9, v0;
	[tilespmem:v55+s13+$0x0] =	vst.idx.msk $0xffff, v7;
	v5 =	vld [tilespmem:s10+$0x0]  }
0x2f2: {  	v56 =	vor.u32 s17, v0;
	s18 =	sadd.s32 $0xFFFFFDFC, s7;
	v7 =	vld [tilespmem:s15+$0x0];
	[tilespmem:v2+s13+$0x0] =	vst.idx.msk $0xffff, v1  }
0x2f3: {  	s12 =	sor.u32 s25, s19;
	s3 =	sor.u32 s30, s19;
	s19 =	sadd.s32 $0xFFFFFFF0, s1;
	v2 =	vor.u32 s18, v0;
	v1 =	vld [tilespmem:s21+$0x0];
	[tilespmem:v4+s13+$0x0] =	vst.idx.msk $0xffff, v3  }
0x2f4: {  	s20 =	sor.u32 $0x6000, s26;
	s31 =	rddreg [dreg:$0x15];
	s21 =	sadd.s32 $0xFFFFFFFC, s7;
	v4 =	vor.u32 s19, v0;
	v3 =	vld [tilespmem:s3+$0x0];
	[tilespmem:v9+s13+$0x0] =	vst.idx.msk $0xffff, v8  }
0x2f5: {  	s24 =	sadd.s32 $0xFFFFF9F1, s1;
	s22 =	sor.u32 s28, s20;
	[tilespmem:v11+s13+$0x0] =	vst.idx.msk $0xffff, v10;
	v9 =	vor.u32 s21, v0;
	v8 =	vld [tilespmem:s31+$0x0]  }
0x2f6: {  	s15 =	sadd.s32 $0xFFFFFDF0, s1;
	v11 =	vor.u32 s24, v0;
	[tilespmem:v6+s13+$0x0] =	vst.idx.msk $0xffff, v5;
	v10 =	vld [tilespmem:s22+$0x0]  }
0x2f7: {  	s17 =	sor.u32 s29, s20;
	s18 =	sadd.s32 $0xFFFFFBF1, s1;
	v6 =	vor.u32 s15, v0;
	[tilespmem:v56+s13+$0x0] =	vst.idx.msk $0xffff, v7;
	v5 =	vld [tilespmem:s12+$0x0]  }
0x2f8: {  	v57 =	vor.u32 s18, v0;
	s19 =	sadd.s32 $0xFFFFFDFD, s7;
	v7 =	vld [tilespmem:s17+$0x0];
	[tilespmem:v2+s13+$0x0] =	vst.idx.msk $0xffff, v1  }
0x2f9: {  	s9 =	sor.u32 s25, s20;
	s0 =	sor.u32 s30, s20;
	s20 =	sadd.s32 $0xFFFFFFF1, s1;
	v2 =	vor.u32 s19, v0;
	v1 =	vld [tilespmem:s23+$0x0];
	[tilespmem:v4+s13+$0x0] =	vst.idx.msk $0xffff, v3  }
0x2fa: {  	s21 =	sor.u32 $0x6080, s26;
	s22 =	sadd.s32 $0xFFFFFFFD, s7;
	s31 =	rddreg [dreg:$0x16];
	v4 =	vor.u32 s20, v0;
	v3 =	vld [tilespmem:s0+$0x0];
	[tilespmem:v9+s13+$0x0] =	vst.idx.msk $0xffff, v8  }
0x2fb: {  	s24 =	sadd.s32 $0xFFFFF9F2, s1;
	s23 =	sor.u32 s28, s21;
	[tilespmem:v11+s13+$0x0] =	vst.idx.msk $0xffff, v10;
	v9 =	vor.u32 s22, v0;
	v8 =	vld [tilespmem:s31+$0x0]  }
0x2fc: {  	s5 =	sadd.s32 $0xFFFFFDF1, s1;
	v11 =	vor.u32 s24, v0;
	[tilespmem:v6+s13+$0x0] =	vst.idx.msk $0xffff, v5;
	v10 =	vld [tilespmem:s23+$0x0]  }
0x2fd: {  	s8 =	sor.u32 s29, s21;
	s12 =	sadd.s32 $0xFFFFFBF2, s1;
	v6 =	vor.u32 s5, v0;
	[tilespmem:v57+s13+$0x0] =	vst.idx.msk $0xffff, v7;
	v5 =	vld [tilespmem:s9+$0x0]  }
0x2fe: {  	s15 =	sadd.s32 $0xFFFFFDFE, s7;
	v58 =	vor.u32 s12, v0;
	v7 =	vld [tilespmem:s8+$0x0];
	[tilespmem:v2+s13+$0x0] =	vst.idx.msk $0xffff, v1  }
0x2ff: {  	s3 =	sor.u32 s30, s21;
	s17 =	sadd.s32 $0xFFFFFFF2, s1;
	v2 =	vor.u32 s15, v0;
	v1 =	vld [tilespmem:s11+$0x0];
	[tilespmem:v4+s13+$0x0] =	vst.idx.msk $0xffff, v3  }
0x300: {  	s18 =	sor.u32 $0x6100, s26;
	s19 =	sadd.s32 $0xFFFFFFFE, s7;
	s22 =	rddreg [dreg:$0x19];
	v4 =	vor.u32 s17, v0;
	v3 =	vld [tilespmem:s3+$0x0];
	[tilespmem:v9+s13+$0x0] =	vst.idx.msk $0xffff, v8  }
0x301: {  	s10 =	sor.u32 s25, s21;
	s21 =	sadd.s32 $0xFFFFF9F3, s1;
	s20 =	sor.u32 s28, s18;
	[tilespmem:v11+s13+$0x0] =	vst.idx.msk $0xffff, v10;
	v9 =	vor.u32 s19, v0;
	v8 =	vld [tilespmem:s22+$0x0]  }
0x302: {  	s14 =	sadd.s32 $0x200, s14;
	s23 =	sadd.s32 $0xFFFFFDF2, s1;
	v11 =	vor.u32 s21, v0;
	[tilespmem:v6+s13+$0x0] =	vst.idx.msk $0xffff, v5;
	v10 =	vld [tilespmem:s20+$0x0]  }
0x303: {  	s24 =	sor.u32 s29, s18;
	s0 =	sor.u32 s30, s18;
	s31 =	sadd.s32 $0xFFFFFBF3, s1;
	v6 =	vor.u32 s23, v0;
	[tilespmem:v58+s13+$0x0] =	vst.idx.msk $0xffff, v7;
	v5 =	vld [tilespmem:s10+$0x0]  }
0x304: {  	s5 =	sadd.s32 $0xFFFFFBF7, s1;
	s9 =	sor.u32 s25, s18;
	v59 =	vor.u32 s31, v0;
	s8 =	sadd.s32 $0xFFFFFDFF, s7;
	v7 =	vld [tilespmem:s24+$0x0];
	[tilespmem:v2+s13+$0x0] =	vst.idx.msk $0xffff, v1  }
0x305: {  	s18 =	sadd.s32 $0xFFFFF9F4, s1;
	s15 =	sadd.s32 $0xFFFFFFFF, s7;
	s10 =	sadd.s32 $0xFFFFFFF3, s1;
	v2 =	vor.u32 s8, v0;
	v1 =	vld [tilespmem:s2+$0x0];
	[tilespmem:v4+s13+$0x0] =	vst.idx.msk $0xffff, v3  }
0x306: {  	s31 =	sadd.s32 $0xFFFFFFF4, s1;
	s11 =	sor.u32 $0x6180, s26;
	s19 =	rddreg [dreg:$0x1a];
	v4 =	vor.u32 s10, v0;
	v3 =	vld [tilespmem:s0+$0x0];
	[tilespmem:v9+s13+$0x0] =	vst.idx.msk $0xffff, v8  }
0x307: {  	v16 =	vor.u32 s31, v0;
	s31 =	sld [smem:$0x7EF];
	s12 =	sor.u32 s25, s11;
	s17 =	sor.u32 s28, s11;
	[tilespmem:v11+s13+$0x0] =	vst.idx.msk $0xffff, v10;
	v9 =	vor.u32 s15, v0;
	v8 =	vld [tilespmem:s19+$0x0]  }
0x308: {  	s21 =	sor.u32 s29, s11;
	s23 =	sadd.s32 $0xFFFFFE00, s7;
	s20 =	sadd.s32 $0xFFFFFDF3, s1;
	v11 =	vor.u32 s18, v0;
	[tilespmem:v6+s13+$0x0] =	vst.idx.msk $0xffff, v5;
	v10 =	vld [tilespmem:s17+$0x0]  }
0x309: {  	s3 =	sor.u32 $0x6300, s26;
	s22 =	sadd.s32 $0xFFFFFBF4, s1;
	s8 =	sadd.s32 $0xFFFFF9F7, s1;
	v6 =	vor.u32 s20, v0;
	[tilespmem:v59+s13+$0x0] =	vst.idx.msk $0xffff, v7;
	v5 =	vld [tilespmem:s9+$0x0]  }
0x30a: {  	v60 =	vor.u32 s22, v0;
	s24 =	sor.u32 s30, s11;
	s11 =	sadd.s32 $0xFFFFF9F6, s1;
	s2 =	sadd.s32 $0xFFFFFBF6, s1;
	v7 =	vld [tilespmem:s21+$0x0];
	[tilespmem:v2+s13+$0x0] =	vst.idx.msk $0xffff, v1  }
0x30b: {  	v62 =	vor.u32 s23, v0;
	s10 =	sadd.s32 $0xFFFFF9F5, s1;
	s15 =	sadd.s32 $0xFFFFFDF5, s1;
	s18 =	rddreg [dreg:$0x9];
	v61 =	vld [tilespmem:s6+$0x0];
	[tilespmem:v4+s13+$0x0] =	vst.idx.msk $0xffff, v3  }
0x30c: {  	s20 =	rddreg [dreg:$0xd];
	s17 =	sadd.s32 $0xFFFFFDF4, s1;
	s22 =	sadd.s32 $0x2, s18;
	v63 =	vld [tilespmem:s24+$0x0];
	[tilespmem:v9+s13+$0x0] =	vst.idx.msk $0xffff, v8  }
.Ltmp6:
0x30d: {  	s23 =	sadd.s32 $0xFFFFFBF5, s20;
	s6 =	sor.u32 $0x6200, s26;
	[tilespmem:v11+s13+$0x0] =	vst.idx.msk $0xffff, v10;
	(pc) =	sbr.rel @p2 .LBB2_6-.Ltmp6, $4  }
0x30e: {  	s1 =	sadd.s32 $0x800, s1;
	s21 =	smov.u32 s20;
	s9 =	sor.u32 s28, s6;
	[tilespmem:v6+s13+$0x0] =	vst.idx.msk $0xffff, v5;
	v1 =	vld [tilespmem:s4+$0x0]  }
0x30f: {  	v2 =	vor.u32 s7, v0;
	s7 =	sor.u32 s25, s6;
	v4 =	vor.u32 s10, v0;
	s10 =	simm.s32 $0xC000;
	s24 =	rddreg [dreg:$0x6];
	v3 =	vld [tilespmem:s9+$0x0];
	[tilespmem:v60+s13+$0x0] =	vst.idx.msk $0xffff, v7  }
0x310: {  	s19 =	sor.u32 s29, s6;
	v7 =	vld [tilespmem:s12+$0x0];
	s4 =	sor.u32 $0x6280, s26;
	s0 =	sadd.s32 $0x4, s24;
	[tilespmem:v62+s10+$0x0] =	vst.idx.msk $0xffff, v61  }
0x311: {  	v8 =	vor.u32 s17, v0;
	v6 =	vor.u32 s23, v0;
	s9 =	sadd.s32 $0x40, s31;
	v5 =	vld [tilespmem:s19+$0x0];
	s19 =	sor.u32 s28, s4;
	s17 =	sor.u32 s29, s4;
	[tilespmem:v16+s10+$0x0] =	vst.idx.msk $0xffff, v63  }
0x312: {  	_ =	sdelay $0x3  }
0x313: {  	[tilespmem:v8+s10+$0x0] =	vst.idx.msk $0xffff, v7  }
0x314: {  	v19 =	vor.u32 s15, v0;
	v7 =	vld [tilespmem:s7+$0x0];
	_ =	sdelay $0x1  }
0x315: {  	s0 =	sor.u32 s30, s6;
	s1 =	sadd.s32 $0xFFFFFFF5, s21  }
0x316: {  	v9 =	vld [tilespmem:s0+$0x0];
	v10 =	vor.u32 s1, v0;
	[tilespmem:v4+s10+$0x0] =	vst.idx.msk $0xffff, v3  }
0x317: {  	v20 =	vor.u32 s11, v0;
	v3 =	vld [tilespmem:s19+$0x0];
	[tilespmem:v6+s10+$0x0] =	vst.idx.msk $0xffff, v5  }
0x318: {  	v21 =	vor.u32 s2, v0;
	s24 =	sor.u32 s25, s4;
	s31 =	sadd.s32 $0xFFFFFDF6, s21;
	v5 =	vld [tilespmem:s17+$0x0];
	[tilespmem:v19+s10+$0x0] =	vst.idx.msk $0xffff, v7  }
0x319: {  	v22 =	vor.u32 s31, v0;
	v7 =	vld [tilespmem:s24+$0x0];
	_ =	sdelay $0x1  }
0x31a: {  	s2 =	sor.u32 s30, s4;
	s4 =	sadd.s32 $0xFFFFFFF6, s21;
	[tilespmem:v10+s10+$0x0] =	vst.idx.msk $0xffff, v9  }
0x31b: {  	s6 =	sor.u32 s28, s3;
	v23 =	vor.u32 s4, v0;
	v9 =	vld [tilespmem:s2+$0x0];
	[tilespmem:v20+s10+$0x0] =	vst.idx.msk $0xffff, v3  }
0x31c: {  	v24 =	vor.u32 s8, v0;
	s7 =	sor.u32 s29, s3;
	v3 =	vld [tilespmem:s6+$0x0];
	[tilespmem:v21+s10+$0x0] =	vst.idx.msk $0xffff, v5  }
0x31d: {  	v25 =	vor.u32 s5, v0;
	s8 =	sor.u32 s25, s3;
	s9 =	sadd.s32 $0xFFFFFDF7, s21;
	v5 =	vld [tilespmem:s7+$0x0];
	[tilespmem:v22+s10+$0x0] =	vst.idx.msk $0xffff, v7  }
0x31e: {  	v26 =	vor.u32 s9, v0;
	v7 =	vld [tilespmem:s8+$0x0];
	_ =	sdelay $0x1  }
0x31f: {  	s11 =	sor.u32 s30, s3;
	s12 =	sadd.s32 $0xFFFFFFF7, s21;
	s13 =	sor.u32 $0x6380, s26;
	[tilespmem:v23+s10+$0x0] =	vst.idx.msk $0xffff, v9  }
0x320: {  	s15 =	sadd.s32 $0xFFFFF9F8, s21;
	v27 =	vor.u32 s12, v0;
	s14 =	sor.u32 s28, s13;
	v9 =	vld [tilespmem:s11+$0x0];
	[tilespmem:v24+s10+$0x0] =	vst.idx.msk $0xffff, v3  }
0x321: {  	s18 =	sadd.s32 $0xFFFFFBF8, s21;
	v28 =	vor.u32 s15, v0;
	s17 =	sor.u32 s29, s13;
	v3 =	vld [tilespmem:s14+$0x0];
	[tilespmem:v25+s10+$0x0] =	vst.idx.msk $0xffff, v5  }
0x322: {  	s20 =	sadd.s32 $0xFFFFFDF8, s21;
	v29 =	vor.u32 s18, v0;
	s19 =	sor.u32 s25, s13;
	v5 =	vld [tilespmem:s17+$0x0];
	[tilespmem:v26+s10+$0x0] =	vst.idx.msk $0xffff, v7  }
0x323: {  	v30 =	vor.u32 s20, v0;
	v7 =	vld [tilespmem:s19+$0x0];
	_ =	sdelay $0x1  }
0x324: {  	s22 =	sadd.s32 $0xFFFFFFF8, s21;
	s23 =	sor.u32 $0x7000, s26;
	s0 =	sor.u32 s30, s13;
	[tilespmem:v27+s10+$0x0] =	vst.idx.msk $0xffff, v9  }
0x325: {  	v31 =	vor.u32 s22, v0;
	s31 =	sadd.s32 $0xFFFFF9F9, s21;
	s24 =	sor.u32 s28, s23;
	v9 =	vld [tilespmem:s0+$0x0];
	[tilespmem:v28+s10+$0x0] =	vst.idx.msk $0xffff, v3  }
0x326: {  	s4 =	sadd.s32 $0xFFFFFBF9, s21;
	v32 =	vor.u32 s31, v0;
	s3 =	sor.u32 s29, s23;
	v3 =	vld [tilespmem:s24+$0x0];
	[tilespmem:v29+s10+$0x0] =	vst.idx.msk $0xffff, v5  }
0x327: {  	s5 =	sor.u32 s25, s23;
	v33 =	vor.u32 s4, v0;
	s6 =	sadd.s32 $0xFFFFFDF9, s21;
	v5 =	vld [tilespmem:s3+$0x0];
	[tilespmem:v30+s10+$0x0] =	vst.idx.msk $0xffff, v7  }
0x328: {  	v34 =	vor.u32 s6, v0;
	v7 =	vld [tilespmem:s5+$0x0];
	_ =	sdelay $0x1  }
0x329: {  	s7 =	sadd.s32 $0xFFFFFFF9, s21;
	s8 =	sor.u32 $0x7080, s26;
	s0 =	sor.u32 s30, s23;
	[tilespmem:v31+s10+$0x0] =	vst.idx.msk $0xffff, v9  }
0x32a: {  	v35 =	vor.u32 s7, v0;
	s11 =	sadd.s32 $0xFFFFF9FA, s21;
	s9 =	sor.u32 s28, s8;
	v9 =	vld [tilespmem:s0+$0x0];
	[tilespmem:v32+s10+$0x0] =	vst.idx.msk $0xffff, v3  }
0x32b: {  	s13 =	sadd.s32 $0xFFFFFBFA, s21;
	v36 =	vor.u32 s11, v0;
	s12 =	sor.u32 s29, s8;
	v3 =	vld [tilespmem:s9+$0x0];
	[tilespmem:v33+s10+$0x0] =	vst.idx.msk $0xffff, v5  }
0x32c: {  	s15 =	sadd.s32 $0xFFFFFDFA, s21;
	v37 =	vor.u32 s13, v0;
	s14 =	sor.u32 s25, s8;
	v5 =	vld [tilespmem:s12+$0x0];
	[tilespmem:v34+s10+$0x0] =	vst.idx.msk $0xffff, v7  }
0x32d: {  	v38 =	vor.u32 s15, v0;
	v7 =	vld [tilespmem:s14+$0x0];
	_ =	sdelay $0x1  }
0x32e: {  	s18 =	sor.u32 $0x7100, s26;
	s17 =	sadd.s32 $0xFFFFFFFA, s21;
	s0 =	sor.u32 s30, s8;
	[tilespmem:v35+s10+$0x0] =	vst.idx.msk $0xffff, v9  }
0x32f: {  	s20 =	sor.u32 s28, s18;
	v39 =	vor.u32 s17, v0;
	s19 =	sadd.s32 $0xFFFFF9FB, s21;
	v9 =	vld [tilespmem:s0+$0x0];
	[tilespmem:v36+s10+$0x0] =	vst.idx.msk $0xffff, v3  }
0x330: {  	s22 =	sor.u32 s29, s18;
	s23 =	sadd.s32 $0xFFFFFBFB, s21;
	v40 =	vor.u32 s19, v0;
	v3 =	vld [tilespmem:s20+$0x0];
	[tilespmem:v37+s10+$0x0] =	vst.idx.msk $0xffff, v5  }
0x331: {  	s31 =	sadd.s32 $0xFFFFFDFB, s21;
	v41 =	vor.u32 s23, v0;
	s24 =	sor.u32 s25, s18;
	v5 =	vld [tilespmem:s22+$0x0];
	[tilespmem:v38+s10+$0x0] =	vst.idx.msk $0xffff, v7  }
0x332: {  	v42 =	vor.u32 s31, v0;
	v7 =	vld [tilespmem:s24+$0x0];
	_ =	sdelay $0x1  }
0x333: {  	s4 =	sor.u32 $0x7180, s26;
	s3 =	sadd.s32 $0xFFFFFFFB, s21;
	s0 =	sor.u32 s30, s18;
	[tilespmem:v39+s10+$0x0] =	vst.idx.msk $0xffff, v9  }
0x334: {  	s6 =	sadd.s32 $0xFFFFF9FC, s21;
	v43 =	vor.u32 s3, v0;
	s5 =	sor.u32 s28, s4;
	v9 =	vld [tilespmem:s0+$0x0];
	[tilespmem:v40+s10+$0x0] =	vst.idx.msk $0xffff, v3  }
0x335: {  	v44 =	vor.u32 s6, v0;
	s7 =	sor.u32 s29, s4;
	s8 =	sadd.s32 $0xFFFFFBFC, s21;
	v3 =	vld [tilespmem:s5+$0x0];
	[tilespmem:v41+s10+$0x0] =	vst.idx.msk $0xffff, v5  }
0x336: {  	s11 =	sadd.s32 $0xFFFFFDFC, s21;
	v45 =	vor.u32 s8, v0;
	s9 =	sor.u32 s25, s4;
	v5 =	vld [tilespmem:s7+$0x0];
	[tilespmem:v42+s10+$0x0] =	vst.idx.msk $0xffff, v7  }
0x337: {  	v46 =	vor.u32 s11, v0;
	v7 =	vld [tilespmem:s9+$0x0];
	_ =	sdelay $0x1  }
0x338: {  	s13 =	sor.u32 $0x7200, s26;
	s12 =	sadd.s32 $0xFFFFFFFC, s21;
	s0 =	sor.u32 s30, s4;
	[tilespmem:v43+s10+$0x0] =	vst.idx.msk $0xffff, v9  }
0x339: {  	s15 =	sadd.s32 $0xFFFFF9FD, s21;
	v47 =	vor.u32 s12, v0;
	s14 =	sor.u32 s28, s13;
	v9 =	vld [tilespmem:s0+$0x0];
	[tilespmem:v44+s10+$0x0] =	vst.idx.msk $0xffff, v3  }
0x33a: {  	v48 =	vor.u32 s15, v0;
	s17 =	sor.u32 s29, s13;
	s18 =	sadd.s32 $0xFFFFFBFD, s21;
	v3 =	vld [tilespmem:s14+$0x0];
	[tilespmem:v45+s10+$0x0] =	vst.idx.msk $0xffff, v5  }
0x33b: {  	s19 =	sor.u32 s25, s13;
	v49 =	vor.u32 s18, v0;
	s20 =	sadd.s32 $0xFFFFFDFD, s21;
	v5 =	vld [tilespmem:s17+$0x0];
	[tilespmem:v46+s10+$0x0] =	vst.idx.msk $0xffff, v7  }
0x33c: {  	v50 =	vor.u32 s20, v0;
	v7 =	vld [tilespmem:s19+$0x0];
	_ =	sdelay $0x1  }
0x33d: {  	s23 =	sor.u32 $0x7280, s26;
	s22 =	sadd.s32 $0xFFFFFFFD, s21;
	s0 =	sor.u32 s30, s13;
	[tilespmem:v47+s10+$0x0] =	vst.idx.msk $0xffff, v9  }
0x33e: {  	s31 =	sadd.s32 $0xFFFFF9FE, s21;
	v51 =	vor.u32 s22, v0;
	s24 =	sor.u32 s28, s23;
	v9 =	vld [tilespmem:s0+$0x0];
	[tilespmem:v48+s10+$0x0] =	vst.idx.msk $0xffff, v3  }
0x33f: {  	v52 =	vor.u32 s31, v0;
	s2 =	sor.u32 s29, s23;
	s3 =	sadd.s32 $0xFFFFFBFE, s21;
	v3 =	vld [tilespmem:s24+$0x0];
	[tilespmem:v49+s10+$0x0] =	vst.idx.msk $0xffff, v5  }
0x340: {  	v53 =	vor.u32 s3, v0;
	s4 =	sor.u32 s25, s23;
	s5 =	sadd.s32 $0xFFFFFDFE, s21;
	v5 =	vld [tilespmem:s2+$0x0];
	[tilespmem:v50+s10+$0x0] =	vst.idx.msk $0xffff, v7  }
0x341: {  	v54 =	vor.u32 s5, v0;
	v7 =	vld [tilespmem:s4+$0x0];
	_ =	sdelay $0x1  }
0x342: {  	s6 =	sadd.s32 $0xFFFFFFFE, s21;
	s7 =	sor.u32 $0x7300, s26;
	s0 =	sor.u32 s30, s23;
	[tilespmem:v51+s10+$0x0] =	vst.idx.msk $0xffff, v9  }
0x343: {  	v55 =	vor.u32 s6, v0;
	s8 =	sor.u32 s28, s7;
	s9 =	sadd.s32 $0xFFFFF9FF, s21;
	v9 =	vld [tilespmem:s0+$0x0];
	[tilespmem:v52+s10+$0x0] =	vst.idx.msk $0xffff, v3  }
0x344: {  	s12 =	sadd.s32 $0xFFFFFBFF, s21;
	s11 =	sor.u32 s29, s7;
	v56 =	vor.u32 s9, v0;
	v3 =	vld [tilespmem:s8+$0x0];
	[tilespmem:v53+s10+$0x0] =	vst.idx.msk $0xffff, v5  }
0x345: {  	v57 =	vor.u32 s12, v0;
	s13 =	sor.u32 s25, s7;
	s14 =	sadd.s32 $0xFFFFFDFF, s21;
	v5 =	vld [tilespmem:s11+$0x0];
	[tilespmem:v54+s10+$0x0] =	vst.idx.msk $0xffff, v7  }
0x346: {  	v58 =	vor.u32 s14, v0;
	v7 =	vld [tilespmem:s13+$0x0];
	_ =	sdelay $0x1  }
0x347: {  	s15 =	sadd.s32 $0xFFFFFFFF, s21;
	s17 =	sor.u32 $0x7380, s26;
	s0 =	sor.u32 s30, s7;
	[tilespmem:v55+s10+$0x0] =	vst.idx.msk $0xffff, v9  }
0x348: {  	v59 =	vor.u32 s15, v0;
	s18 =	sor.u32 s28, s17;
	s19 =	sadd.s32 $0xFFFFFA00, s21;
	v9 =	vld [tilespmem:s0+$0x0];
	[tilespmem:v56+s10+$0x0] =	vst.idx.msk $0xffff, v3  }
0x349: {  	s22 =	sadd.s32 $0xFFFFFC00, s21;
	s20 =	sor.u32 s29, s17;
	v60 =	vor.u32 s19, v0;
	v3 =	vld [tilespmem:s18+$0x0];
	[tilespmem:v57+s10+$0x0] =	vst.idx.msk $0xffff, v5  }
0x34a: {  	v61 =	vor.u32 s22, v0;
	s23 =	sor.u32 s25, s17;
	s24 =	sadd.s32 $0xFFFFFE00, s21;
	v5 =	vld [tilespmem:s20+$0x0];
	[tilespmem:v58+s10+$0x0] =	vst.idx.msk $0xffff, v7  }
0x34b: {  	v62 =	vor.u32 s24, v0;
	v7 =	vld [tilespmem:s23+$0x0]  }
0x34c: {  	[tilespmem:v2+s10+$0x0] =	vst.idx.msk $0xffff, v1  }
0x34d: {  	[tilespmem:v59+s10+$0x0] =	vst.idx.msk $0xffff, v9  }
0x34e: {  	s0 =	sor.u32 s30, s17;
	[tilespmem:v60+s10+$0x0] =	vst.idx.msk $0xffff, v3  }
0x34f: {  	v63 =	vor.u32 s21, v0;
	v9 =	vld [tilespmem:s0+$0x0];
	[tilespmem:v61+s10+$0x0] =	vst.idx.msk $0xffff, v5  }
0x350: {  	[tilespmem:v62+s10+$0x0] =	vst.idx.msk $0xffff, v7  }
0x351: {  	s25 =	sld [smem:$0x7FD]  }
0x352: {  	s26 =	sld [smem:$0x7F0];
	_ =	sdelay $0x1  }
0x353: {  	s28 =	rddreg [dreg:$0x2];
	[tilespmem:v63+s10+$0x0] =	vst.idx.msk $0xffff, v9  }
0x354: {  	s30 =	sld [smem:$0x7F5];
	s0 =	sor.u32 s25, s26  }
0x355: {  	s29 =	simm.s32 $0x0;
	s31 =	sld [smem:$0x7F7];
	s0 =	sadd.s32 s28, s0  }
0x356: {  	[hbm4b:s0+s29] =	stream.linear.scatter [tilespmem:s10], [sflag:$0x4], $0x4000, $0x38;
	[tilespmem:$0x10000] =	vst v63  }
.Ltmp7:
0x357: {  	s1 =	sld [smem:$0x7F8];
	s0 =	sadd.s32 $0x3, s30;
	(pc) =	sbr.rel .LBB2_8-.Ltmp7, $4  }
0x358: {  	p1 =	sgt.u32 s0, s31  }
0x359: {  	s13 =	sld [smem:$0x7F4];
	s0 =	sshll.u32 @!p1 s0, $0xE;
	s2 =	simm.s32 @!p1 $0x7A1400  }
0x35a: {  	s3 =	simm.s32 @!p1 $0x4000;
	s0 =	sadd.s32 @!p1 s0, s1;
	s1 =	simm.s32 @!p1 $0x1000  }
0x35b: {  	[tilespmem:s3], [sflag:$0x2] =	stream.strided.gather @!p1 [hbm4b:s0+s1], $0x4000, s2, s1, $0x38;
	[tilespmem:$0x10000] =	vst v63  }
.LBB2_10:
0x35c: {  	_ =	sfence.sel $0x180000  }
0x35d: {  	[bflag:$0x0] =	sbarrier.arrive $0xFFFF  }
0x35e: {  	_ =	strace $0x90000047  }
0x35f: {  	s0 =	stileid.u32;
	[bflag:$0x2] =	sbarrier.arrive $0xFFFF  }
0x360: {  	p0 =	sne.s32 s0, $0x0;
	s0 =	rddreg [dreg:$0x3]  }
0x361: {  	s0 =	sadd.s32 @!p0 $0x100000, s0  }
0x362: {  	[sflag:s0] =	ssyncadd.tile.s32 @!p0 $0x1;
	_ =	shalt  }
.Lfunc_end2:
_tile_overlayer_lowered:
.L_overlay_start_2:
0x363: {  	(tag) =	ssettag $0x2  }
0x364: {  	s0 =	rddreg [dreg:$0x0];
	s2 =	stileid.u32  }
0x365: {  	s1 =	rddreg [dreg:$0x1];
	p0 =	sne.s32 s2, $0x0  }
0x366: {  	s3 =	rddreg [dreg:$0x2];
	[bflag:$0x3] =	sbarrier.arrive $0xFFFF;
	s2 =	simm.s32 @!p0 $0x1C05  }
0x367: {  	[timem:s3], [sflag:s2] =	dma.local @!p0 [hbm:s0], s1  }
0x368: {  	s0 =	simm.s32 @!p0 $0x5  }
0x369: {  	_ =	swait.ge @!p0 [sflag:s0], s1  }
0x36a: {  	s1 =	ssub.s32 @!p0 $0x0, s1;
	[sflag:s0] =	ssyncset.done @!p0 $0x0  }
0x36b: {  	[sflag:s0] =	ssyncadd.s32 @!p0 s1  }
0x36c: {  	[bflag:$0x3] =	sbarrier.arrive $0xFFFF  }
0x36d: {  	_ =	shalt  }

</sc_bundles>
